<compile_context>
chip_gen: v7x
topology: tpu7x:2x2x1
jax: 0.10.2.dev20260603
libtpu: 0.0.44.dev20260713+nightly
codegen_flags: <defaults>
</compile_context>

<pallas_src>
import functools
import math

import jax
import jax.numpy as jnp
from jax import lax
from jax.experimental import pallas as pl
from jax.experimental.pallas import tpu as pltpu
from jax.experimental.pallas import tpu_sc as plsc

_N = 5000
_C = 81
_CF = _C - 1
_IMW = 1216.0
_IMH = 800.0
_T = 0.05
_NMS_T = 0.5
_TOPN = 300
_DET = 100
_CLIP = math.log(1000.0 / 16)

_PADK = 304
_CPK = 512
_CROW = 5520
_PADN = 5520


def _prep_kernel(logits_ref, rel_ref, prop_ref, scores_ref, boxes_ref,
                 posmap_ref):
    lg = logits_ref[...]
    m = jnp.max(lg, axis=0, keepdims=True)
    e = jnp.exp(lg - m)
    scores = e / jnp.sum(e, axis=0, keepdims=True)
    scores_ref[...] = scores

    prop = prop_ref[...]
    px1 = prop[0:1, :]
    py1 = prop[1:2, :]
    px2 = prop[2:3, :]
    py2 = prop[3:4, :]
    w = px2 - px1 + 1.0
    h = py2 - py1 + 1.0
    cx = px1 + 0.5 * w
    cy = py1 + 0.5 * h

    rel = rel_ref[...]
    dx = rel[0] / 10.0
    dy = rel[1] / 10.0
    dw = jnp.minimum(rel[2] / 5.0, _CLIP)
    dh = jnp.minimum(rel[3] / 5.0, _CLIP)
    pcx = dx * w + cx
    pcy = dy * h + cy
    pw = jnp.exp(dw) * w
    ph = jnp.exp(dh) * h
    boxes_ref[0, :, :] = jnp.clip(pcx - 0.5 * pw, 0.0, _IMW - 1)
    boxes_ref[1, :, :] = jnp.clip(pcy - 0.5 * ph, 0.0, _IMH - 1)
    boxes_ref[2, :, :] = jnp.clip(pcx + 0.5 * pw - 1.0, 0.0, _IMW - 1)
    boxes_ref[3, :, :] = jnp.clip(pcy + 0.5 * ph - 1.0, 0.0, _IMH - 1)

    sfg = scores[1:, :]

    def bbody(_, lohi):
        lo, hi = lohi
        mid = 0.5 * (lo + hi)
        cnt = jnp.sum(jnp.where(sfg > mid, 1.0, 0.0), axis=1, keepdims=True)
        big = cnt >= float(_TOPN)
        return (jnp.where(big, mid, lo), jnp.where(big, hi, mid))

    lo0 = jnp.full((_CF, 1), _T, jnp.float32)
    hi0 = jnp.full((_CF, 1), 1.0, jnp.float32)
    lo, _ = lax.fori_loop(0, 30, bbody, (lo0, hi0))

    sel = sfg > lo
    x = jnp.where(sel, 1, 0).astype(jnp.int32)
    inc = x
    sh = 1
    while sh < _N:
        inc = inc + jnp.concatenate(
            [jnp.zeros((_CF, sh), jnp.int32), inc[:, :-sh]], axis=1
        )
        sh *= 2
    pos = inc - x
    lane = lax.broadcasted_iota(jnp.int32, (_CF, _N), 1)
    ci = lax.broadcasted_iota(jnp.int32, (_CF, 1), 0)
    roff = (((ci % 32) // 2) * 3 + ci // 32) * _CROW
    posmap_ref[...] = jnp.where(sel, pos, _CPK + lane) + roff


def _sc_compact_body(scores_hbm, posmap_hbm, s_out, n_out,
                     srow_v, prow_v, iota_v, cinit_v, ninit_v, obf_v, obi_v,
                     s_sh, n_sh):
    wid = lax.axis_index("s") * 2 + lax.axis_index("c")
    sub = lax.axis_index("s")

    def ibody(i, carry):
        iota_v[pl.ds(i * 16, 16)] = lax.iota(jnp.int32, 16) + i * 16
        return carry

    lax.fori_loop(0, 5008 // 16, ibody, 0)

    def cbody(i, carry):
        cinit_v[pl.ds(i * 16, 16)] = jnp.full((16,), -jnp.inf, jnp.float32)
        ninit_v[pl.ds(i * 16, 16)] = lax.iota(jnp.int32, 16) + (_N + i * 16)
        return carry

    lax.fori_loop(0, _CPK // 16, cbody, 0)

    for t in range(3):
        cls = wid + t * 32
        row = sub * 3 + t

        @pl.when(cls < _CF)
        def _():
            pltpu.sync_copy(scores_hbm.at[pl.ds((cls + 1) * _N, _N)], srow_v)
            pltpu.sync_copy(posmap_hbm.at[pl.ds(cls * _N, _N)], prow_v)
            pltpu.sync_copy(cinit_v, s_sh.at[pl.ds(row * _CROW, _CPK)])
            pltpu.sync_copy(ninit_v, n_sh.at[pl.ds(row * _CROW, _CPK)])
            pltpu.sync_copy(srow_v, s_sh.at[prow_v])
            pltpu.sync_copy(iota_v.at[pl.ds(0, _N)], n_sh.at[prow_v])
            pltpu.sync_copy(s_sh.at[pl.ds(row * _CROW, _CPK)], obf_v)
            pltpu.sync_copy(obf_v, s_out.at[pl.ds(cls * _CPK, _CPK)])
            pltpu.sync_copy(n_sh.at[pl.ds(row * _CROW, _CPK)], obi_v)
            pltpu.sync_copy(obi_v, n_out.at[pl.ds(cls * _CPK, _CPK)])


@functools.cache
def _get_sc_compact():
    return functools.partial(
        pl.kernel,
        mesh=plsc.VectorSubcoreMesh(core_axis_name="c", subcore_axis_name="s"),
        out_type=(
            jax.ShapeDtypeStruct((_CF * _CPK,), jnp.float32),
            jax.ShapeDtypeStruct((_CF * _CPK,), jnp.int32),
        ),
        scratch_types=[
            pltpu.VMEM((_N,), jnp.float32),
            pltpu.VMEM((_N,), jnp.int32),
            pltpu.VMEM((5008,), jnp.int32),
            pltpu.VMEM((_CPK,), jnp.float32),
            pltpu.VMEM((_CPK,), jnp.int32),
            pltpu.VMEM((_CPK,), jnp.float32),
            pltpu.VMEM((_CPK,), jnp.int32),
            pltpu.VMEM_SHARED((48 * _CROW,), jnp.float32),
            pltpu.VMEM_SHARED((48 * _CROW,), jnp.int32),
        ],
    )(_sc_compact_body)


def _nms_kernel(vals_ref, boxes_ref, keep_ref, areas_ref):
    x1 = boxes_ref[0]
    y1 = boxes_ref[1]
    x2 = boxes_ref[2]
    y2 = boxes_ref[3]
    areas = jnp.maximum(x2 - x1, 0.0) * jnp.maximum(y2 - y1, 0.0)
    areas_ref[...] = areas
    rowid = lax.broadcasted_iota(jnp.int32, (_TOPN, _CF), 0)
    keep_ref[...] = jnp.ones((_TOPN, _CF), jnp.float32)

    def body(i, carry):
        cx1 = boxes_ref[0, pl.ds(i, 1), :]
        cy1 = boxes_ref[1, pl.ds(i, 1), :]
        cx2 = boxes_ref[2, pl.ds(i, 1), :]
        cy2 = boxes_ref[3, pl.ds(i, 1), :]
        ca = areas_ref[pl.ds(i, 1), :]
        cur = keep_ref[pl.ds(i, 1), :]
        keep = keep_ref[...]
        xx1 = jnp.maximum(x1, cx1)
        yy1 = jnp.maximum(y1, cy1)
        xx2 = jnp.minimum(x2, cx2)
        yy2 = jnp.minimum(y2, cy2)
        inter = jnp.maximum(xx2 - xx1, 0.0) * jnp.maximum(yy2 - yy1, 0.0)
        iou = inter / (areas + ca - inter + 1e-9)
        sup = (iou > _NMS_T) & (rowid > i) & (cur > 0.0)
        keep_ref[...] = jnp.where(sup, 0.0, keep)
        return carry

    lax.fori_loop(0, _TOPN, body, 0)
    keep_ref[...] = jnp.where(vals_ref[...] > _T, keep_ref[...], 0.0)


def _final_kernel(dist_ref, spre_ref, lpre_ref):
    d = dist_ref[...]
    m = jnp.maximum(jnp.max(d, axis=0, keepdims=True), 0.0)
    ci = lax.broadcasted_iota(jnp.int32, (_CF, _N), 0) + 1
    lab = jnp.min(jnp.where(d == m, ci, _C), axis=0, keepdims=True)
    lab = jnp.where(m > 0.0, lab, 0)
    spre_ref[...] = m
    lpre_ref[...] = lab


def _sc_scatter_body(
    vals_hbm, idx_hbm, out_hbm, row_v, v_v, i_v, out_v, shared
):
    wid = lax.axis_index("s") * 2 + lax.axis_index("c")
    sub = lax.axis_index("s")
    zero16 = jnp.zeros((16,), jnp.float32)

    def zbody(i, carry):
        row_v[pl.ds(i * 16, 16)] = zero16
        return carry

    lax.fori_loop(0, _PADN // 16, zbody, 0)

    for t in range(3):
        cls = wid + t * 32
        row = sub * 3 + t

        @pl.when(cls < _CF)
        def _():
            pltpu.sync_copy(vals_hbm.at[pl.ds(cls * _PADK, _PADK)], v_v)
            pltpu.sync_copy(idx_hbm.at[pl.ds(cls * _PADK, _PADK)], i_v)
            pltpu.sync_copy(row_v, shared.at[pl.ds(row * _PADN, _PADN)])
            pltpu.sync_copy(v_v, shared.at[i_v])
            pltpu.sync_copy(shared.at[pl.ds(row * _PADN, _PADN)], out_v)
            pltpu.sync_copy(
                out_v.at[pl.ds(0, _N)], out_hbm.at[pl.ds(cls * _N, _N)]
            )


@functools.cache
def _get_sc_scatter():
    return functools.partial(
        pl.kernel,
        mesh=plsc.VectorSubcoreMesh(core_axis_name="c", subcore_axis_name="s"),
        out_type=jax.ShapeDtypeStruct((_CF * _N,), jnp.float32),
        scratch_types=[
            pltpu.VMEM((_PADN,), jnp.float32),
            pltpu.VMEM((_PADK,), jnp.float32),
            pltpu.VMEM((_PADK,), jnp.int32),
            pltpu.VMEM((_PADN,), jnp.float32),
            pltpu.VMEM_SHARED((48 * _PADN,), jnp.float32),
        ],
    )(_sc_scatter_body)


def kernel(features, class_logits, box_regression, proposal_boxes):
    logits_t = class_logits.T
    rel_t = box_regression.reshape(_N, _C, 4).transpose(2, 1, 0)
    prop_t = proposal_boxes.T

    scores_t, boxes_t, posmap = pl.pallas_call(
        _prep_kernel,
        out_shape=(
            jax.ShapeDtypeStruct((_C, _N), jnp.float32),
            jax.ShapeDtypeStruct((4, _C, _N), jnp.float32),
            jax.ShapeDtypeStruct((_CF, _N), jnp.int32),
        ),
    )(logits_t, rel_t, prop_t)

    s_cand, n_cand = _get_sc_compact()(
        scores_t.reshape(-1), posmap.reshape(-1)
    )
    s2 = s_cand.reshape(_CF, _CPK)
    n2 = n_cand.reshape(_CF, _CPK)
    vals, idx5 = lax.top_k(s2, _TOPN)
    nidx = jnp.take_along_axis(n2, idx5, axis=1)
    bsel = jnp.take_along_axis(
        boxes_t[:, 1:, :], jnp.clip(nidx, 0, _N - 1)[None, :, :], axis=2
    )

    keep_t = pl.pallas_call(
        _nms_kernel,
        out_shape=jax.ShapeDtypeStruct((_TOPN, _CF), jnp.float32),
        scratch_shapes=[pltpu.VMEM((_TOPN, _CF), jnp.float32)],
    )(vals.T, bsel.transpose(0, 2, 1))

    kv = jnp.where(keep_t > 0.0, vals.T, 0.0).T
    kv_pad = jnp.pad(kv, ((0, 0), (0, _PADK - _TOPN)))
    sink = jnp.broadcast_to(
        _N + _CPK + jnp.arange(_PADK - _TOPN, dtype=jnp.int32),
        (_CF, _PADK - _TOPN),
    )
    idx_pad = jnp.concatenate([nidx, sink], axis=1)
    c_ar = jnp.arange(_CF, dtype=jnp.int32)[:, None]
    sprow = ((c_ar % 32) // 2) * 3 + (c_ar // 32)
    idx_flat = idx_pad + sprow * _PADN
    dist_fg = _get_sc_scatter()(
        kv_pad.reshape(-1), idx_flat.reshape(-1)
    ).reshape(_CF, _N)

    spre, lpre = pl.pallas_call(
        _final_kernel,
        out_shape=(
            jax.ShapeDtypeStruct((1, _N), jnp.float32),
            jax.ShapeDtypeStruct((1, _N), jnp.int32),
        ),
    )(dist_fg)

    final_scores, final_idx = lax.top_k(spre[0], _DET)
    final_labels = lpre[0][final_idx]
    final_boxes = boxes_t[:, final_labels, final_idx].T
    nms_features = features[final_idx]
    return (nms_features, final_boxes, final_scores, final_labels)

# --- scband reference (transcript-rebuilt; emitter-appended) ---
"""Pipeline reference for scband-post-processor-36910948942013 (READ-ONLY COPY).

The authoritative reference and input builder live on the scoring server;
editing this copy changes nothing except your own understanding.
"""

import math
import jax, jax.numpy as jnp
import numpy as np

N = 5000
C = 81
D = 1024
IMW = 1216
IMH = 800
SCORE_THRESH = 0.05
NMS_THRESH = 0.5
PER_CLS_TOPN = 300
DET_PER_IMG = 100
BBOX_XFORM_CLIP = math.log(1000.0 / 16)
WEIGHTS = (10.0, 10.0, 5.0, 5.0)


def setup_inputs(seed: int = 0) -> dict:
    key = jax.random.key(seed)
    k1, k2, k3, k4 = jax.random.split(key, 4)
    features = jax.random.normal(k1, (N, D), jnp.float32)
    class_logits = jax.random.normal(k2, (N, C), jnp.float32) * 2.0
    box_regression = jax.random.normal(k3, (N, C * 4), jnp.float32) * 0.5
    u = jax.random.uniform(k4, (N, 4), jnp.float32)
    x1 = u[:, 0] * (IMW - 64)
    y1 = u[:, 1] * (IMH - 64)
    w = u[:, 2] * 256 + 16
    h = u[:, 3] * 256 + 16
    x2 = jnp.minimum(x1 + w, IMW - 1)
    y2 = jnp.minimum(y1 + h, IMH - 1)
    proposal_boxes = jnp.stack([x1, y1, x2, y2], axis=1)
    return {
        "features": features,
        "class_logits": class_logits,
        "box_regression": box_regression,
        "proposal_boxes": proposal_boxes,
    }


def box_decode(rel, boxes):
    wx, wy, ww, wh = WEIGHTS
    widths = boxes[:, 2] - boxes[:, 0] + 1.0
    heights = boxes[:, 3] - boxes[:, 1] + 1.0
    ctr_x = boxes[:, 0] + 0.5 * widths
    ctr_y = boxes[:, 1] + 0.5 * heights
    dx = rel[:, 0::4] / wx
    dy = rel[:, 1::4] / wy
    dw = jnp.minimum(rel[:, 2::4] / ww, BBOX_XFORM_CLIP)
    dh = jnp.minimum(rel[:, 3::4] / wh, BBOX_XFORM_CLIP)
    pred_ctr_x = dx * widths[:, None] + ctr_x[:, None]
    pred_ctr_y = dy * heights[:, None] + ctr_y[:, None]
    pred_w = jnp.exp(dw) * widths[:, None]
    pred_h = jnp.exp(dh) * heights[:, None]
    x1 = pred_ctr_x - 0.5 * pred_w
    y1 = pred_ctr_y - 0.5 * pred_h
    x2 = pred_ctr_x + 0.5 * pred_w - 1.0
    y2 = pred_ctr_y + 0.5 * pred_h - 1.0
    return jnp.stack([x1, y1, x2, y2], axis=2)  # [N, C, 4]


def nms_keep(boxes, scores, thresh):
    # boxes [K,4] sorted by score descending; returns bool keep mask [K]
    x1, y1, x2, y2 = boxes[:, 0], boxes[:, 1], boxes[:, 2], boxes[:, 3]
    areas = jnp.maximum(x2 - x1, 0.0) * jnp.maximum(y2 - y1, 0.0)
    xx1 = jnp.maximum(x1[:, None], x1[None, :])
    yy1 = jnp.maximum(y1[:, None], y1[None, :])
    xx2 = jnp.minimum(x2[:, None], x2[None, :])
    yy2 = jnp.minimum(y2[:, None], y2[None, :])
    inter = jnp.maximum(xx2 - xx1, 0.0) * jnp.maximum(yy2 - yy1, 0.0)
    iou = inter / (areas[:, None] + areas[None, :] - inter + 1e-9)
    K = boxes.shape[0]
    idxs = jnp.arange(K)

    def body(i, keep):
        cur = keep[i]
        sup = (iou[i] > thresh) & (idxs > i) & cur
        return keep & (~sup)

    return jax.lax.fori_loop(0, K, body, jnp.ones((K,), bool))


def reference(features, class_logits, box_regression, proposal_boxes):
    scores = jax.nn.softmax(class_logits, axis=-1)  # [N, C]
    boxes_per_cls = box_decode(box_regression, proposal_boxes)  # [N, C, 4]
    # clip_to_image
    bx1 = jnp.clip(boxes_per_cls[..., 0], 0.0, IMW - 1)
    by1 = jnp.clip(boxes_per_cls[..., 1], 0.0, IMH - 1)
    bx2 = jnp.clip(boxes_per_cls[..., 2], 0.0, IMW - 1)
    by2 = jnp.clip(boxes_per_cls[..., 3], 0.0, IMH - 1)
    boxes_per_cls = jnp.stack([bx1, by1, bx2, by2], axis=-1)

    def per_class(s, b):  # s [N], b [N,4]
        masked = jnp.where(s > SCORE_THRESH, s, -jnp.inf)
        vals, idx = jax.lax.top_k(masked, PER_CLS_TOPN)
        bsel = b[idx]
        keep = nms_keep(jax.lax.stop_gradient(bsel), jax.lax.stop_gradient(vals), NMS_THRESH)
        keep = keep & (vals > SCORE_THRESH)
        return jnp.zeros((s.shape[0],), bool).at[idx].set(keep)

    masks = jax.vmap(per_class)(scores.T[1:], jnp.transpose(boxes_per_cls, (1, 0, 2))[1:])  # [C-1, N]
    inds_all = jnp.concatenate([jnp.zeros((1, scores.shape[0]), bool), masks], axis=0).T  # [N, C]
    dist_scores = scores * inds_all.astype(scores.dtype)
    scores_pre = jnp.max(dist_scores, axis=1)
    labels_pre = jnp.argmax(dist_scores, axis=1)
    final_scores, final_idx = jax.lax.top_k(scores_pre, DET_PER_IMG)
    final_labels = labels_pre[final_idx]
    final_boxes = boxes_per_cls[final_idx, final_labels]
    nms_features = features[final_idx]
    return (nms_features, final_boxes, final_scores, final_labels)

if __name__ == "__main__":
    import jax
    _d = setup_inputs()
    print(jax.jit(kernel)(*tuple(_d.values())))

</pallas_src>

<mosaic_0001>
#map = affine_map<(d0, d1) -> (0)>
module attributes {stable_mosaic.version = 14 : i64} {
  func.func @_sc_compact_body(%arg0: i32, %arg1: i32, %arg2: memref<405000xf32, #tpu.memory_space<hbm>>, %arg3: memref<400000xi32, #tpu.memory_space<hbm>>, %arg4: memref<40960xf32, #tpu.memory_space<hbm>>, %arg5: memref<40960xi32, #tpu.memory_space<hbm>>, %arg6: memref<5000xf32, #tpu.memory_space<vmem>>, %arg7: memref<5000xi32, #tpu.memory_space<vmem>>, %arg8: memref<5008xi32, #tpu.memory_space<vmem>>, %arg9: memref<512xf32, #tpu.memory_space<vmem>>, %arg10: memref<512xi32, #tpu.memory_space<vmem>>, %arg11: memref<512xf32, #tpu.memory_space<vmem>>, %arg12: memref<512xi32, #tpu.memory_space<vmem>>, %arg13: memref<264960xf32, #tpu.memory_space<vmem_shared>>, %arg14: memref<264960xi32, #tpu.memory_space<vmem_shared>>) attributes {dimension_semantics = [#tpu.dimension_semantics<core_parallel>, #tpu.dimension_semantics<subcore_parallel>], iteration_bounds = array<i64: 2, 16>, scalar_prefetch = 0 : i64, scratch_operands = 9 : i64, tpu.core_type = #tpu.core_type<sc_vector_subcore>, window_params = [{transform_indices = #map}, {transform_indices = #map}, {transform_indices = #map}, {transform_indices = #map}]} {
    %mul3A = arith.constant 2 : i32
    %mul3A_0 = arith.muli %arg1, %mul3A : i32
    %add3A = arith.addi %mul3A_0, %arg0 : i32
    %scan3A = arith.constant 0 : i32
    %scan3A_1 = arith.constant 0 : i32
    %scan3A_2 = arith.constant 313 : i32
    %scan3A_3 = arith.addi %scan3A_1, %scan3A_2 : i32
    %scan3A_4 = arith.constant 1 : i32
    scf.for %scan3A_42 = %scan3A_1 to %scan3A_3 step %scan3A_4  : i32 {
      %iota3A = tpu.iota {dimensions = array<i32: 0>} : vector<16xi32>
      %mul3A_43 = arith.constant 16 : i32
      %mul3A_44 = arith.muli %scan3A_42, %mul3A_43 : i32
      %add3A_45 = vector.broadcast %mul3A_44 : i32 to vector<16xi32>
      %add3A_46 = arith.addi %iota3A, %add3A_45 : vector<16xi32>
      %mul3A_47 = arith.constant 16 : i32
      %mul3A_48 = arith.muli %scan3A_42, %mul3A_47 : i32
      %swap3A = arith.index_cast %mul3A_48 : i32 to index
      %swap3A_49 = tpu.vector_load %arg8[%swap3A] {strides = array<i32>} : memref<5008xi32, #tpu.memory_space<vmem>>, vector<16xi32>,
      %swap3A_50 = vector.shape_cast %swap3A_49 : vector<16xi32> to vector<16xi32>
      %swap3A_51 = vector.shape_cast %add3A_46 : vector<16xi32> to vector<16xi32>
      tpu.vector_store %arg8[%swap3A], %swap3A_51 {strides = array<i32>} : memref<5008xi32, #tpu.memory_space<vmem>>, vector<16xi32>,
    }
    %scan3A_5 = arith.constant 313 : i32
    %scan3A_6 = arith.constant 0 : i32
    %scan3A_7 = arith.constant 0 : i32
    %scan3A_8 = arith.constant 32 : i32
    %scan3A_9 = arith.addi %scan3A_7, %scan3A_8 : i32
    %scan3A_10 = arith.constant 1 : i32
    scf.for %scan3A_42 = %scan3A_7 to %scan3A_9 step %scan3A_10  : i32 {
      %broadcast_in_dim3A = arith.constant 0xFF800000 : f32
      %broadcast_in_dim3A_43 = vector.broadcast %broadcast_in_dim3A : f32 to vector<16xf32>
      %mul3A_44 = arith.constant 16 : i32
      %mul3A_45 = arith.muli %scan3A_42, %mul3A_44 : i32
      %swap3A = arith.index_cast %mul3A_45 : i32 to index
      %swap3A_46 = tpu.vector_load %arg9[%swap3A] {strides = array<i32>} : memref<512xf32, #tpu.memory_space<vmem>>, vector<16xf32>,
      %swap3A_47 = vector.shape_cast %swap3A_46 : vector<16xf32> to vector<16xf32>
      %swap3A_48 = vector.shape_cast %broadcast_in_dim3A_43 : vector<16xf32> to vector<16xf32>
      tpu.vector_store %arg9[%swap3A], %swap3A_48 {strides = array<i32>} : memref<512xf32, #tpu.memory_space<vmem>>, vector<16xf32>,
      %iota3A = tpu.iota {dimensions = array<i32: 0>} : vector<16xi32>
      %mul3A_49 = arith.constant 16 : i32
      %mul3A_50 = arith.muli %scan3A_42, %mul3A_49 : i32
      %add3A_51 = arith.constant 5000 : i32
      %add3A_52 = arith.addi %add3A_51, %mul3A_50 : i32
      %add3A_53 = vector.broadcast %add3A_52 : i32 to vector<16xi32>
      %add3A_54 = arith.addi %iota3A, %add3A_53 : vector<16xi32>
      %mul3A_55 = arith.constant 16 : i32
      %mul3A_56 = arith.muli %scan3A_42, %mul3A_55 : i32
      %swap3A_57 = arith.index_cast %mul3A_56 : i32 to index
      %swap3A_58 = tpu.vector_load %arg10[%swap3A_57] {strides = array<i32>} : memref<512xi32, #tpu.memory_space<vmem>>, vector<16xi32>,
      %swap3A_59 = vector.shape_cast %swap3A_58 : vector<16xi32> to vector<16xi32>
      %swap3A_60 = vector.shape_cast %add3A_54 : vector<16xi32> to vector<16xi32>
      tpu.vector_store %arg10[%swap3A_57], %swap3A_60 {strides = array<i32>} : memref<512xi32, #tpu.memory_space<vmem>>, vector<16xi32>,
    }
    %scan3A_11 = arith.constant 32 : i32
    %add3A_12 = arith.constant 0 : i32
    %add3A_13 = arith.addi %add3A, %add3A_12 : i32
    %mul3A_14 = arith.constant 3 : i32
    %mul3A_15 = arith.muli %arg1, %mul3A_14 : i32
    %add3A_16 = arith.constant 0 : i32
    %add3A_17 = arith.addi %mul3A_15, %add3A_16 : i32
    %lt3A = arith.constant 80 : i32
    %lt3A_18 = arith.cmpi slt, %add3A_13, %lt3A : i32
    %convert_element_type3A = arith.extui %lt3A_18 : i1 to i32
    %cond3A = arith.constant 0 : i32
    %cond3A_19 = arith.cmpi ne, %convert_element_type3A, %cond3A : i32
    scf.if %cond3A_19 {
      %add3A_42 = arith.constant 1 : i32
      %add3A_43 = arith.addi %add3A_13, %add3A_42 : i32
      %mul3A_44 = arith.constant 5000 : i32
      %mul3A_45 = arith.muli %add3A_43, %mul3A_44 : i32
      "tpu.region"() ({
        %run_scoped3A = tpu.sem_alloc : memref<!tpu.dma_semaphore, #tpu.memory_space<semaphore_mem>>
        %dma_start3A = tpu.memref_slice %arg2[%mul3A_45] : memref<405000xf32, #tpu.memory_space<hbm>> -> memref<5000xf32, #tpu.memory_space<hbm>>
        %dma_start3A_60 = tpu.memref_slice %arg2[%mul3A_45] : memref<405000xf32, #tpu.memory_space<hbm>> -> memref<5000xf32, #tpu.memory_space<hbm>>
        tpu.enqueue_dma source(%dma_start3A_60 : memref<5000xf32, #tpu.memory_space<hbm>>) target(%arg6 : memref<5000xf32, #tpu.memory_space<vmem>>) target_semaphore(%run_scoped3A : memref<!tpu.dma_semaphore, #tpu.memory_space<semaphore_mem>>)
        %dma_wait3A = tpu.memref_slice %arg2[%mul3A_45] : memref<405000xf32, #tpu.memory_space<hbm>> -> memref<5000xf32, #tpu.memory_space<hbm>>
        %dma_wait3A_61 = tpu.memref_slice %arg2[%mul3A_45] : memref<405000xf32, #tpu.memory_space<hbm>> -> memref<5000xf32, #tpu.memory_space<hbm>>
        tpu.wait_dma2 semaphore(%run_scoped3A : memref<!tpu.dma_semaphore, #tpu.memory_space<semaphore_mem>>) src(%dma_wait3A_61 : memref<5000xf32, #tpu.memory_space<hbm>>) dst(%arg6 : memref<5000xf32, #tpu.memory_space<vmem>>)
        tpu.yield
      }) : () -> ()
      %mul3A_46 = arith.constant 5000 : i32
      %mul3A_47 = arith.muli %add3A_13, %mul3A_46 : i32
      "tpu.region"() ({
        %run_scoped3A = tpu.sem_alloc : memref<!tpu.dma_semaphore, #tpu.memory_space<semaphore_mem>>
        %dma_start3A = tpu.memref_slice %arg3[%mul3A_47] : memref<400000xi32, #tpu.memory_space<hbm>> -> memref<5000xi32, #tpu.memory_space<hbm>>
        %dma_start3A_60 = tpu.memref_slice %arg3[%mul3A_47] : memref<400000xi32, #tpu.memory_space<hbm>> -> memref<5000xi32, #tpu.memory_space<hbm>>
        tpu.enqueue_dma source(%dma_start3A_60 : memref<5000xi32, #tpu.memory_space<hbm>>) target(%arg7 : memref<5000xi32, #tpu.memory_space<vmem>>) target_semaphore(%run_scoped3A : memref<!tpu.dma_semaphore, #tpu.memory_space<semaphore_mem>>)
        %dma_wait3A = tpu.memref_slice %arg3[%mul3A_47] : memref<400000xi32, #tpu.memory_space<hbm>> -> memref<5000xi32, #tpu.memory_space<hbm>>
        %dma_wait3A_61 = tpu.memref_slice %arg3[%mul3A_47] : memref<400000xi32, #tpu.memory_space<hbm>> -> memref<5000xi32, #tpu.memory_space<hbm>>
        tpu.wait_dma2 semaphore(%run_scoped3A : memref<!tpu.dma_semaphore, #tpu.memory_space<semaphore_mem>>) src(%dma_wait3A_61 : memref<5000xi32, #tpu.memory_space<hbm>>) dst(%arg7 : memref<5000xi32, #tpu.memory_space<vmem>>)
        tpu.yield
      }) : () -> ()
      %mul3A_48 = arith.constant 5520 : i32
      %mul3A_49 = arith.muli %add3A_17, %mul3A_48 : i32
      "tpu.region"() ({
        %run_scoped3A = tpu.sem_alloc : memref<!tpu.dma_semaphore, #tpu.memory_space<semaphore_mem>>
        %dma_start3A = tpu.memref_slice %arg13[%mul3A_49] : memref<264960xf32, #tpu.memory_space<vmem_shared>> -> memref<512xf32, #tpu.memory_space<vmem_shared>>
        %dma_start3A_60 = tpu.memref_slice %arg13[%mul3A_49] : memref<264960xf32, #tpu.memory_space<vmem_shared>> -> memref<512xf32, #tpu.memory_space<vmem_shared>>
        tpu.enqueue_dma source(%arg9 : memref<512xf32, #tpu.memory_space<vmem>>) target(%dma_start3A_60 : memref<512xf32, #tpu.memory_space<vmem_shared>>) target_semaphore(%run_scoped3A : memref<!tpu.dma_semaphore, #tpu.memory_space<semaphore_mem>>)
        %dma_wait3A = tpu.memref_slice %arg13[%mul3A_49] : memref<264960xf32, #tpu.memory_space<vmem_shared>> -> memref<512xf32, #tpu.memory_space<vmem_shared>>
        %dma_wait3A_61 = tpu.memref_slice %arg13[%mul3A_49] : memref<264960xf32, #tpu.memory_space<vmem_shared>> -> memref<512xf32, #tpu.memory_space<vmem_shared>>
        tpu.wait_dma2 semaphore(%run_scoped3A : memref<!tpu.dma_semaphore, #tpu.memory_space<semaphore_mem>>) src(%arg9 : memref<512xf32, #tpu.memory_space<vmem>>) dst(%dma_wait3A_61 : memref<512xf32, #tpu.memory_space<vmem_shared>>)
        tpu.yield
      }) : () -> ()
      %mul3A_50 = arith.constant 5520 : i32
      %mul3A_51 = arith.muli %add3A_17, %mul3A_50 : i32
      "tpu.region"() ({
        %run_scoped3A = tpu.sem_alloc : memref<!tpu.dma_semaphore, #tpu.memory_space<semaphore_mem>>
        %dma_start3A = tpu.memref_slice %arg14[%mul3A_51] : memref<264960xi32, #tpu.memory_space<vmem_shared>> -> memref<512xi32, #tpu.memory_space<vmem_shared>>
        %dma_start3A_60 = tpu.memref_slice %arg14[%mul3A_51] : memref<264960xi32, #tpu.memory_space<vmem_shared>> -> memref<512xi32, #tpu.memory_space<vmem_shared>>
        tpu.enqueue_dma source(%arg10 : memref<512xi32, #tpu.memory_space<vmem>>) target(%dma_start3A_60 : memref<512xi32, #tpu.memory_space<vmem_shared>>) target_semaphore(%run_scoped3A : memref<!tpu.dma_semaphore, #tpu.memory_space<semaphore_mem>>)
        %dma_wait3A = tpu.memref_slice %arg14[%mul3A_51] : memref<264960xi32, #tpu.memory_space<vmem_shared>> -> memref<512xi32, #tpu.memory_space<vmem_shared>>
        %dma_wait3A_61 = tpu.memref_slice %arg14[%mul3A_51] : memref<264960xi32, #tpu.memory_space<vmem_shared>> -> memref<512xi32, #tpu.memory_space<vmem_shared>>
        tpu.wait_dma2 semaphore(%run_scoped3A : memref<!tpu.dma_semaphore, #tpu.memory_space<semaphore_mem>>) src(%arg10 : memref<512xi32, #tpu.memory_space<vmem>>) dst(%dma_wait3A_61 : memref<512xi32, #tpu.memory_space<vmem_shared>>)
        tpu.yield
      }) : () -> ()
      "tpu.region"() ({
        %run_scoped3A = tpu.sem_alloc : memref<!tpu.dma_semaphore, #tpu.memory_space<semaphore_mem>>
        %dma_start3A = arith.constant 0 : i32
        %dma_start3A_60 = tpu.memref_slice %arg13[%dma_start3A] : memref<264960xf32, #tpu.memory_space<vmem_shared>> -> memref<264960xf32, #tpu.memory_space<vmem_shared>>
        tpu.enqueue_indirect_dma source(%arg6 : memref<5000xf32, #tpu.memory_space<vmem>>) target(%dma_start3A_60 : memref<264960xf32, #tpu.memory_space<vmem_shared>>) offsets(%arg7 : memref<5000xi32, #tpu.memory_space<vmem>>) semaphore(%run_scoped3A : memref<!tpu.dma_semaphore, #tpu.memory_space<semaphore_mem>>)
        %dma_wait3A = arith.constant 0 : i32
        %dma_wait3A_61 = tpu.memref_slice %arg13[%dma_wait3A] : memref<264960xf32, #tpu.memory_space<vmem_shared>> -> memref<264960xf32, #tpu.memory_space<vmem_shared>>
        tpu.wait_indirect_dma semaphore(%run_scoped3A : memref<!tpu.dma_semaphore, #tpu.memory_space<semaphore_mem>>) src(%arg6 : memref<5000xf32, #tpu.memory_space<vmem>>) dst(%dma_wait3A_61 : memref<264960xf32, #tpu.memory_space<vmem_shared>>)
        tpu.yield
      }) : () -> ()
      "tpu.region"() ({
        %run_scoped3A = tpu.sem_alloc : memref<!tpu.dma_semaphore, #tpu.memory_space<semaphore_mem>>
        %dma_start3A = arith.constant 0 : i32
        %dma_start3A_60 = tpu.memref_slice %arg8[%dma_start3A] : memref<5008xi32, #tpu.memory_space<vmem>> -> memref<5000xi32, #tpu.memory_space<vmem>>
        %dma_start3A_61 = arith.constant 0 : i32
        %dma_start3A_62 = tpu.memref_slice %arg14[%dma_start3A_61] : memref<264960xi32, #tpu.memory_space<vmem_shared>> -> memref<264960xi32, #tpu.memory_space<vmem_shared>>
        tpu.enqueue_indirect_dma source(%dma_start3A_60 : memref<5000xi32, #tpu.memory_space<vmem>>) target(%dma_start3A_62 : memref<264960xi32, #tpu.memory_space<vmem_shared>>) offsets(%arg7 : memref<5000xi32, #tpu.memory_space<vmem>>) semaphore(%run_scoped3A : memref<!tpu.dma_semaphore, #tpu.memory_space<semaphore_mem>>)
        %dma_wait3A = arith.constant 0 : i32
        %dma_wait3A_63 = tpu.memref_slice %arg8[%dma_wait3A] : memref<5008xi32, #tpu.memory_space<vmem>> -> memref<5000xi32, #tpu.memory_space<vmem>>
        %dma_wait3A_64 = arith.constant 0 : i32
        %dma_wait3A_65 = tpu.memref_slice %arg14[%dma_wait3A_64] : memref<264960xi32, #tpu.memory_space<vmem_shared>> -> memref<264960xi32, #tpu.memory_space<vmem_shared>>
        tpu.wait_indirect_dma semaphore(%run_scoped3A : memref<!tpu.dma_semaphore, #tpu.memory_space<semaphore_mem>>) src(%dma_wait3A_63 : memref<5000xi32, #tpu.memory_space<vmem>>) dst(%dma_wait3A_65 : memref<264960xi32, #tpu.memory_space<vmem_shared>>)
        tpu.yield
      }) : () -> ()
      %mul3A_52 = arith.constant 5520 : i32
      %mul3A_53 = arith.muli %add3A_17, %mul3A_52 : i32
      "tpu.region"() ({
        %run_scoped3A = tpu.sem_alloc : memref<!tpu.dma_semaphore, #tpu.memory_space<semaphore_mem>>
        %dma_start3A = tpu.memref_slice %arg13[%mul3A_53] : memref<264960xf32, #tpu.memory_space<vmem_shared>> -> memref<512xf32, #tpu.memory_space<vmem_shared>>
        %dma_start3A_60 = tpu.memref_slice %arg13[%mul3A_53] : memref<264960xf32, #tpu.memory_space<vmem_shared>> -> memref<512xf32, #tpu.memory_space<vmem_shared>>
        tpu.enqueue_dma source(%dma_start3A_60 : memref<512xf32, #tpu.memory_space<vmem_shared>>) target(%arg11 : memref<512xf32, #tpu.memory_space<vmem>>) target_semaphore(%run_scoped3A : memref<!tpu.dma_semaphore, #tpu.memory_space<semaphore_mem>>)
        %dma_wait3A = tpu.memref_slice %arg13[%mul3A_53] : memref<264960xf32, #tpu.memory_space<vmem_shared>> -> memref<512xf32, #tpu.memory_space<vmem_shared>>
        %dma_wait3A_61 = tpu.memref_slice %arg13[%mul3A_53] : memref<264960xf32, #tpu.memory_space<vmem_shared>> -> memref<512xf32, #tpu.memory_space<vmem_shared>>
        tpu.wait_dma2 semaphore(%run_scoped3A : memref<!tpu.dma_semaphore, #tpu.memory_space<semaphore_mem>>) src(%dma_wait3A_61 : memref<512xf32, #tpu.memory_space<vmem_shared>>) dst(%arg11 : memref<512xf32, #tpu.memory_space<vmem>>)
        tpu.yield
      }) : () -> ()
      %mul3A_54 = arith.constant 512 : i32
      %mul3A_55 = arith.muli %add3A_13, %mul3A_54 : i32
      "tpu.region"() ({
        %run_scoped3A = tpu.sem_alloc : memref<!tpu.dma_semaphore, #tpu.memory_space<semaphore_mem>>
        %dma_start3A = tpu.memref_slice %arg4[%mul3A_55] : memref<40960xf32, #tpu.memory_space<hbm>> -> memref<512xf32, #tpu.memory_space<hbm>>
        %dma_start3A_60 = tpu.memref_slice %arg4[%mul3A_55] : memref<40960xf32, #tpu.memory_space<hbm>> -> memref<512xf32, #tpu.memory_space<hbm>>
        tpu.enqueue_dma source(%arg11 : memref<512xf32, #tpu.memory_space<vmem>>) target(%dma_start3A_60 : memref<512xf32, #tpu.memory_space<hbm>>) target_semaphore(%run_scoped3A : memref<!tpu.dma_semaphore, #tpu.memory_space<semaphore_mem>>)
        %dma_wait3A = tpu.memref_slice %arg4[%mul3A_55] : memref<40960xf32, #tpu.memory_space<hbm>> -> memref<512xf32, #tpu.memory_space<hbm>>
        %dma_wait3A_61 = tpu.memref_slice %arg4[%mul3A_55] : memref<40960xf32, #tpu.memory_space<hbm>> -> memref<512xf32, #tpu.memory_space<hbm>>
        tpu.wait_dma2 semaphore(%run_scoped3A : memref<!tpu.dma_semaphore, #tpu.memory_space<semaphore_mem>>) src(%arg11 : memref<512xf32, #tpu.memory_space<vmem>>) dst(%dma_wait3A_61 : memref<512xf32, #tpu.memory_space<hbm>>)
        tpu.yield
      }) : () -> ()
      %mul3A_56 = arith.constant 5520 : i32
      %mul3A_57 = arith.muli %add3A_17, %mul3A_56 : i32
      "tpu.region"() ({
        %run_scoped3A = tpu.sem_alloc : memref<!tpu.dma_semaphore, #tpu.memory_space<semaphore_mem>>
        %dma_start3A = tpu.memref_slice %arg14[%mul3A_57] : memref<264960xi32, #tpu.memory_space<vmem_shared>> -> memref<512xi32, #tpu.memory_space<vmem_shared>>
        %dma_start3A_60 = tpu.memref_slice %arg14[%mul3A_57] : memref<264960xi32, #tpu.memory_space<vmem_shared>> -> memref<512xi32, #tpu.memory_space<vmem_shared>>
        tpu.enqueue_dma source(%dma_start3A_60 : memref<512xi32, #tpu.memory_space<vmem_shared>>) target(%arg12 : memref<512xi32, #tpu.memory_space<vmem>>) target_semaphore(%run_scoped3A : memref<!tpu.dma_semaphore, #tpu.memory_space<semaphore_mem>>)
        %dma_wait3A = tpu.memref_slice %arg14[%mul3A_57] : memref<264960xi32, #tpu.memory_space<vmem_shared>> -> memref<512xi32, #tpu.memory_space<vmem_shared>>
        %dma_wait3A_61 = tpu.memref_slice %arg14[%mul3A_57] : memref<264960xi32, #tpu.memory_space<vmem_shared>> -> memref<512xi32, #tpu.memory_space<vmem_shared>>
        tpu.wait_dma2 semaphore(%run_scoped3A : memref<!tpu.dma_semaphore, #tpu.memory_space<semaphore_mem>>) src(%dma_wait3A_61 : memref<512xi32, #tpu.memory_space<vmem_shared>>) dst(%arg12 : memref<512xi32, #tpu.memory_space<vmem>>)
        tpu.yield
      }) : () -> ()
      %mul3A_58 = arith.constant 512 : i32
      %mul3A_59 = arith.muli %add3A_13, %mul3A_58 : i32
      "tpu.region"() ({
        %run_scoped3A = tpu.sem_alloc : memref<!tpu.dma_semaphore, #tpu.memory_space<semaphore_mem>>
        %dma_start3A = tpu.memref_slice %arg5[%mul3A_59] : memref<40960xi32, #tpu.memory_space<hbm>> -> memref<512xi32, #tpu.memory_space<hbm>>
        %dma_start3A_60 = tpu.memref_slice %arg5[%mul3A_59] : memref<40960xi32, #tpu.memory_space<hbm>> -> memref<512xi32, #tpu.memory_space<hbm>>
        tpu.enqueue_dma source(%arg12 : memref<512xi32, #tpu.memory_space<vmem>>) target(%dma_start3A_60 : memref<512xi32, #tpu.memory_space<hbm>>) target_semaphore(%run_scoped3A : memref<!tpu.dma_semaphore, #tpu.memory_space<semaphore_mem>>)
        %dma_wait3A = tpu.memref_slice %arg5[%mul3A_59] : memref<40960xi32, #tpu.memory_space<hbm>> -> memref<512xi32, #tpu.memory_space<hbm>>
        %dma_wait3A_61 = tpu.memref_slice %arg5[%mul3A_59] : memref<40960xi32, #tpu.memory_space<hbm>> -> memref<512xi32, #tpu.memory_space<hbm>>
        tpu.wait_dma2 semaphore(%run_scoped3A : memref<!tpu.dma_semaphore, #tpu.memory_space<semaphore_mem>>) src(%arg12 : memref<512xi32, #tpu.memory_space<vmem>>) dst(%dma_wait3A_61 : memref<512xi32, #tpu.memory_space<hbm>>)
        tpu.yield
      }) : () -> ()
    } else {
    }
    %add3A_20 = arith.constant 32 : i32
    %add3A_21 = arith.addi %add3A, %add3A_20 : i32
    %mul3A_22 = arith.constant 3 : i32
    %mul3A_23 = arith.muli %arg1, %mul3A_22 : i32
    %add3A_24 = arith.constant 1 : i32
    %add3A_25 = arith.addi %mul3A_23, %add3A_24 : i32
    %lt3A_26 = arith.constant 80 : i32
    %lt3A_27 = arith.cmpi slt, %add3A_21, %lt3A_26 : i32
    %convert_element_type3A_28 = arith.extui %lt3A_27 : i1 to i32
    %cond3A_29 = arith.constant 0 : i32
    %cond3A_30 = arith.cmpi ne, %convert_element_type3A_28, %cond3A_29 : i32
    scf.if %cond3A_30 {
      %add3A_42 = arith.constant 1 : i32
      %add3A_43 = arith.addi %add3A_21, %add3A_42 : i32
      %mul3A_44 = arith.constant 5000 : i32
      %mul3A_45 = arith.muli %add3A_43, %mul3A_44 : i32
      "tpu.region"() ({
        %run_scoped3A = tpu.sem_alloc : memref<!tpu.dma_semaphore, #tpu.memory_space<semaphore_mem>>
        %dma_start3A = tpu.memref_slice %arg2[%mul3A_45] : memref<405000xf32, #tpu.memory_space<hbm>> -> memref<5000xf32, #tpu.memory_space<hbm>>
        %dma_start3A_60 = tpu.memref_slice %arg2[%mul3A_45] : memref<405000xf32, #tpu.memory_space<hbm>> -> memref<5000xf32, #tpu.memory_space<hbm>>
        tpu.enqueue_dma source(%dma_start3A_60 : memref<5000xf32, #tpu.memory_space<hbm>>) target(%arg6 : memref<5000xf32, #tpu.memory_space<vmem>>) target_semaphore(%run_scoped3A : memref<!tpu.dma_semaphore, #tpu.memory_space<semaphore_mem>>)
        %dma_wait3A = tpu.memref_slice %arg2[%mul3A_45] : memref<405000xf32, #tpu.memory_space<hbm>> -> memref<5000xf32, #tpu.memory_space<hbm>>
        %dma_wait3A_61 = tpu.memref_slice %arg2[%mul3A_45] : memref<405000xf32, #tpu.memory_space<hbm>> -> memref<5000xf32, #tpu.memory_space<hbm>>
        tpu.wait_dma2 semaphore(%run_scoped3A : memref<!tpu.dma_semaphore, #tpu.memory_space<semaphore_mem>>) src(%dma_wait3A_61 : memref<5000xf32, #tpu.memory_space<hbm>>) dst(%arg6 : memref<5000xf32, #tpu.memory_space<vmem>>)
        tpu.yield
      }) : () -> ()
      %mul3A_46 = arith.constant 5000 : i32
      %mul3A_47 = arith.muli %add3A_21, %mul3A_46 : i32
      "tpu.region"() ({
        %run_scoped3A = tpu.sem_alloc : memref<!tpu.dma_semaphore, #tpu.memory_space<semaphore_mem>>
        %dma_start3A = tpu.memref_slice %arg3[%mul3A_47] : memref<400000xi32, #tpu.memory_space<hbm>> -> memref<5000xi32, #tpu.memory_space<hbm>>
        %dma_start3A_60 = tpu.memref_slice %arg3[%mul3A_47] : memref<400000xi32, #tpu.memory_space<hbm>> -> memref<5000xi32, #tpu.memory_space<hbm>>
        tpu.enqueue_dma source(%dma_start3A_60 : memref<5000xi32, #tpu.memory_space<hbm>>) target(%arg7 : memref<5000xi32, #tpu.memory_space<vmem>>) target_semaphore(%run_scoped3A : memref<!tpu.dma_semaphore, #tpu.memory_space<semaphore_mem>>)
        %dma_wait3A = tpu.memref_slice %arg3[%mul3A_47] : memref<400000xi32, #tpu.memory_space<hbm>> -> memref<5000xi32, #tpu.memory_space<hbm>>
        %dma_wait3A_61 = tpu.memref_slice %arg3[%mul3A_47] : memref<400000xi32, #tpu.memory_space<hbm>> -> memref<5000xi32, #tpu.memory_space<hbm>>
        tpu.wait_dma2 semaphore(%run_scoped3A : memref<!tpu.dma_semaphore, #tpu.memory_space<semaphore_mem>>) src(%dma_wait3A_61 : memref<5000xi32, #tpu.memory_space<hbm>>) dst(%arg7 : memref<5000xi32, #tpu.memory_space<vmem>>)
        tpu.yield
      }) : () -> ()
      %mul3A_48 = arith.constant 5520 : i32
      %mul3A_49 = arith.muli %add3A_25, %mul3A_48 : i32
      "tpu.region"() ({
        %run_scoped3A = tpu.sem_alloc : memref<!tpu.dma_semaphore, #tpu.memory_space<semaphore_mem>>
        %dma_start3A = tpu.memref_slice %arg13[%mul3A_49] : memref<264960xf32, #tpu.memory_space<vmem_shared>> -> memref<512xf32, #tpu.memory_space<vmem_shared>>
        %dma_start3A_60 = tpu.memref_slice %arg13[%mul3A_49] : memref<264960xf32, #tpu.memory_space<vmem_shared>> -> memref<512xf32, #tpu.memory_space<vmem_shared>>
        tpu.enqueue_dma source(%arg9 : memref<512xf32, #tpu.memory_space<vmem>>) target(%dma_start3A_60 : memref<512xf32, #tpu.memory_space<vmem_shared>>) target_semaphore(%run_scoped3A : memref<!tpu.dma_semaphore, #tpu.memory_space<semaphore_mem>>)
        %dma_wait3A = tpu.memref_slice %arg13[%mul3A_49] : memref<264960xf32, #tpu.memory_space<vmem_shared>> -> memref<512xf32, #tpu.memory_space<vmem_shared>>
        %dma_wait3A_61 = tpu.memref_slice %arg13[%mul3A_49] : memref<264960xf32, #tpu.memory_space<vmem_shared>> -> memref<512xf32, #tpu.memory_space<vmem_shared>>
        tpu.wait_dma2 semaphore(%run_scoped3A : memref<!tpu.dma_semaphore, #tpu.memory_space<semaphore_mem>>) src(%arg9 : memref<512xf32, #tpu.memory_space<vmem>>) dst(%dma_wait3A_61 : memref<512xf32, #tpu.memory_space<vmem_shared>>)
        tpu.yield
      }) : () -> ()
      %mul3A_50 = arith.constant 5520 : i32
      %mul3A_51 = arith.muli %add3A_25, %mul3A_50 : i32
      "tpu.region"() ({
        %run_scoped3A = tpu.sem_alloc : memref<!tpu.dma_semaphore, #tpu.memory_space<semaphore_mem>>
        %dma_start3A = tpu.memref_slice %arg14[%mul3A_51] : memref<264960xi32, #tpu.memory_space<vmem_shared>> -> memref<512xi32, #tpu.memory_space<vmem_shared>>
        %dma_start3A_60 = tpu.memref_slice %arg14[%mul3A_51] : memref<264960xi32, #tpu.memory_space<vmem_shared>> -> memref<512xi32, #tpu.memory_space<vmem_shared>>
        tpu.enqueue_dma source(%arg10 : memref<512xi32, #tpu.memory_space<vmem>>) target(%dma_start3A_60 : memref<512xi32, #tpu.memory_space<vmem_shared>>) target_semaphore(%run_scoped3A : memref<!tpu.dma_semaphore, #tpu.memory_space<semaphore_mem>>)
        %dma_wait3A = tpu.memref_slice %arg14[%mul3A_51] : memref<264960xi32, #tpu.memory_space<vmem_shared>> -> memref<512xi32, #tpu.memory_space<vmem_shared>>
        %dma_wait3A_61 = tpu.memref_slice %arg14[%mul3A_51] : memref<264960xi32, #tpu.memory_space<vmem_shared>> -> memref<512xi32, #tpu.memory_space<vmem_shared>>
        tpu.wait_dma2 semaphore(%run_scoped3A : memref<!tpu.dma_semaphore, #tpu.memory_space<semaphore_mem>>) src(%arg10 : memref<512xi32, #tpu.memory_space<vmem>>) dst(%dma_wait3A_61 : memref<512xi32, #tpu.memory_space<vmem_shared>>)
        tpu.yield
      }) : () -> ()
      "tpu.region"() ({
        %run_scoped3A = tpu.sem_alloc : memref<!tpu.dma_semaphore, #tpu.memory_space<semaphore_mem>>
        %dma_start3A = arith.constant 0 : i32
        %dma_start3A_60 = tpu.memref_slice %arg13[%dma_start3A] : memref<264960xf32, #tpu.memory_space<vmem_shared>> -> memref<264960xf32, #tpu.memory_space<vmem_shared>>
        tpu.enqueue_indirect_dma source(%arg6 : memref<5000xf32, #tpu.memory_space<vmem>>) target(%dma_start3A_60 : memref<264960xf32, #tpu.memory_space<vmem_shared>>) offsets(%arg7 : memref<5000xi32, #tpu.memory_space<vmem>>) semaphore(%run_scoped3A : memref<!tpu.dma_semaphore, #tpu.memory_space<semaphore_mem>>)
        %dma_wait3A = arith.constant 0 : i32
        %dma_wait3A_61 = tpu.memref_slice %arg13[%dma_wait3A] : memref<264960xf32, #tpu.memory_space<vmem_shared>> -> memref<264960xf32, #tpu.memory_space<vmem_shared>>
        tpu.wait_indirect_dma semaphore(%run_scoped3A : memref<!tpu.dma_semaphore, #tpu.memory_space<semaphore_mem>>) src(%arg6 : memref<5000xf32, #tpu.memory_space<vmem>>) dst(%dma_wait3A_61 : memref<264960xf32, #tpu.memory_space<vmem_shared>>)
        tpu.yield
      }) : () -> ()
      "tpu.region"() ({
        %run_scoped3A = tpu.sem_alloc : memref<!tpu.dma_semaphore, #tpu.memory_space<semaphore_mem>>
        %dma_start3A = arith.constant 0 : i32
        %dma_start3A_60 = tpu.memref_slice %arg8[%dma_start3A] : memref<5008xi32, #tpu.memory_space<vmem>> -> memref<5000xi32, #tpu.memory_space<vmem>>
        %dma_start3A_61 = arith.constant 0 : i32
        %dma_start3A_62 = tpu.memref_slice %arg14[%dma_start3A_61] : memref<264960xi32, #tpu.memory_space<vmem_shared>> -> memref<264960xi32, #tpu.memory_space<vmem_shared>>
        tpu.enqueue_indirect_dma source(%dma_start3A_60 : memref<5000xi32, #tpu.memory_space<vmem>>) target(%dma_start3A_62 : memref<264960xi32, #tpu.memory_space<vmem_shared>>) offsets(%arg7 : memref<5000xi32, #tpu.memory_space<vmem>>) semaphore(%run_scoped3A : memref<!tpu.dma_semaphore, #tpu.memory_space<semaphore_mem>>)
        %dma_wait3A = arith.constant 0 : i32
        %dma_wait3A_63 = tpu.memref_slice %arg8[%dma_wait3A] : memref<5008xi32, #tpu.memory_space<vmem>> -> memref<5000xi32, #tpu.memory_space<vmem>>
        %dma_wait3A_64 = arith.constant 0 : i32
        %dma_wait3A_65 = tpu.memref_slice %arg14[%dma_wait3A_64] : memref<264960xi32, #tpu.memory_space<vmem_shared>> -> memref<264960xi32, #tpu.memory_space<vmem_shared>>
        tpu.wait_indirect_dma semaphore(%run_scoped3A : memref<!tpu.dma_semaphore, #tpu.memory_space<semaphore_mem>>) src(%dma_wait3A_63 : memref<5000xi32, #tpu.memory_space<vmem>>) dst(%dma_wait3A_65 : memref<264960xi32, #tpu.memory_space<vmem_shared>>)
        tpu.yield
      }) : () -> ()
      %mul3A_52 = arith.constant 5520 : i32
      %mul3A_53 = arith.muli %add3A_25, %mul3A_52 : i32
      "tpu.region"() ({
        %run_scoped3A = tpu.sem_alloc : memref<!tpu.dma_semaphore, #tpu.memory_space<semaphore_mem>>
        %dma_start3A = tpu.memref_slice %arg13[%mul3A_53] : memref<264960xf32, #tpu.memory_space<vmem_shared>> -> memref<512xf32, #tpu.memory_space<vmem_shared>>
        %dma_start3A_60 = tpu.memref_slice %arg13[%mul3A_53] : memref<264960xf32, #tpu.memory_space<vmem_shared>> -> memref<512xf32, #tpu.memory_space<vmem_shared>>
        tpu.enqueue_dma source(%dma_start3A_60 : memref<512xf32, #tpu.memory_space<vmem_shared>>) target(%arg11 : memref<512xf32, #tpu.memory_space<vmem>>) target_semaphore(%run_scoped3A : memref<!tpu.dma_semaphore, #tpu.memory_space<semaphore_mem>>)
        %dma_wait3A = tpu.memref_slice %arg13[%mul3A_53] : memref<264960xf32, #tpu.memory_space<vmem_shared>> -> memref<512xf32, #tpu.memory_space<vmem_shared>>
        %dma_wait3A_61 = tpu.memref_slice %arg13[%mul3A_53] : memref<264960xf32, #tpu.memory_space<vmem_shared>> -> memref<512xf32, #tpu.memory_space<vmem_shared>>
        tpu.wait_dma2 semaphore(%run_scoped3A : memref<!tpu.dma_semaphore, #tpu.memory_space<semaphore_mem>>) src(%dma_wait3A_61 : memref<512xf32, #tpu.memory_space<vmem_shared>>) dst(%arg11 : memref<512xf32, #tpu.memory_space<vmem>>)
        tpu.yield
      }) : () -> ()
      %mul3A_54 = arith.constant 512 : i32
      %mul3A_55 = arith.muli %add3A_21, %mul3A_54 : i32
      "tpu.region"() ({
        %run_scoped3A = tpu.sem_alloc : memref<!tpu.dma_semaphore, #tpu.memory_space<semaphore_mem>>
        %dma_start3A = tpu.memref_slice %arg4[%mul3A_55] : memref<40960xf32, #tpu.memory_space<hbm>> -> memref<512xf32, #tpu.memory_space<hbm>>
        %dma_start3A_60 = tpu.memref_slice %arg4[%mul3A_55] : memref<40960xf32, #tpu.memory_space<hbm>> -> memref<512xf32, #tpu.memory_space<hbm>>
        tpu.enqueue_dma source(%arg11 : memref<512xf32, #tpu.memory_space<vmem>>) target(%dma_start3A_60 : memref<512xf32, #tpu.memory_space<hbm>>) target_semaphore(%run_scoped3A : memref<!tpu.dma_semaphore, #tpu.memory_space<semaphore_mem>>)
        %dma_wait3A = tpu.memref_slice %arg4[%mul3A_55] : memref<40960xf32, #tpu.memory_space<hbm>> -> memref<512xf32, #tpu.memory_space<hbm>>
        %dma_wait3A_61 = tpu.memref_slice %arg4[%mul3A_55] : memref<40960xf32, #tpu.memory_space<hbm>> -> memref<512xf32, #tpu.memory_space<hbm>>
        tpu.wait_dma2 semaphore(%run_scoped3A : memref<!tpu.dma_semaphore, #tpu.memory_space<semaphore_mem>>) src(%arg11 : memref<512xf32, #tpu.memory_space<vmem>>) dst(%dma_wait3A_61 : memref<512xf32, #tpu.memory_space<hbm>>)
        tpu.yield
      }) : () -> ()
      %mul3A_56 = arith.constant 5520 : i32
      %mul3A_57 = arith.muli %add3A_25, %mul3A_56 : i32
      "tpu.region"() ({
        %run_scoped3A = tpu.sem_alloc : memref<!tpu.dma_semaphore, #tpu.memory_space<semaphore_mem>>
        %dma_start3A = tpu.memref_slice %arg14[%mul3A_57] : memref<264960xi32, #tpu.memory_space<vmem_shared>> -> memref<512xi32, #tpu.memory_space<vmem_shared>>
        %dma_start3A_60 = tpu.memref_slice %arg14[%mul3A_57] : memref<264960xi32, #tpu.memory_space<vmem_shared>> -> memref<512xi32, #tpu.memory_space<vmem_shared>>
        tpu.enqueue_dma source(%dma_start3A_60 : memref<512xi32, #tpu.memory_space<vmem_shared>>) target(%arg12 : memref<512xi32, #tpu.memory_space<vmem>>) target_semaphore(%run_scoped3A : memref<!tpu.dma_semaphore, #tpu.memory_space<semaphore_mem>>)
        %dma_wait3A = tpu.memref_slice %arg14[%mul3A_57] : memref<264960xi32, #tpu.memory_space<vmem_shared>> -> memref<512xi32, #tpu.memory_space<vmem_shared>>
        %dma_wait3A_61 = tpu.memref_slice %arg14[%mul3A_57] : memref<264960xi32, #tpu.memory_space<vmem_shared>> -> memref<512xi32, #tpu.memory_space<vmem_shared>>
        tpu.wait_dma2 semaphore(%run_scoped3A : memref<!tpu.dma_semaphore, #tpu.memory_space<semaphore_mem>>) src(%dma_wait3A_61 : memref<512xi32, #tpu.memory_space<vmem_shared>>) dst(%arg12 : memref<512xi32, #tpu.memory_space<vmem>>)
        tpu.yield
      }) : () -> ()
      %mul3A_58 = arith.constant 512 : i32
      %mul3A_59 = arith.muli %add3A_21, %mul3A_58 : i32
      "tpu.region"() ({
        %run_scoped3A = tpu.sem_alloc : memref<!tpu.dma_semaphore, #tpu.memory_space<semaphore_mem>>
        %dma_start3A = tpu.memref_slice %arg5[%mul3A_59] : memref<40960xi32, #tpu.memory_space<hbm>> -> memref<512xi32, #tpu.memory_space<hbm>>
        %dma_start3A_60 = tpu.memref_slice %arg5[%mul3A_59] : memref<40960xi32, #tpu.memory_space<hbm>> -> memref<512xi32, #tpu.memory_space<hbm>>
        tpu.enqueue_dma source(%arg12 : memref<512xi32, #tpu.memory_space<vmem>>) target(%dma_start3A_60 : memref<512xi32, #tpu.memory_space<hbm>>) target_semaphore(%run_scoped3A : memref<!tpu.dma_semaphore, #tpu.memory_space<semaphore_mem>>)
        %dma_wait3A = tpu.memref_slice %arg5[%mul3A_59] : memref<40960xi32, #tpu.memory_space<hbm>> -> memref<512xi32, #tpu.memory_space<hbm>>
        %dma_wait3A_61 = tpu.memref_slice %arg5[%mul3A_59] : memref<40960xi32, #tpu.memory_space<hbm>> -> memref<512xi32, #tpu.memory_space<hbm>>
        tpu.wait_dma2 semaphore(%run_scoped3A : memref<!tpu.dma_semaphore, #tpu.memory_space<semaphore_mem>>) src(%arg12 : memref<512xi32, #tpu.memory_space<vmem>>) dst(%dma_wait3A_61 : memref<512xi32, #tpu.memory_space<hbm>>)
        tpu.yield
      }) : () -> ()
    } else {
    }
    %add3A_31 = arith.constant 64 : i32
    %add3A_32 = arith.addi %add3A, %add3A_31 : i32
    %mul3A_33 = arith.constant 3 : i32
    %mul3A_34 = arith.muli %arg1, %mul3A_33 : i32
    %add3A_35 = arith.constant 2 : i32
    %add3A_36 = arith.addi %mul3A_34, %add3A_35 : i32
    %lt3A_37 = arith.constant 80 : i32
    %lt3A_38 = arith.cmpi slt, %add3A_32, %lt3A_37 : i32
    %convert_element_type3A_39 = arith.extui %lt3A_38 : i1 to i32
    %cond3A_40 = arith.constant 0 : i32
    %cond3A_41 = arith.cmpi ne, %convert_element_type3A_39, %cond3A_40 : i32
    scf.if %cond3A_41 {
      %add3A_42 = arith.constant 1 : i32
      %add3A_43 = arith.addi %add3A_32, %add3A_42 : i32
      %mul3A_44 = arith.constant 5000 : i32
      %mul3A_45 = arith.muli %add3A_43, %mul3A_44 : i32
      "tpu.region"() ({
        %run_scoped3A = tpu.sem_alloc : memref<!tpu.dma_semaphore, #tpu.memory_space<semaphore_mem>>
        %dma_start3A = tpu.memref_slice %arg2[%mul3A_45] : memref<405000xf32, #tpu.memory_space<hbm>> -> memref<5000xf32, #tpu.memory_space<hbm>>
        %dma_start3A_60 = tpu.memref_slice %arg2[%mul3A_45] : memref<405000xf32, #tpu.memory_space<hbm>> -> memref<5000xf32, #tpu.memory_space<hbm>>
        tpu.enqueue_dma source(%dma_start3A_60 : memref<5000xf32, #tpu.memory_space<hbm>>) target(%arg6 : memref<5000xf32, #tpu.memory_space<vmem>>) target_semaphore(%run_scoped3A : memref<!tpu.dma_semaphore, #tpu.memory_space<semaphore_mem>>)
        %dma_wait3A = tpu.memref_slice %arg2[%mul3A_45] : memref<405000xf32, #tpu.memory_space<hbm>> -> memref<5000xf32, #tpu.memory_space<hbm>>
        %dma_wait3A_61 = tpu.memref_slice %arg2[%mul3A_45] : memref<405000xf32, #tpu.memory_space<hbm>> -> memref<5000xf32, #tpu.memory_space<hbm>>
        tpu.wait_dma2 semaphore(%run_scoped3A : memref<!tpu.dma_semaphore, #tpu.memory_space<semaphore_mem>>) src(%dma_wait3A_61 : memref<5000xf32, #tpu.memory_space<hbm>>) dst(%arg6 : memref<5000xf32, #tpu.memory_space<vmem>>)
        tpu.yield
      }) : () -> ()
      %mul3A_46 = arith.constant 5000 : i32
      %mul3A_47 = arith.muli %add3A_32, %mul3A_46 : i32
      "tpu.region"() ({
        %run_scoped3A = tpu.sem_alloc : memref<!tpu.dma_semaphore, #tpu.memory_space<semaphore_mem>>
        %dma_start3A = tpu.memref_slice %arg3[%mul3A_47] : memref<400000xi32, #tpu.memory_space<hbm>> -> memref<5000xi32, #tpu.memory_space<hbm>>
        %dma_start3A_60 = tpu.memref_slice %arg3[%mul3A_47] : memref<400000xi32, #tpu.memory_space<hbm>> -> memref<5000xi32, #tpu.memory_space<hbm>>
        tpu.enqueue_dma source(%dma_start3A_60 : memref<5000xi32, #tpu.memory_space<hbm>>) target(%arg7 : memref<5000xi32, #tpu.memory_space<vmem>>) target_semaphore(%run_scoped3A : memref<!tpu.dma_semaphore, #tpu.memory_space<semaphore_mem>>)
        %dma_wait3A = tpu.memref_slice %arg3[%mul3A_47] : memref<400000xi32, #tpu.memory_space<hbm>> -> memref<5000xi32, #tpu.memory_space<hbm>>
        %dma_wait3A_61 = tpu.memref_slice %arg3[%mul3A_47] : memref<400000xi32, #tpu.memory_space<hbm>> -> memref<5000xi32, #tpu.memory_space<hbm>>
        tpu.wait_dma2 semaphore(%run_scoped3A : memref<!tpu.dma_semaphore, #tpu.memory_space<semaphore_mem>>) src(%dma_wait3A_61 : memref<5000xi32, #tpu.memory_space<hbm>>) dst(%arg7 : memref<5000xi32, #tpu.memory_space<vmem>>)
        tpu.yield
      }) : () -> ()
      %mul3A_48 = arith.constant 5520 : i32
      %mul3A_49 = arith.muli %add3A_36, %mul3A_48 : i32
      "tpu.region"() ({
        %run_scoped3A = tpu.sem_alloc : memref<!tpu.dma_semaphore, #tpu.memory_space<semaphore_mem>>
        %dma_start3A = tpu.memref_slice %arg13[%mul3A_49] : memref<264960xf32, #tpu.memory_space<vmem_shared>> -> memref<512xf32, #tpu.memory_space<vmem_shared>>
        %dma_start3A_60 = tpu.memref_slice %arg13[%mul3A_49] : memref<264960xf32, #tpu.memory_space<vmem_shared>> -> memref<512xf32, #tpu.memory_space<vmem_shared>>
        tpu.enqueue_dma source(%arg9 : memref<512xf32, #tpu.memory_space<vmem>>) target(%dma_start3A_60 : memref<512xf32, #tpu.memory_space<vmem_shared>>) target_semaphore(%run_scoped3A : memref<!tpu.dma_semaphore, #tpu.memory_space<semaphore_mem>>)
        %dma_wait3A = tpu.memref_slice %arg13[%mul3A_49] : memref<264960xf32, #tpu.memory_space<vmem_shared>> -> memref<512xf32, #tpu.memory_space<vmem_shared>>
        %dma_wait3A_61 = tpu.memref_slice %arg13[%mul3A_49] : memref<264960xf32, #tpu.memory_space<vmem_shared>> -> memref<512xf32, #tpu.memory_space<vmem_shared>>
        tpu.wait_dma2 semaphore(%run_scoped3A : memref<!tpu.dma_semaphore, #tpu.memory_space<semaphore_mem>>) src(%arg9 : memref<512xf32, #tpu.memory_space<vmem>>) dst(%dma_wait3A_61 : memref<512xf32, #tpu.memory_space<vmem_shared>>)
        tpu.yield
      }) : () -> ()
      %mul3A_50 = arith.constant 5520 : i32
      %mul3A_51 = arith.muli %add3A_36, %mul3A_50 : i32
      "tpu.region"() ({
        %run_scoped3A = tpu.sem_alloc : memref<!tpu.dma_semaphore, #tpu.memory_space<semaphore_mem>>
        %dma_start3A = tpu.memref_slice %arg14[%mul3A_51] : memref<264960xi32, #tpu.memory_space<vmem_shared>> -> memref<512xi32, #tpu.memory_space<vmem_shared>>
        %dma_start3A_60 = tpu.memref_slice %arg14[%mul3A_51] : memref<264960xi32, #tpu.memory_space<vmem_shared>> -> memref<512xi32, #tpu.memory_space<vmem_shared>>
        tpu.enqueue_dma source(%arg10 : memref<512xi32, #tpu.memory_space<vmem>>) target(%dma_start3A_60 : memref<512xi32, #tpu.memory_space<vmem_shared>>) target_semaphore(%run_scoped3A : memref<!tpu.dma_semaphore, #tpu.memory_space<semaphore_mem>>)
        %dma_wait3A = tpu.memref_slice %arg14[%mul3A_51] : memref<264960xi32, #tpu.memory_space<vmem_shared>> -> memref<512xi32, #tpu.memory_space<vmem_shared>>
        %dma_wait3A_61 = tpu.memref_slice %arg14[%mul3A_51] : memref<264960xi32, #tpu.memory_space<vmem_shared>> -> memref<512xi32, #tpu.memory_space<vmem_shared>>
        tpu.wait_dma2 semaphore(%run_scoped3A : memref<!tpu.dma_semaphore, #tpu.memory_space<semaphore_mem>>) src(%arg10 : memref<512xi32, #tpu.memory_space<vmem>>) dst(%dma_wait3A_61 : memref<512xi32, #tpu.memory_space<vmem_shared>>)
        tpu.yield
      }) : () -> ()
      "tpu.region"() ({
        %run_scoped3A = tpu.sem_alloc : memref<!tpu.dma_semaphore, #tpu.memory_space<semaphore_mem>>
        %dma_start3A = arith.constant 0 : i32
        %dma_start3A_60 = tpu.memref_slice %arg13[%dma_start3A] : memref<264960xf32, #tpu.memory_space<vmem_shared>> -> memref<264960xf32, #tpu.memory_space<vmem_shared>>
        tpu.enqueue_indirect_dma source(%arg6 : memref<5000xf32, #tpu.memory_space<vmem>>) target(%dma_start3A_60 : memref<264960xf32, #tpu.memory_space<vmem_shared>>) offsets(%arg7 : memref<5000xi32, #tpu.memory_space<vmem>>) semaphore(%run_scoped3A : memref<!tpu.dma_semaphore, #tpu.memory_space<semaphore_mem>>)
        %dma_wait3A = arith.constant 0 : i32
        %dma_wait3A_61 = tpu.memref_slice %arg13[%dma_wait3A] : memref<264960xf32, #tpu.memory_space<vmem_shared>> -> memref<264960xf32, #tpu.memory_space<vmem_shared>>
        tpu.wait_indirect_dma semaphore(%run_scoped3A : memref<!tpu.dma_semaphore, #tpu.memory_space<semaphore_mem>>) src(%arg6 : memref<5000xf32, #tpu.memory_space<vmem>>) dst(%dma_wait3A_61 : memref<264960xf32, #tpu.memory_space<vmem_shared>>)
        tpu.yield
      }) : () -> ()
      "tpu.region"() ({
        %run_scoped3A = tpu.sem_alloc : memref<!tpu.dma_semaphore, #tpu.memory_space<semaphore_mem>>
        %dma_start3A = arith.constant 0 : i32
        %dma_start3A_60 = tpu.memref_slice %arg8[%dma_start3A] : memref<5008xi32, #tpu.memory_space<vmem>> -> memref<5000xi32, #tpu.memory_space<vmem>>
        %dma_start3A_61 = arith.constant 0 : i32
        %dma_start3A_62 = tpu.memref_slice %arg14[%dma_start3A_61] : memref<264960xi32, #tpu.memory_space<vmem_shared>> -> memref<264960xi32, #tpu.memory_space<vmem_shared>>
        tpu.enqueue_indirect_dma source(%dma_start3A_60 : memref<5000xi32, #tpu.memory_space<vmem>>) target(%dma_start3A_62 : memref<264960xi32, #tpu.memory_space<vmem_shared>>) offsets(%arg7 : memref<5000xi32, #tpu.memory_space<vmem>>) semaphore(%run_scoped3A : memref<!tpu.dma_semaphore, #tpu.memory_space<semaphore_mem>>)
        %dma_wait3A = arith.constant 0 : i32
        %dma_wait3A_63 = tpu.memref_slice %arg8[%dma_wait3A] : memref<5008xi32, #tpu.memory_space<vmem>> -> memref<5000xi32, #tpu.memory_space<vmem>>
        %dma_wait3A_64 = arith.constant 0 : i32
        %dma_wait3A_65 = tpu.memref_slice %arg14[%dma_wait3A_64] : memref<264960xi32, #tpu.memory_space<vmem_shared>> -> memref<264960xi32, #tpu.memory_space<vmem_shared>>
        tpu.wait_indirect_dma semaphore(%run_scoped3A : memref<!tpu.dma_semaphore, #tpu.memory_space<semaphore_mem>>) src(%dma_wait3A_63 : memref<5000xi32, #tpu.memory_space<vmem>>) dst(%dma_wait3A_65 : memref<264960xi32, #tpu.memory_space<vmem_shared>>)
        tpu.yield
      }) : () -> ()
      %mul3A_52 = arith.constant 5520 : i32
      %mul3A_53 = arith.muli %add3A_36, %mul3A_52 : i32
      "tpu.region"() ({
        %run_scoped3A = tpu.sem_alloc : memref<!tpu.dma_semaphore, #tpu.memory_space<semaphore_mem>>
        %dma_start3A = tpu.memref_slice %arg13[%mul3A_53] : memref<264960xf32, #tpu.memory_space<vmem_shared>> -> memref<512xf32, #tpu.memory_space<vmem_shared>>
        %dma_start3A_60 = tpu.memref_slice %arg13[%mul3A_53] : memref<264960xf32, #tpu.memory_space<vmem_shared>> -> memref<512xf32, #tpu.memory_space<vmem_shared>>
        tpu.enqueue_dma source(%dma_start3A_60 : memref<512xf32, #tpu.memory_space<vmem_shared>>) target(%arg11 : memref<512xf32, #tpu.memory_space<vmem>>) target_semaphore(%run_scoped3A : memref<!tpu.dma_semaphore, #tpu.memory_space<semaphore_mem>>)
        %dma_wait3A = tpu.memref_slice %arg13[%mul3A_53] : memref<264960xf32, #tpu.memory_space<vmem_shared>> -> memref<512xf32, #tpu.memory_space<vmem_shared>>
        %dma_wait3A_61 = tpu.memref_slice %arg13[%mul3A_53] : memref<264960xf32, #tpu.memory_space<vmem_shared>> -> memref<512xf32, #tpu.memory_space<vmem_shared>>
        tpu.wait_dma2 semaphore(%run_scoped3A : memref<!tpu.dma_semaphore, #tpu.memory_space<semaphore_mem>>) src(%dma_wait3A_61 : memref<512xf32, #tpu.memory_space<vmem_shared>>) dst(%arg11 : memref<512xf32, #tpu.memory_space<vmem>>)
        tpu.yield
      }) : () -> ()
      %mul3A_54 = arith.constant 512 : i32
      %mul3A_55 = arith.muli %add3A_32, %mul3A_54 : i32
      "tpu.region"() ({
        %run_scoped3A = tpu.sem_alloc : memref<!tpu.dma_semaphore, #tpu.memory_space<semaphore_mem>>
        %dma_start3A = tpu.memref_slice %arg4[%mul3A_55] : memref<40960xf32, #tpu.memory_space<hbm>> -> memref<512xf32, #tpu.memory_space<hbm>>
        %dma_start3A_60 = tpu.memref_slice %arg4[%mul3A_55] : memref<40960xf32, #tpu.memory_space<hbm>> -> memref<512xf32, #tpu.memory_space<hbm>>
        tpu.enqueue_dma source(%arg11 : memref<512xf32, #tpu.memory_space<vmem>>) target(%dma_start3A_60 : memref<512xf32, #tpu.memory_space<hbm>>) target_semaphore(%run_scoped3A : memref<!tpu.dma_semaphore, #tpu.memory_space<semaphore_mem>>)
        %dma_wait3A = tpu.memref_slice %arg4[%mul3A_55] : memref<40960xf32, #tpu.memory_space<hbm>> -> memref<512xf32, #tpu.memory_space<hbm>>
        %dma_wait3A_61 = tpu.memref_slice %arg4[%mul3A_55] : memref<40960xf32, #tpu.memory_space<hbm>> -> memref<512xf32, #tpu.memory_space<hbm>>
        tpu.wait_dma2 semaphore(%run_scoped3A : memref<!tpu.dma_semaphore, #tpu.memory_space<semaphore_mem>>) src(%arg11 : memref<512xf32, #tpu.memory_space<vmem>>) dst(%dma_wait3A_61 : memref<512xf32, #tpu.memory_space<hbm>>)
        tpu.yield
      }) : () -> ()
      %mul3A_56 = arith.constant 5520 : i32
      %mul3A_57 = arith.muli %add3A_36, %mul3A_56 : i32
      "tpu.region"() ({
        %run_scoped3A = tpu.sem_alloc : memref<!tpu.dma_semaphore, #tpu.memory_space<semaphore_mem>>
        %dma_start3A = tpu.memref_slice %arg14[%mul3A_57] : memref<264960xi32, #tpu.memory_space<vmem_shared>> -> memref<512xi32, #tpu.memory_space<vmem_shared>>
        %dma_start3A_60 = tpu.memref_slice %arg14[%mul3A_57] : memref<264960xi32, #tpu.memory_space<vmem_shared>> -> memref<512xi32, #tpu.memory_space<vmem_shared>>
        tpu.enqueue_dma source(%dma_start3A_60 : memref<512xi32, #tpu.memory_space<vmem_shared>>) target(%arg12 : memref<512xi32, #tpu.memory_space<vmem>>) target_semaphore(%run_scoped3A : memref<!tpu.dma_semaphore, #tpu.memory_space<semaphore_mem>>)
        %dma_wait3A = tpu.memref_slice %arg14[%mul3A_57] : memref<264960xi32, #tpu.memory_space<vmem_shared>> -> memref<512xi32, #tpu.memory_space<vmem_shared>>
        %dma_wait3A_61 = tpu.memref_slice %arg14[%mul3A_57] : memref<264960xi32, #tpu.memory_space<vmem_shared>> -> memref<512xi32, #tpu.memory_space<vmem_shared>>
        tpu.wait_dma2 semaphore(%run_scoped3A : memref<!tpu.dma_semaphore, #tpu.memory_space<semaphore_mem>>) src(%dma_wait3A_61 : memref<512xi32, #tpu.memory_space<vmem_shared>>) dst(%arg12 : memref<512xi32, #tpu.memory_space<vmem>>)
        tpu.yield
      }) : () -> ()
      %mul3A_58 = arith.constant 512 : i32
      %mul3A_59 = arith.muli %add3A_32, %mul3A_58 : i32
      "tpu.region"() ({
        %run_scoped3A = tpu.sem_alloc : memref<!tpu.dma_semaphore, #tpu.memory_space<semaphore_mem>>
        %dma_start3A = tpu.memref_slice %arg5[%mul3A_59] : memref<40960xi32, #tpu.memory_space<hbm>> -> memref<512xi32, #tpu.memory_space<hbm>>
        %dma_start3A_60 = tpu.memref_slice %arg5[%mul3A_59] : memref<40960xi32, #tpu.memory_space<hbm>> -> memref<512xi32, #tpu.memory_space<hbm>>
        tpu.enqueue_dma source(%arg12 : memref<512xi32, #tpu.memory_space<vmem>>) target(%dma_start3A_60 : memref<512xi32, #tpu.memory_space<hbm>>) target_semaphore(%run_scoped3A : memref<!tpu.dma_semaphore, #tpu.memory_space<semaphore_mem>>)
        %dma_wait3A = tpu.memref_slice %arg5[%mul3A_59] : memref<40960xi32, #tpu.memory_space<hbm>> -> memref<512xi32, #tpu.memory_space<hbm>>
        %dma_wait3A_61 = tpu.memref_slice %arg5[%mul3A_59] : memref<40960xi32, #tpu.memory_space<hbm>> -> memref<512xi32, #tpu.memory_space<hbm>>
        tpu.wait_dma2 semaphore(%run_scoped3A : memref<!tpu.dma_semaphore, #tpu.memory_space<semaphore_mem>>) src(%arg12 : memref<512xi32, #tpu.memory_space<vmem>>) dst(%dma_wait3A_61 : memref<512xi32, #tpu.memory_space<hbm>>)
        tpu.yield
      }) : () -> ()
    } else {
    }
    return
  }
}

#map = affine_map<(d0, d1) -> (0)>
module attributes {stable_mosaic.version = 14 : i64} {
  func.func @_sc_scatter_body(%arg0: i32, %arg1: i32, %arg2: memref<24320xf32, #tpu.memory_space<hbm>>, %arg3: memref<24320xi32, #tpu.memory_space<hbm>>, %arg4: memref<400000xf32, #tpu.memory_space<hbm>>, %arg5: memref<5520xf32, #tpu.memory_space<vmem>>, %arg6: memref<304xf32, #tpu.memory_space<vmem>>, %arg7: memref<304xi32, #tpu.memory_space<vmem>>, %arg8: memref<5520xf32, #tpu.memory_space<vmem>>, %arg9: memref<264960xf32, #tpu.memory_space<vmem_shared>>) attributes {dimension_semantics = [#tpu.dimension_semantics<core_parallel>, #tpu.dimension_semantics<subcore_parallel>], iteration_bounds = array<i64: 2, 16>, scalar_prefetch = 0 : i64, scratch_operands = 5 : i64, tpu.core_type = #tpu.core_type<sc_vector_subcore>, window_params = [{transform_indices = #map}, {transform_indices = #map}, {transform_indices = #map}]} {
    %mul3A = arith.constant 2 : i32
    %mul3A_0 = arith.muli %arg1, %mul3A : i32
    %add3A = arith.addi %mul3A_0, %arg0 : i32
    %broadcast_in_dim3A = arith.constant 0.000000e+00 : f32
    %broadcast_in_dim3A_1 = vector.broadcast %broadcast_in_dim3A : f32 to vector<16xf32>
    %scan3A = arith.constant 0 : i32
    %scan3A_2 = arith.constant 0 : i32
    %scan3A_3 = arith.constant 345 : i32
    %scan3A_4 = arith.addi %scan3A_2, %scan3A_3 : i32
    %scan3A_5 = arith.constant 1 : i32
    scf.for %scan3A_37 = %scan3A_2 to %scan3A_4 step %scan3A_5  : i32 {
      %mul3A_38 = arith.constant 16 : i32
      %mul3A_39 = arith.muli %scan3A_37, %mul3A_38 : i32
      %swap3A = arith.index_cast %mul3A_39 : i32 to index
      %swap3A_40 = tpu.vector_load %arg5[%swap3A] {strides = array<i32>} : memref<5520xf32, #tpu.memory_space<vmem>>, vector<16xf32>,
      %swap3A_41 = vector.shape_cast %swap3A_40 : vector<16xf32> to vector<16xf32>
      %swap3A_42 = vector.shape_cast %broadcast_in_dim3A_1 : vector<16xf32> to vector<16xf32>
      tpu.vector_store %arg5[%swap3A], %swap3A_42 {strides = array<i32>} : memref<5520xf32, #tpu.memory_space<vmem>>, vector<16xf32>,
    }
    %scan3A_6 = arith.constant 345 : i32
    %add3A_7 = arith.constant 0 : i32
    %add3A_8 = arith.addi %add3A, %add3A_7 : i32
    %mul3A_9 = arith.constant 3 : i32
    %mul3A_10 = arith.muli %arg1, %mul3A_9 : i32
    %add3A_11 = arith.constant 0 : i32
    %add3A_12 = arith.addi %mul3A_10, %add3A_11 : i32
    %lt3A = arith.constant 80 : i32
    %lt3A_13 = arith.cmpi slt, %add3A_8, %lt3A : i32
    %convert_element_type3A = arith.extui %lt3A_13 : i1 to i32
    %cond3A = arith.constant 0 : i32
    %cond3A_14 = arith.cmpi ne, %convert_element_type3A, %cond3A : i32
    scf.if %cond3A_14 {
      %mul3A_37 = arith.constant 304 : i32
      %mul3A_38 = arith.muli %add3A_8, %mul3A_37 : i32
      "tpu.region"() ({
        %run_scoped3A = tpu.sem_alloc : memref<!tpu.dma_semaphore, #tpu.memory_space<semaphore_mem>>
        %dma_start3A = tpu.memref_slice %arg2[%mul3A_38] : memref<24320xf32, #tpu.memory_space<hbm>> -> memref<304xf32, #tpu.memory_space<hbm>>
        %dma_start3A_47 = tpu.memref_slice %arg2[%mul3A_38] : memref<24320xf32, #tpu.memory_space<hbm>> -> memref<304xf32, #tpu.memory_space<hbm>>
        tpu.enqueue_dma source(%dma_start3A_47 : memref<304xf32, #tpu.memory_space<hbm>>) target(%arg6 : memref<304xf32, #tpu.memory_space<vmem>>) target_semaphore(%run_scoped3A : memref<!tpu.dma_semaphore, #tpu.memory_space<semaphore_mem>>)
        %dma_wait3A = tpu.memref_slice %arg2[%mul3A_38] : memref<24320xf32, #tpu.memory_space<hbm>> -> memref<304xf32, #tpu.memory_space<hbm>>
        %dma_wait3A_48 = tpu.memref_slice %arg2[%mul3A_38] : memref<24320xf32, #tpu.memory_space<hbm>> -> memref<304xf32, #tpu.memory_space<hbm>>
        tpu.wait_dma2 semaphore(%run_scoped3A : memref<!tpu.dma_semaphore, #tpu.memory_space<semaphore_mem>>) src(%dma_wait3A_48 : memref<304xf32, #tpu.memory_space<hbm>>) dst(%arg6 : memref<304xf32, #tpu.memory_space<vmem>>)
        tpu.yield
      }) : () -> ()
      %mul3A_39 = arith.constant 304 : i32
      %mul3A_40 = arith.muli %add3A_8, %mul3A_39 : i32
      "tpu.region"() ({
        %run_scoped3A = tpu.sem_alloc : memref<!tpu.dma_semaphore, #tpu.memory_space<semaphore_mem>>
        %dma_start3A = tpu.memref_slice %arg3[%mul3A_40] : memref<24320xi32, #tpu.memory_space<hbm>> -> memref<304xi32, #tpu.memory_space<hbm>>
        %dma_start3A_47 = tpu.memref_slice %arg3[%mul3A_40] : memref<24320xi32, #tpu.memory_space<hbm>> -> memref<304xi32, #tpu.memory_space<hbm>>
        tpu.enqueue_dma source(%dma_start3A_47 : memref<304xi32, #tpu.memory_space<hbm>>) target(%arg7 : memref<304xi32, #tpu.memory_space<vmem>>) target_semaphore(%run_scoped3A : memref<!tpu.dma_semaphore, #tpu.memory_space<semaphore_mem>>)
        %dma_wait3A = tpu.memref_slice %arg3[%mul3A_40] : memref<24320xi32, #tpu.memory_space<hbm>> -> memref<304xi32, #tpu.memory_space<hbm>>
        %dma_wait3A_48 = tpu.memref_slice %arg3[%mul3A_40] : memref<24320xi32, #tpu.memory_space<hbm>> -> memref<304xi32, #tpu.memory_space<hbm>>
        tpu.wait_dma2 semaphore(%run_scoped3A : memref<!tpu.dma_semaphore, #tpu.memory_space<semaphore_mem>>) src(%dma_wait3A_48 : memref<304xi32, #tpu.memory_space<hbm>>) dst(%arg7 : memref<304xi32, #tpu.memory_space<vmem>>)
        tpu.yield
      }) : () -> ()
      %mul3A_41 = arith.constant 5520 : i32
      %mul3A_42 = arith.muli %add3A_12, %mul3A_41 : i32
      "tpu.region"() ({
        %run_scoped3A = tpu.sem_alloc : memref<!tpu.dma_semaphore, #tpu.memory_space<semaphore_mem>>
        %dma_start3A = tpu.memref_slice %arg9[%mul3A_42] : memref<264960xf32, #tpu.memory_space<vmem_shared>> -> memref<5520xf32, #tpu.memory_space<vmem_shared>>
        %dma_start3A_47 = tpu.memref_slice %arg9[%mul3A_42] : memref<264960xf32, #tpu.memory_space<vmem_shared>> -> memref<5520xf32, #tpu.memory_space<vmem_shared>>
        tpu.enqueue_dma source(%arg5 : memref<5520xf32, #tpu.memory_space<vmem>>) target(%dma_start3A_47 : memref<5520xf32, #tpu.memory_space<vmem_shared>>) target_semaphore(%run_scoped3A : memref<!tpu.dma_semaphore, #tpu.memory_space<semaphore_mem>>)
        %dma_wait3A = tpu.memref_slice %arg9[%mul3A_42] : memref<264960xf32, #tpu.memory_space<vmem_shared>> -> memref<5520xf32, #tpu.memory_space<vmem_shared>>
        %dma_wait3A_48 = tpu.memref_slice %arg9[%mul3A_42] : memref<264960xf32, #tpu.memory_space<vmem_shared>> -> memref<5520xf32, #tpu.memory_space<vmem_shared>>
        tpu.wait_dma2 semaphore(%run_scoped3A : memref<!tpu.dma_semaphore, #tpu.memory_space<semaphore_mem>>) src(%arg5 : memref<5520xf32, #tpu.memory_space<vmem>>) dst(%dma_wait3A_48 : memref<5520xf32, #tpu.memory_space<vmem_shared>>)
        tpu.yield
      }) : () -> ()
      "tpu.region"() ({
        %run_scoped3A = tpu.sem_alloc : memref<!tpu.dma_semaphore, #tpu.memory_space<semaphore_mem>>
        %dma_start3A = arith.constant 0 : i32
        %dma_start3A_47 = tpu.memref_slice %arg9[%dma_start3A] : memref<264960xf32, #tpu.memory_space<vmem_shared>> -> memref<264960xf32, #tpu.memory_space<vmem_shared>>
        tpu.enqueue_indirect_dma source(%arg6 : memref<304xf32, #tpu.memory_space<vmem>>) target(%dma_start3A_47 : memref<264960xf32, #tpu.memory_space<vmem_shared>>) offsets(%arg7 : memref<304xi32, #tpu.memory_space<vmem>>) semaphore(%run_scoped3A : memref<!tpu.dma_semaphore, #tpu.memory_space<semaphore_mem>>)
        %dma_wait3A = arith.constant 0 : i32
        %dma_wait3A_48 = tpu.memref_slice %arg9[%dma_wait3A] : memref<264960xf32, #tpu.memory_space<vmem_shared>> -> memref<264960xf32, #tpu.memory_space<vmem_shared>>
        tpu.wait_indirect_dma semaphore(%run_scoped3A : memref<!tpu.dma_semaphore, #tpu.memory_space<semaphore_mem>>) src(%arg6 : memref<304xf32, #tpu.memory_space<vmem>>) dst(%dma_wait3A_48 : memref<264960xf32, #tpu.memory_space<vmem_shared>>)
        tpu.yield
      }) : () -> ()
      %mul3A_43 = arith.constant 5520 : i32
      %mul3A_44 = arith.muli %add3A_12, %mul3A_43 : i32
      "tpu.region"() ({
        %run_scoped3A = tpu.sem_alloc : memref<!tpu.dma_semaphore, #tpu.memory_space<semaphore_mem>>
        %dma_start3A = tpu.memref_slice %arg9[%mul3A_44] : memref<264960xf32, #tpu.memory_space<vmem_shared>> -> memref<5520xf32, #tpu.memory_space<vmem_shared>>
        %dma_start3A_47 = tpu.memref_slice %arg9[%mul3A_44] : memref<264960xf32, #tpu.memory_space<vmem_shared>> -> memref<5520xf32, #tpu.memory_space<vmem_shared>>
        tpu.enqueue_dma source(%dma_start3A_47 : memref<5520xf32, #tpu.memory_space<vmem_shared>>) target(%arg8 : memref<5520xf32, #tpu.memory_space<vmem>>) target_semaphore(%run_scoped3A : memref<!tpu.dma_semaphore, #tpu.memory_space<semaphore_mem>>)
        %dma_wait3A = tpu.memref_slice %arg9[%mul3A_44] : memref<264960xf32, #tpu.memory_space<vmem_shared>> -> memref<5520xf32, #tpu.memory_space<vmem_shared>>
        %dma_wait3A_48 = tpu.memref_slice %arg9[%mul3A_44] : memref<264960xf32, #tpu.memory_space<vmem_shared>> -> memref<5520xf32, #tpu.memory_space<vmem_shared>>
        tpu.wait_dma2 semaphore(%run_scoped3A : memref<!tpu.dma_semaphore, #tpu.memory_space<semaphore_mem>>) src(%dma_wait3A_48 : memref<5520xf32, #tpu.memory_space<vmem_shared>>) dst(%arg8 : memref<5520xf32, #tpu.memory_space<vmem>>)
        tpu.yield
      }) : () -> ()
      %mul3A_45 = arith.constant 5000 : i32
      %mul3A_46 = arith.muli %add3A_8, %mul3A_45 : i32
      "tpu.region"() ({
        %run_scoped3A = tpu.sem_alloc : memref<!tpu.dma_semaphore, #tpu.memory_space<semaphore_mem>>
        %dma_start3A = arith.constant 0 : i32
        %dma_start3A_47 = tpu.memref_slice %arg8[%dma_start3A] : memref<5520xf32, #tpu.memory_space<vmem>> -> memref<5000xf32, #tpu.memory_space<vmem>>
        %dma_start3A_48 = tpu.memref_slice %arg4[%mul3A_46] : memref<400000xf32, #tpu.memory_space<hbm>> -> memref<5000xf32, #tpu.memory_space<hbm>>
        %dma_start3A_49 = tpu.memref_slice %arg4[%mul3A_46] : memref<400000xf32, #tpu.memory_space<hbm>> -> memref<5000xf32, #tpu.memory_space<hbm>>
        %dma_start3A_50 = arith.constant 0 : i32
        %dma_start3A_51 = tpu.memref_slice %arg8[%dma_start3A_50] : memref<5520xf32, #tpu.memory_space<vmem>> -> memref<5000xf32, #tpu.memory_space<vmem>>
        tpu.enqueue_dma source(%dma_start3A_51 : memref<5000xf32, #tpu.memory_space<vmem>>) target(%dma_start3A_49 : memref<5000xf32, #tpu.memory_space<hbm>>) target_semaphore(%run_scoped3A : memref<!tpu.dma_semaphore, #tpu.memory_space<semaphore_mem>>)
        %dma_wait3A = arith.constant 0 : i32
        %dma_wait3A_52 = tpu.memref_slice %arg8[%dma_wait3A] : memref<5520xf32, #tpu.memory_space<vmem>> -> memref<5000xf32, #tpu.memory_space<vmem>>
        %dma_wait3A_53 = tpu.memref_slice %arg4[%mul3A_46] : memref<400000xf32, #tpu.memory_space<hbm>> -> memref<5000xf32, #tpu.memory_space<hbm>>
        %dma_wait3A_54 = tpu.memref_slice %arg4[%mul3A_46] : memref<400000xf32, #tpu.memory_space<hbm>> -> memref<5000xf32, #tpu.memory_space<hbm>>
        %dma_wait3A_55 = arith.constant 0 : i32
        %dma_wait3A_56 = tpu.memref_slice %arg8[%dma_wait3A_55] : memref<5520xf32, #tpu.memory_space<vmem>> -> memref<5000xf32, #tpu.memory_space<vmem>>
        tpu.wait_dma2 semaphore(%run_scoped3A : memref<!tpu.dma_semaphore, #tpu.memory_space<semaphore_mem>>) src(%dma_wait3A_56 : memref<5000xf32, #tpu.memory_space<vmem>>) dst(%dma_wait3A_54 : memref<5000xf32, #tpu.memory_space<hbm>>)
        tpu.yield
      }) : () -> ()
    } else {
    }
    %add3A_15 = arith.constant 32 : i32
    %add3A_16 = arith.addi %add3A, %add3A_15 : i32
    %mul3A_17 = arith.constant 3 : i32
    %mul3A_18 = arith.muli %arg1, %mul3A_17 : i32
    %add3A_19 = arith.constant 1 : i32
    %add3A_20 = arith.addi %mul3A_18, %add3A_19 : i32
    %lt3A_21 = arith.constant 80 : i32
    %lt3A_22 = arith.cmpi slt, %add3A_16, %lt3A_21 : i32
    %convert_element_type3A_23 = arith.extui %lt3A_22 : i1 to i32
    %cond3A_24 = arith.constant 0 : i32
    %cond3A_25 = arith.cmpi ne, %convert_element_type3A_23, %cond3A_24 : i32
    scf.if %cond3A_25 {
      %mul3A_37 = arith.constant 304 : i32
      %mul3A_38 = arith.muli %add3A_16, %mul3A_37 : i32
      "tpu.region"() ({
        %run_scoped3A = tpu.sem_alloc : memref<!tpu.dma_semaphore, #tpu.memory_space<semaphore_mem>>
        %dma_start3A = tpu.memref_slice %arg2[%mul3A_38] : memref<24320xf32, #tpu.memory_space<hbm>> -> memref<304xf32, #tpu.memory_space<hbm>>
        %dma_start3A_47 = tpu.memref_slice %arg2[%mul3A_38] : memref<24320xf32, #tpu.memory_space<hbm>> -> memref<304xf32, #tpu.memory_space<hbm>>
        tpu.enqueue_dma source(%dma_start3A_47 : memref<304xf32, #tpu.memory_space<hbm>>) target(%arg6 : memref<304xf32, #tpu.memory_space<vmem>>) target_semaphore(%run_scoped3A : memref<!tpu.dma_semaphore, #tpu.memory_space<semaphore_mem>>)
        %dma_wait3A = tpu.memref_slice %arg2[%mul3A_38] : memref<24320xf32, #tpu.memory_space<hbm>> -> memref<304xf32, #tpu.memory_space<hbm>>
        %dma_wait3A_48 = tpu.memref_slice %arg2[%mul3A_38] : memref<24320xf32, #tpu.memory_space<hbm>> -> memref<304xf32, #tpu.memory_space<hbm>>
        tpu.wait_dma2 semaphore(%run_scoped3A : memref<!tpu.dma_semaphore, #tpu.memory_space<semaphore_mem>>) src(%dma_wait3A_48 : memref<304xf32, #tpu.memory_space<hbm>>) dst(%arg6 : memref<304xf32, #tpu.memory_space<vmem>>)
        tpu.yield
      }) : () -> ()
      %mul3A_39 = arith.constant 304 : i32
      %mul3A_40 = arith.muli %add3A_16, %mul3A_39 : i32
      "tpu.region"() ({
        %run_scoped3A = tpu.sem_alloc : memref<!tpu.dma_semaphore, #tpu.memory_space<semaphore_mem>>
        %dma_start3A = tpu.memref_slice %arg3[%mul3A_40] : memref<24320xi32, #tpu.memory_space<hbm>> -> memref<304xi32, #tpu.memory_space<hbm>>
        %dma_start3A_47 = tpu.memref_slice %arg3[%mul3A_40] : memref<24320xi32, #tpu.memory_space<hbm>> -> memref<304xi32, #tpu.memory_space<hbm>>
        tpu.enqueue_dma source(%dma_start3A_47 : memref<304xi32, #tpu.memory_space<hbm>>) target(%arg7 : memref<304xi32, #tpu.memory_space<vmem>>) target_semaphore(%run_scoped3A : memref<!tpu.dma_semaphore, #tpu.memory_space<semaphore_mem>>)
        %dma_wait3A = tpu.memref_slice %arg3[%mul3A_40] : memref<24320xi32, #tpu.memory_space<hbm>> -> memref<304xi32, #tpu.memory_space<hbm>>
        %dma_wait3A_48 = tpu.memref_slice %arg3[%mul3A_40] : memref<24320xi32, #tpu.memory_space<hbm>> -> memref<304xi32, #tpu.memory_space<hbm>>
        tpu.wait_dma2 semaphore(%run_scoped3A : memref<!tpu.dma_semaphore, #tpu.memory_space<semaphore_mem>>) src(%dma_wait3A_48 : memref<304xi32, #tpu.memory_space<hbm>>) dst(%arg7 : memref<304xi32, #tpu.memory_space<vmem>>)
        tpu.yield
      }) : () -> ()
      %mul3A_41 = arith.constant 5520 : i32
      %mul3A_42 = arith.muli %add3A_20, %mul3A_41 : i32
      "tpu.region"() ({
        %run_scoped3A = tpu.sem_alloc : memref<!tpu.dma_semaphore, #tpu.memory_space<semaphore_mem>>
        %dma_start3A = tpu.memref_slice %arg9[%mul3A_42] : memref<264960xf32, #tpu.memory_space<vmem_shared>> -> memref<5520xf32, #tpu.memory_space<vmem_shared>>
        %dma_start3A_47 = tpu.memref_slice %arg9[%mul3A_42] : memref<264960xf32, #tpu.memory_space<vmem_shared>> -> memref<5520xf32, #tpu.memory_space<vmem_shared>>
        tpu.enqueue_dma source(%arg5 : memref<5520xf32, #tpu.memory_space<vmem>>) target(%dma_start3A_47 : memref<5520xf32, #tpu.memory_space<vmem_shared>>) target_semaphore(%run_scoped3A : memref<!tpu.dma_semaphore, #tpu.memory_space<semaphore_mem>>)
        %dma_wait3A = tpu.memref_slice %arg9[%mul3A_42] : memref<264960xf32, #tpu.memory_space<vmem_shared>> -> memref<5520xf32, #tpu.memory_space<vmem_shared>>
        %dma_wait3A_48 = tpu.memref_slice %arg9[%mul3A_42] : memref<264960xf32, #tpu.memory_space<vmem_shared>> -> memref<5520xf32, #tpu.memory_space<vmem_shared>>
        tpu.wait_dma2 semaphore(%run_scoped3A : memref<!tpu.dma_semaphore, #tpu.memory_space<semaphore_mem>>) src(%arg5 : memref<5520xf32, #tpu.memory_space<vmem>>) dst(%dma_wait3A_48 : memref<5520xf32, #tpu.memory_space<vmem_shared>>)
        tpu.yield
      }) : () -> ()
      "tpu.region"() ({
        %run_scoped3A = tpu.sem_alloc : memref<!tpu.dma_semaphore, #tpu.memory_space<semaphore_mem>>
        %dma_start3A = arith.constant 0 : i32
        %dma_start3A_47 = tpu.memref_slice %arg9[%dma_start3A] : memref<264960xf32, #tpu.memory_space<vmem_shared>> -> memref<264960xf32, #tpu.memory_space<vmem_shared>>
        tpu.enqueue_indirect_dma source(%arg6 : memref<304xf32, #tpu.memory_space<vmem>>) target(%dma_start3A_47 : memref<264960xf32, #tpu.memory_space<vmem_shared>>) offsets(%arg7 : memref<304xi32, #tpu.memory_space<vmem>>) semaphore(%run_scoped3A : memref<!tpu.dma_semaphore, #tpu.memory_space<semaphore_mem>>)
        %dma_wait3A = arith.constant 0 : i32
        %dma_wait3A_48 = tpu.memref_slice %arg9[%dma_wait3A] : memref<264960xf32, #tpu.memory_space<vmem_shared>> -> memref<264960xf32, #tpu.memory_space<vmem_shared>>
        tpu.wait_indirect_dma semaphore(%run_scoped3A : memref<!tpu.dma_semaphore, #tpu.memory_space<semaphore_mem>>) src(%arg6 : memref<304xf32, #tpu.memory_space<vmem>>) dst(%dma_wait3A_48 : memref<264960xf32, #tpu.memory_space<vmem_shared>>)
        tpu.yield
      }) : () -> ()
      %mul3A_43 = arith.constant 5520 : i32
      %mul3A_44 = arith.muli %add3A_20, %mul3A_43 : i32
      "tpu.region"() ({
        %run_scoped3A = tpu.sem_alloc : memref<!tpu.dma_semaphore, #tpu.memory_space<semaphore_mem>>
        %dma_start3A = tpu.memref_slice %arg9[%mul3A_44] : memref<264960xf32, #tpu.memory_space<vmem_shared>> -> memref<5520xf32, #tpu.memory_space<vmem_shared>>
        %dma_start3A_47 = tpu.memref_slice %arg9[%mul3A_44] : memref<264960xf32, #tpu.memory_space<vmem_shared>> -> memref<5520xf32, #tpu.memory_space<vmem_shared>>
        tpu.enqueue_dma source(%dma_start3A_47 : memref<5520xf32, #tpu.memory_space<vmem_shared>>) target(%arg8 : memref<5520xf32, #tpu.memory_space<vmem>>) target_semaphore(%run_scoped3A : memref<!tpu.dma_semaphore, #tpu.memory_space<semaphore_mem>>)
        %dma_wait3A = tpu.memref_slice %arg9[%mul3A_44] : memref<264960xf32, #tpu.memory_space<vmem_shared>> -> memref<5520xf32, #tpu.memory_space<vmem_shared>>
        %dma_wait3A_48 = tpu.memref_slice %arg9[%mul3A_44] : memref<264960xf32, #tpu.memory_space<vmem_shared>> -> memref<5520xf32, #tpu.memory_space<vmem_shared>>
        tpu.wait_dma2 semaphore(%run_scoped3A : memref<!tpu.dma_semaphore, #tpu.memory_space<semaphore_mem>>) src(%dma_wait3A_48 : memref<5520xf32, #tpu.memory_space<vmem_shared>>) dst(%arg8 : memref<5520xf32, #tpu.memory_space<vmem>>)
        tpu.yield
      }) : () -> ()
      %mul3A_45 = arith.constant 5000 : i32
      %mul3A_46 = arith.muli %add3A_16, %mul3A_45 : i32
      "tpu.region"() ({
        %run_scoped3A = tpu.sem_alloc : memref<!tpu.dma_semaphore, #tpu.memory_space<semaphore_mem>>
        %dma_start3A = arith.constant 0 : i32
        %dma_start3A_47 = tpu.memref_slice %arg8[%dma_start3A] : memref<5520xf32, #tpu.memory_space<vmem>> -> memref<5000xf32, #tpu.memory_space<vmem>>
        %dma_start3A_48 = tpu.memref_slice %arg4[%mul3A_46] : memref<400000xf32, #tpu.memory_space<hbm>> -> memref<5000xf32, #tpu.memory_space<hbm>>
        %dma_start3A_49 = tpu.memref_slice %arg4[%mul3A_46] : memref<400000xf32, #tpu.memory_space<hbm>> -> memref<5000xf32, #tpu.memory_space<hbm>>
        %dma_start3A_50 = arith.constant 0 : i32
        %dma_start3A_51 = tpu.memref_slice %arg8[%dma_start3A_50] : memref<5520xf32, #tpu.memory_space<vmem>> -> memref<5000xf32, #tpu.memory_space<vmem>>
        tpu.enqueue_dma source(%dma_start3A_51 : memref<5000xf32, #tpu.memory_space<vmem>>) target(%dma_start3A_49 : memref<5000xf32, #tpu.memory_space<hbm>>) target_semaphore(%run_scoped3A : memref<!tpu.dma_semaphore, #tpu.memory_space<semaphore_mem>>)
        %dma_wait3A = arith.constant 0 : i32
        %dma_wait3A_52 = tpu.memref_slice %arg8[%dma_wait3A] : memref<5520xf32, #tpu.memory_space<vmem>> -> memref<5000xf32, #tpu.memory_space<vmem>>
        %dma_wait3A_53 = tpu.memref_slice %arg4[%mul3A_46] : memref<400000xf32, #tpu.memory_space<hbm>> -> memref<5000xf32, #tpu.memory_space<hbm>>
        %dma_wait3A_54 = tpu.memref_slice %arg4[%mul3A_46] : memref<400000xf32, #tpu.memory_space<hbm>> -> memref<5000xf32, #tpu.memory_space<hbm>>
        %dma_wait3A_55 = arith.constant 0 : i32
        %dma_wait3A_56 = tpu.memref_slice %arg8[%dma_wait3A_55] : memref<5520xf32, #tpu.memory_space<vmem>> -> memref<5000xf32, #tpu.memory_space<vmem>>
        tpu.wait_dma2 semaphore(%run_scoped3A : memref<!tpu.dma_semaphore, #tpu.memory_space<semaphore_mem>>) src(%dma_wait3A_56 : memref<5000xf32, #tpu.memory_space<vmem>>) dst(%dma_wait3A_54 : memref<5000xf32, #tpu.memory_space<hbm>>)
        tpu.yield
      }) : () -> ()
    } else {
    }
    %add3A_26 = arith.constant 64 : i32
    %add3A_27 = arith.addi %add3A, %add3A_26 : i32
    %mul3A_28 = arith.constant 3 : i32
    %mul3A_29 = arith.muli %arg1, %mul3A_28 : i32
    %add3A_30 = arith.constant 2 : i32
    %add3A_31 = arith.addi %mul3A_29, %add3A_30 : i32
    %lt3A_32 = arith.constant 80 : i32
    %lt3A_33 = arith.cmpi slt, %add3A_27, %lt3A_32 : i32
    %convert_element_type3A_34 = arith.extui %lt3A_33 : i1 to i32
    %cond3A_35 = arith.constant 0 : i32
    %cond3A_36 = arith.cmpi ne, %convert_element_type3A_34, %cond3A_35 : i32
    scf.if %cond3A_36 {
      %mul3A_37 = arith.constant 304 : i32
      %mul3A_38 = arith.muli %add3A_27, %mul3A_37 : i32
      "tpu.region"() ({
        %run_scoped3A = tpu.sem_alloc : memref<!tpu.dma_semaphore, #tpu.memory_space<semaphore_mem>>
        %dma_start3A = tpu.memref_slice %arg2[%mul3A_38] : memref<24320xf32, #tpu.memory_space<hbm>> -> memref<304xf32, #tpu.memory_space<hbm>>
        %dma_start3A_47 = tpu.memref_slice %arg2[%mul3A_38] : memref<24320xf32, #tpu.memory_space<hbm>> -> memref<304xf32, #tpu.memory_space<hbm>>
        tpu.enqueue_dma source(%dma_start3A_47 : memref<304xf32, #tpu.memory_space<hbm>>) target(%arg6 : memref<304xf32, #tpu.memory_space<vmem>>) target_semaphore(%run_scoped3A : memref<!tpu.dma_semaphore, #tpu.memory_space<semaphore_mem>>)
        %dma_wait3A = tpu.memref_slice %arg2[%mul3A_38] : memref<24320xf32, #tpu.memory_space<hbm>> -> memref<304xf32, #tpu.memory_space<hbm>>
        %dma_wait3A_48 = tpu.memref_slice %arg2[%mul3A_38] : memref<24320xf32, #tpu.memory_space<hbm>> -> memref<304xf32, #tpu.memory_space<hbm>>
        tpu.wait_dma2 semaphore(%run_scoped3A : memref<!tpu.dma_semaphore, #tpu.memory_space<semaphore_mem>>) src(%dma_wait3A_48 : memref<304xf32, #tpu.memory_space<hbm>>) dst(%arg6 : memref<304xf32, #tpu.memory_space<vmem>>)
        tpu.yield
      }) : () -> ()
      %mul3A_39 = arith.constant 304 : i32
      %mul3A_40 = arith.muli %add3A_27, %mul3A_39 : i32
      "tpu.region"() ({
        %run_scoped3A = tpu.sem_alloc : memref<!tpu.dma_semaphore, #tpu.memory_space<semaphore_mem>>
        %dma_start3A = tpu.memref_slice %arg3[%mul3A_40] : memref<24320xi32, #tpu.memory_space<hbm>> -> memref<304xi32, #tpu.memory_space<hbm>>
        %dma_start3A_47 = tpu.memref_slice %arg3[%mul3A_40] : memref<24320xi32, #tpu.memory_space<hbm>> -> memref<304xi32, #tpu.memory_space<hbm>>
        tpu.enqueue_dma source(%dma_start3A_47 : memref<304xi32, #tpu.memory_space<hbm>>) target(%arg7 : memref<304xi32, #tpu.memory_space<vmem>>) target_semaphore(%run_scoped3A : memref<!tpu.dma_semaphore, #tpu.memory_space<semaphore_mem>>)
        %dma_wait3A = tpu.memref_slice %arg3[%mul3A_40] : memref<24320xi32, #tpu.memory_space<hbm>> -> memref<304xi32, #tpu.memory_space<hbm>>
        %dma_wait3A_48 = tpu.memref_slice %arg3[%mul3A_40] : memref<24320xi32, #tpu.memory_space<hbm>> -> memref<304xi32, #tpu.memory_space<hbm>>
        tpu.wait_dma2 semaphore(%run_scoped3A : memref<!tpu.dma_semaphore, #tpu.memory_space<semaphore_mem>>) src(%dma_wait3A_48 : memref<304xi32, #tpu.memory_space<hbm>>) dst(%arg7 : memref<304xi32, #tpu.memory_space<vmem>>)
        tpu.yield
      }) : () -> ()
      %mul3A_41 = arith.constant 5520 : i32
      %mul3A_42 = arith.muli %add3A_31, %mul3A_41 : i32
      "tpu.region"() ({
        %run_scoped3A = tpu.sem_alloc : memref<!tpu.dma_semaphore, #tpu.memory_space<semaphore_mem>>
        %dma_start3A = tpu.memref_slice %arg9[%mul3A_42] : memref<264960xf32, #tpu.memory_space<vmem_shared>> -> memref<5520xf32, #tpu.memory_space<vmem_shared>>
        %dma_start3A_47 = tpu.memref_slice %arg9[%mul3A_42] : memref<264960xf32, #tpu.memory_space<vmem_shared>> -> memref<5520xf32, #tpu.memory_space<vmem_shared>>
        tpu.enqueue_dma source(%arg5 : memref<5520xf32, #tpu.memory_space<vmem>>) target(%dma_start3A_47 : memref<5520xf32, #tpu.memory_space<vmem_shared>>) target_semaphore(%run_scoped3A : memref<!tpu.dma_semaphore, #tpu.memory_space<semaphore_mem>>)
        %dma_wait3A = tpu.memref_slice %arg9[%mul3A_42] : memref<264960xf32, #tpu.memory_space<vmem_shared>> -> memref<5520xf32, #tpu.memory_space<vmem_shared>>
        %dma_wait3A_48 = tpu.memref_slice %arg9[%mul3A_42] : memref<264960xf32, #tpu.memory_space<vmem_shared>> -> memref<5520xf32, #tpu.memory_space<vmem_shared>>
        tpu.wait_dma2 semaphore(%run_scoped3A : memref<!tpu.dma_semaphore, #tpu.memory_space<semaphore_mem>>) src(%arg5 : memref<5520xf32, #tpu.memory_space<vmem>>) dst(%dma_wait3A_48 : memref<5520xf32, #tpu.memory_space<vmem_shared>>)
        tpu.yield
      }) : () -> ()
      "tpu.region"() ({
        %run_scoped3A = tpu.sem_alloc : memref<!tpu.dma_semaphore, #tpu.memory_space<semaphore_mem>>
        %dma_start3A = arith.constant 0 : i32
        %dma_start3A_47 = tpu.memref_slice %arg9[%dma_start3A] : memref<264960xf32, #tpu.memory_space<vmem_shared>> -> memref<264960xf32, #tpu.memory_space<vmem_shared>>
        tpu.enqueue_indirect_dma source(%arg6 : memref<304xf32, #tpu.memory_space<vmem>>) target(%dma_start3A_47 : memref<264960xf32, #tpu.memory_space<vmem_shared>>) offsets(%arg7 : memref<304xi32, #tpu.memory_space<vmem>>) semaphore(%run_scoped3A : memref<!tpu.dma_semaphore, #tpu.memory_space<semaphore_mem>>)
        %dma_wait3A = arith.constant 0 : i32
        %dma_wait3A_48 = tpu.memref_slice %arg9[%dma_wait3A] : memref<264960xf32, #tpu.memory_space<vmem_shared>> -> memref<264960xf32, #tpu.memory_space<vmem_shared>>
        tpu.wait_indirect_dma semaphore(%run_scoped3A : memref<!tpu.dma_semaphore, #tpu.memory_space<semaphore_mem>>) src(%arg6 : memref<304xf32, #tpu.memory_space<vmem>>) dst(%dma_wait3A_48 : memref<264960xf32, #tpu.memory_space<vmem_shared>>)
        tpu.yield
      }) : () -> ()
      %mul3A_43 = arith.constant 5520 : i32
      %mul3A_44 = arith.muli %add3A_31, %mul3A_43 : i32
      "tpu.region"() ({
        %run_scoped3A = tpu.sem_alloc : memref<!tpu.dma_semaphore, #tpu.memory_space<semaphore_mem>>
        %dma_start3A = tpu.memref_slice %arg9[%mul3A_44] : memref<264960xf32, #tpu.memory_space<vmem_shared>> -> memref<5520xf32, #tpu.memory_space<vmem_shared>>
        %dma_start3A_47 = tpu.memref_slice %arg9[%mul3A_44] : memref<264960xf32, #tpu.memory_space<vmem_shared>> -> memref<5520xf32, #tpu.memory_space<vmem_shared>>
        tpu.enqueue_dma source(%dma_start3A_47 : memref<5520xf32, #tpu.memory_space<vmem_shared>>) target(%arg8 : memref<5520xf32, #tpu.memory_space<vmem>>) target_semaphore(%run_scoped3A : memref<!tpu.dma_semaphore, #tpu.memory_space<semaphore_mem>>)
        %dma_wait3A = tpu.memref_slice %arg9[%mul3A_44] : memref<264960xf32, #tpu.memory_space<vmem_shared>> -> memref<5520xf32, #tpu.memory_space<vmem_shared>>
        %dma_wait3A_48 = tpu.memref_slice %arg9[%mul3A_44] : memref<264960xf32, #tpu.memory_space<vmem_shared>> -> memref<5520xf32, #tpu.memory_space<vmem_shared>>
        tpu.wait_dma2 semaphore(%run_scoped3A : memref<!tpu.dma_semaphore, #tpu.memory_space<semaphore_mem>>) src(%dma_wait3A_48 : memref<5520xf32, #tpu.memory_space<vmem_shared>>) dst(%arg8 : memref<5520xf32, #tpu.memory_space<vmem>>)
        tpu.yield
      }) : () -> ()
      %mul3A_45 = arith.constant 5000 : i32
      %mul3A_46 = arith.muli %add3A_27, %mul3A_45 : i32
      "tpu.region"() ({
        %run_scoped3A = tpu.sem_alloc : memref<!tpu.dma_semaphore, #tpu.memory_space<semaphore_mem>>
        %dma_start3A = arith.constant 0 : i32
        %dma_start3A_47 = tpu.memref_slice %arg8[%dma_start3A] : memref<5520xf32, #tpu.memory_space<vmem>> -> memref<5000xf32, #tpu.memory_space<vmem>>
        %dma_start3A_48 = tpu.memref_slice %arg4[%mul3A_46] : memref<400000xf32, #tpu.memory_space<hbm>> -> memref<5000xf32, #tpu.memory_space<hbm>>
        %dma_start3A_49 = tpu.memref_slice %arg4[%mul3A_46] : memref<400000xf32, #tpu.memory_space<hbm>> -> memref<5000xf32, #tpu.memory_space<hbm>>
        %dma_start3A_50 = arith.constant 0 : i32
        %dma_start3A_51 = tpu.memref_slice %arg8[%dma_start3A_50] : memref<5520xf32, #tpu.memory_space<vmem>> -> memref<5000xf32, #tpu.memory_space<vmem>>
        tpu.enqueue_dma source(%dma_start3A_51 : memref<5000xf32, #tpu.memory_space<vmem>>) target(%dma_start3A_49 : memref<5000xf32, #tpu.memory_space<hbm>>) target_semaphore(%run_scoped3A : memref<!tpu.dma_semaphore, #tpu.memory_space<semaphore_mem>>)
        %dma_wait3A = arith.constant 0 : i32
        %dma_wait3A_52 = tpu.memref_slice %arg8[%dma_wait3A] : memref<5520xf32, #tpu.memory_space<vmem>> -> memref<5000xf32, #tpu.memory_space<vmem>>
        %dma_wait3A_53 = tpu.memref_slice %arg4[%mul3A_46] : memref<400000xf32, #tpu.memory_space<hbm>> -> memref<5000xf32, #tpu.memory_space<hbm>>
        %dma_wait3A_54 = tpu.memref_slice %arg4[%mul3A_46] : memref<400000xf32, #tpu.memory_space<hbm>> -> memref<5000xf32, #tpu.memory_space<hbm>>
        %dma_wait3A_55 = arith.constant 0 : i32
        %dma_wait3A_56 = tpu.memref_slice %arg8[%dma_wait3A_55] : memref<5520xf32, #tpu.memory_space<vmem>> -> memref<5000xf32, #tpu.memory_space<vmem>>
        tpu.wait_dma2 semaphore(%run_scoped3A : memref<!tpu.dma_semaphore, #tpu.memory_space<semaphore_mem>>) src(%dma_wait3A_56 : memref<5000xf32, #tpu.memory_space<vmem>>) dst(%dma_wait3A_54 : memref<5000xf32, #tpu.memory_space<hbm>>)
        tpu.yield
      }) : () -> ()
    } else {
    }
    return
  }
}

module attributes {stable_mosaic.version = 14 : i64} {
  func.func @_prep_kernel(%arg0: memref<81x5000xf32, #tpu.memory_space<vmem>>, %arg1: memref<4x81x5000xf32, #tpu.memory_space<vmem>>, %arg2: memref<4x5000xf32, #tpu.memory_space<vmem>>, %arg3: memref<81x5000xf32, #tpu.memory_space<vmem>>, %arg4: memref<4x81x5000xf32, #tpu.memory_space<vmem>>, %arg5: memref<80x5000xi32, #tpu.memory_space<vmem>>) attributes {dimension_semantics = [], scalar_prefetch = 0 : i64, scratch_operands = 0 : i64, tpu.core_type = #tpu.core_type<tc>} {
    %get3A = arith.constant 0 : index
    %get3A_0 = arith.constant 0 : index
    %get3A_1 = vector.load %arg0[%get3A, %get3A_0] : memref<81x5000xf32, #tpu.memory_space<vmem>>, vector<81x5000xf32>
    %reduce_max3A = arith.constant dense<0xFF800000> : vector<5000xf32>
    %reduce_max3A_2 = vector.multi_reduction <maximumf>, %get3A_1, %reduce_max3A [0] : vector<81x5000xf32> to vector<5000xf32>
    %broadcast_in_dim3A = vector.shape_cast %reduce_max3A_2 : vector<5000xf32> to vector<1x5000xf32>
    %sub3A = vector.broadcast %broadcast_in_dim3A : vector<1x5000xf32> to vector<81x5000xf32>
    %sub3A_3 = arith.subf %get3A_1, %sub3A : vector<81x5000xf32>
    %exp3A = math.exp %sub3A_3 : vector<81x5000xf32>
    %reduce_sum3A = arith.constant dense<0.000000e+00> : vector<5000xf32>
    %reduce_sum3A_4 = vector.multi_reduction <add>, %exp3A, %reduce_sum3A [0] : vector<81x5000xf32> to vector<5000xf32>
    %broadcast_in_dim3A_5 = vector.shape_cast %reduce_sum3A_4 : vector<5000xf32> to vector<1x5000xf32>
    %div3A = vector.broadcast %broadcast_in_dim3A_5 : vector<1x5000xf32> to vector<81x5000xf32>
    %div3A_6 = arith.divf %exp3A, %div3A : vector<81x5000xf32>
    %swap3A = arith.constant 0 : index
    %swap3A_7 = arith.constant 0 : index
    %swap3A_8 = vector.load %arg3[%swap3A, %swap3A_7] : memref<81x5000xf32, #tpu.memory_space<vmem>>, vector<81x5000xf32>
    tpu.vector_store %arg3[%swap3A, %swap3A_7], %div3A_6 {strides = array<i32>} : memref<81x5000xf32, #tpu.memory_space<vmem>>, vector<81x5000xf32>,
    %get3A_9 = arith.constant 0 : index
    %get3A_10 = arith.constant 0 : index
    %get3A_11 = vector.load %arg2[%get3A_9, %get3A_10] : memref<4x5000xf32, #tpu.memory_space<vmem>>, vector<4x5000xf32>
    %slice3A = vector.extract_strided_slice %get3A_11 {offsets = [0, 0], sizes = [1, 5000], strides = [1, 1]} : vector<4x5000xf32> to vector<1x5000xf32>
    %slice3A_12 = vector.extract_strided_slice %get3A_11 {offsets = [1, 0], sizes = [1, 5000], strides = [1, 1]} : vector<4x5000xf32> to vector<1x5000xf32>
    %slice3A_13 = vector.extract_strided_slice %get3A_11 {offsets = [2, 0], sizes = [1, 5000], strides = [1, 1]} : vector<4x5000xf32> to vector<1x5000xf32>
    %slice3A_14 = vector.extract_strided_slice %get3A_11 {offsets = [3, 0], sizes = [1, 5000], strides = [1, 1]} : vector<4x5000xf32> to vector<1x5000xf32>
    %sub3A_15 = arith.subf %slice3A_13, %slice3A : vector<1x5000xf32>
    %add3A = arith.constant 1.000000e+00 : f32
    %add3A_16 = vector.broadcast %add3A : f32 to vector<1x5000xf32>
    %add3A_17 = arith.addf %sub3A_15, %add3A_16 : vector<1x5000xf32>
    %sub3A_18 = arith.subf %slice3A_14, %slice3A_12 : vector<1x5000xf32>
    %add3A_19 = arith.constant 1.000000e+00 : f32
    %add3A_20 = vector.broadcast %add3A_19 : f32 to vector<1x5000xf32>
    %add3A_21 = arith.addf %sub3A_18, %add3A_20 : vector<1x5000xf32>
    %mul3A = arith.constant 5.000000e-01 : f32
    %mul3A_22 = vector.broadcast %mul3A : f32 to vector<1x5000xf32>
    %mul3A_23 = arith.mulf %mul3A_22, %add3A_17 : vector<1x5000xf32>
    %add3A_24 = arith.addf %slice3A, %mul3A_23 : vector<1x5000xf32>
    %mul3A_25 = arith.constant 5.000000e-01 : f32
    %mul3A_26 = vector.broadcast %mul3A_25 : f32 to vector<1x5000xf32>
    %mul3A_27 = arith.mulf %mul3A_26, %add3A_21 : vector<1x5000xf32>
    %add3A_28 = arith.addf %slice3A_12, %mul3A_27 : vector<1x5000xf32>
    %get3A_29 = arith.constant 0 : index
    %get3A_30 = arith.constant 0 : index
    %get3A_31 = arith.constant 0 : index
    %get3A_32 = vector.load %arg1[%get3A_29, %get3A_30, %get3A_31] : memref<4x81x5000xf32, #tpu.memory_space<vmem>>, vector<4x81x5000xf32>
    %slice3A_33 = vector.extract_strided_slice %get3A_32 {offsets = [0, 0, 0], sizes = [1, 81, 5000], strides = [1, 1, 1]} : vector<4x81x5000xf32> to vector<1x81x5000xf32>
    %squeeze3A = vector.shape_cast %slice3A_33 : vector<1x81x5000xf32> to vector<81x5000xf32>
    %div3A_34 = arith.constant 1.000000e+01 : f32
    %div3A_35 = vector.broadcast %div3A_34 : f32 to vector<81x5000xf32>
    %div3A_36 = arith.divf %squeeze3A, %div3A_35 : vector<81x5000xf32>
    %slice3A_37 = vector.extract_strided_slice %get3A_32 {offsets = [1, 0, 0], sizes = [1, 81, 5000], strides = [1, 1, 1]} : vector<4x81x5000xf32> to vector<1x81x5000xf32>
    %squeeze3A_38 = vector.shape_cast %slice3A_37 : vector<1x81x5000xf32> to vector<81x5000xf32>
    %div3A_39 = arith.constant 1.000000e+01 : f32
    %div3A_40 = vector.broadcast %div3A_39 : f32 to vector<81x5000xf32>
    %div3A_41 = arith.divf %squeeze3A_38, %div3A_40 : vector<81x5000xf32>
    %slice3A_42 = vector.extract_strided_slice %get3A_32 {offsets = [2, 0, 0], sizes = [1, 81, 5000], strides = [1, 1, 1]} : vector<4x81x5000xf32> to vector<1x81x5000xf32>
    %squeeze3A_43 = vector.shape_cast %slice3A_42 : vector<1x81x5000xf32> to vector<81x5000xf32>
    %div3A_44 = arith.constant 5.000000e+00 : f32
    %div3A_45 = vector.broadcast %div3A_44 : f32 to vector<81x5000xf32>
    %div3A_46 = arith.divf %squeeze3A_43, %div3A_45 : vector<81x5000xf32>
    %min3A = arith.constant 4.13516665 : f32
    %min3A_47 = vector.broadcast %min3A : f32 to vector<81x5000xf32>
    %min3A_48 = arith.minimumf %div3A_46, %min3A_47 : vector<81x5000xf32>
    %slice3A_49 = vector.extract_strided_slice %get3A_32 {offsets = [3, 0, 0], sizes = [1, 81, 5000], strides = [1, 1, 1]} : vector<4x81x5000xf32> to vector<1x81x5000xf32>
    %squeeze3A_50 = vector.shape_cast %slice3A_49 : vector<1x81x5000xf32> to vector<81x5000xf32>
    %div3A_51 = arith.constant 5.000000e+00 : f32
    %div3A_52 = vector.broadcast %div3A_51 : f32 to vector<81x5000xf32>
    %div3A_53 = arith.divf %squeeze3A_50, %div3A_52 : vector<81x5000xf32>
    %min3A_54 = arith.constant 4.13516665 : f32
    %min3A_55 = vector.broadcast %min3A_54 : f32 to vector<81x5000xf32>
    %min3A_56 = arith.minimumf %div3A_53, %min3A_55 : vector<81x5000xf32>
    %mul3A_57 = vector.broadcast %add3A_17 : vector<1x5000xf32> to vector<81x5000xf32>
    %mul3A_58 = arith.mulf %div3A_36, %mul3A_57 : vector<81x5000xf32>
    %add3A_59 = vector.broadcast %add3A_24 : vector<1x5000xf32> to vector<81x5000xf32>
    %add3A_60 = arith.addf %mul3A_58, %add3A_59 : vector<81x5000xf32>
    %mul3A_61 = vector.broadcast %add3A_21 : vector<1x5000xf32> to vector<81x5000xf32>
    %mul3A_62 = arith.mulf %div3A_41, %mul3A_61 : vector<81x5000xf32>
    %add3A_63 = vector.broadcast %add3A_28 : vector<1x5000xf32> to vector<81x5000xf32>
    %add3A_64 = arith.addf %mul3A_62, %add3A_63 : vector<81x5000xf32>
    %exp3A_65 = math.exp %min3A_48 : vector<81x5000xf32>
    %mul3A_66 = vector.broadcast %add3A_17 : vector<1x5000xf32> to vector<81x5000xf32>
    %mul3A_67 = arith.mulf %exp3A_65, %mul3A_66 : vector<81x5000xf32>
    %exp3A_68 = math.exp %min3A_56 : vector<81x5000xf32>
    %mul3A_69 = vector.broadcast %add3A_21 : vector<1x5000xf32> to vector<81x5000xf32>
    %mul3A_70 = arith.mulf %exp3A_68, %mul3A_69 : vector<81x5000xf32>
    %mul3A_71 = arith.constant 5.000000e-01 : f32
    %mul3A_72 = vector.broadcast %mul3A_71 : f32 to vector<81x5000xf32>
    %mul3A_73 = arith.mulf %mul3A_72, %mul3A_67 : vector<81x5000xf32>
    %sub3A_74 = arith.subf %add3A_60, %mul3A_73 : vector<81x5000xf32>
    %jit3A = arith.constant 0.000000e+00 : f32
    %jit3A_75 = arith.constant 1.215000e+03 : f32
    %max3A = vector.broadcast %jit3A : f32 to vector<81x5000xf32>
    %max3A_76 = arith.maximumf %max3A, %sub3A_74 : vector<81x5000xf32>
    %min3A_77 = vector.broadcast %jit3A_75 : f32 to vector<81x5000xf32>
    %min3A_78 = arith.minimumf %min3A_77, %max3A_76 : vector<81x5000xf32>
    %swap3A_79 = arith.constant 0 : index
    %swap3A_80 = arith.constant 0 : index
    %swap3A_81 = arith.constant 0 : index
    %swap3A_82 = vector.load %arg4[%swap3A_79, %swap3A_80, %swap3A_81] : memref<4x81x5000xf32, #tpu.memory_space<vmem>>, vector<1x81x5000xf32>
    %swap3A_83 = vector.shape_cast %swap3A_82 : vector<1x81x5000xf32> to vector<81x5000xf32>
    %swap3A_84 = vector.shape_cast %min3A_78 : vector<81x5000xf32> to vector<1x81x5000xf32>
    tpu.vector_store %arg4[%swap3A_79, %swap3A_80, %swap3A_81], %swap3A_84 {strides = array<i32>} : memref<4x81x5000xf32, #tpu.memory_space<vmem>>, vector<1x81x5000xf32>,
    %mul3A_85 = arith.constant 5.000000e-01 : f32
    %mul3A_86 = vector.broadcast %mul3A_85 : f32 to vector<81x5000xf32>
    %mul3A_87 = arith.mulf %mul3A_86, %mul3A_70 : vector<81x5000xf32>
    %sub3A_88 = arith.subf %add3A_64, %mul3A_87 : vector<81x5000xf32>
    %jit3A_89 = arith.constant 0.000000e+00 : f32
    %jit3A_90 = arith.constant 7.990000e+02 : f32
    %max3A_91 = vector.broadcast %jit3A_89 : f32 to vector<81x5000xf32>
    %max3A_92 = arith.maximumf %max3A_91, %sub3A_88 : vector<81x5000xf32>
    %min3A_93 = vector.broadcast %jit3A_90 : f32 to vector<81x5000xf32>
    %min3A_94 = arith.minimumf %min3A_93, %max3A_92 : vector<81x5000xf32>
    %swap3A_95 = arith.constant 1 : index
    %swap3A_96 = arith.constant 0 : index
    %swap3A_97 = arith.constant 0 : index
    %swap3A_98 = vector.load %arg4[%swap3A_95, %swap3A_96, %swap3A_97] : memref<4x81x5000xf32, #tpu.memory_space<vmem>>, vector<1x81x5000xf32>
    %swap3A_99 = vector.shape_cast %swap3A_98 : vector<1x81x5000xf32> to vector<81x5000xf32>
    %swap3A_100 = vector.shape_cast %min3A_94 : vector<81x5000xf32> to vector<1x81x5000xf32>
    tpu.vector_store %arg4[%swap3A_95, %swap3A_96, %swap3A_97], %swap3A_100 {strides = array<i32>} : memref<4x81x5000xf32, #tpu.memory_space<vmem>>, vector<1x81x5000xf32>,
    %mul3A_101 = arith.constant 5.000000e-01 : f32
    %mul3A_102 = vector.broadcast %mul3A_101 : f32 to vector<81x5000xf32>
    %mul3A_103 = arith.mulf %mul3A_102, %mul3A_67 : vector<81x5000xf32>
    %add3A_104 = arith.addf %add3A_60, %mul3A_103 : vector<81x5000xf32>
    %sub3A_105 = arith.constant 1.000000e+00 : f32
    %sub3A_106 = vector.broadcast %sub3A_105 : f32 to vector<81x5000xf32>
    %sub3A_107 = arith.subf %add3A_104, %sub3A_106 : vector<81x5000xf32>
    %jit3A_108 = arith.constant 0.000000e+00 : f32
    %jit3A_109 = arith.constant 1.215000e+03 : f32
    %max3A_110 = vector.broadcast %jit3A_108 : f32 to vector<81x5000xf32>
    %max3A_111 = arith.maximumf %max3A_110, %sub3A_107 : vector<81x5000xf32>
    %min3A_112 = vector.broadcast %jit3A_109 : f32 to vector<81x5000xf32>
    %min3A_113 = arith.minimumf %min3A_112, %max3A_111 : vector<81x5000xf32>
    %swap3A_114 = arith.constant 2 : index
    %swap3A_115 = arith.constant 0 : index
    %swap3A_116 = arith.constant 0 : index
    %swap3A_117 = vector.load %arg4[%swap3A_114, %swap3A_115, %swap3A_116] : memref<4x81x5000xf32, #tpu.memory_space<vmem>>, vector<1x81x5000xf32>
    %swap3A_118 = vector.shape_cast %swap3A_117 : vector<1x81x5000xf32> to vector<81x5000xf32>
    %swap3A_119 = vector.shape_cast %min3A_113 : vector<81x5000xf32> to vector<1x81x5000xf32>
    tpu.vector_store %arg4[%swap3A_114, %swap3A_115, %swap3A_116], %swap3A_119 {strides = array<i32>} : memref<4x81x5000xf32, #tpu.memory_space<vmem>>, vector<1x81x5000xf32>,
    %mul3A_120 = arith.constant 5.000000e-01 : f32
    %mul3A_121 = vector.broadcast %mul3A_120 : f32 to vector<81x5000xf32>
    %mul3A_122 = arith.mulf %mul3A_121, %mul3A_70 : vector<81x5000xf32>
    %add3A_123 = arith.addf %add3A_64, %mul3A_122 : vector<81x5000xf32>
    %sub3A_124 = arith.constant 1.000000e+00 : f32
    %sub3A_125 = vector.broadcast %sub3A_124 : f32 to vector<81x5000xf32>
    %sub3A_126 = arith.subf %add3A_123, %sub3A_125 : vector<81x5000xf32>
    %jit3A_127 = arith.constant 0.000000e+00 : f32
    %jit3A_128 = arith.constant 7.990000e+02 : f32
    %max3A_129 = vector.broadcast %jit3A_127 : f32 to vector<81x5000xf32>
    %max3A_130 = arith.maximumf %max3A_129, %sub3A_126 : vector<81x5000xf32>
    %min3A_131 = vector.broadcast %jit3A_128 : f32 to vector<81x5000xf32>
    %min3A_132 = arith.minimumf %min3A_131, %max3A_130 : vector<81x5000xf32>
    %swap3A_133 = arith.constant 3 : index
    %swap3A_134 = arith.constant 0 : index
    %swap3A_135 = arith.constant 0 : index
    %swap3A_136 = vector.load %arg4[%swap3A_133, %swap3A_134, %swap3A_135] : memref<4x81x5000xf32, #tpu.memory_space<vmem>>, vector<1x81x5000xf32>
    %swap3A_137 = vector.shape_cast %swap3A_136 : vector<1x81x5000xf32> to vector<81x5000xf32>
    %swap3A_138 = vector.shape_cast %min3A_132 : vector<81x5000xf32> to vector<1x81x5000xf32>
    tpu.vector_store %arg4[%swap3A_133, %swap3A_134, %swap3A_135], %swap3A_138 {strides = array<i32>} : memref<4x81x5000xf32, #tpu.memory_space<vmem>>, vector<1x81x5000xf32>,
    %slice3A_139 = vector.extract_strided_slice %div3A_6 {offsets = [1, 0], sizes = [80, 5000], strides = [1, 1]} : vector<81x5000xf32> to vector<80x5000xf32>
    %broadcast_in_dim3A_140 = arith.constant 5.000000e-02 : f32
    %broadcast_in_dim3A_141 = vector.broadcast %broadcast_in_dim3A_140 : f32 to vector<80x1xf32>
    %broadcast_in_dim3A_142 = arith.constant 1.000000e+00 : f32
    %broadcast_in_dim3A_143 = vector.broadcast %broadcast_in_dim3A_142 : f32 to vector<80x1xf32>
    %scan3A = arith.constant 0 : i32
    %scan3A_144 = arith.constant 30 : i32
    %scan3A_145 = arith.addi %scan3A, %scan3A_144 : i32
    %scan3A_146 = arith.constant 1 : i32
    %scan3A_147:2 = scf.for %scan3A_313 = %scan3A to %scan3A_145 step %scan3A_146 iter_args(%scan3A_314 = %broadcast_in_dim3A_141, %scan3A_315 = %broadcast_in_dim3A_143) -> (vector<80x1xf32>, vector<80x1xf32>)  : i32 {
      %add3A_316 = arith.addf %scan3A_314, %scan3A_315 : vector<80x1xf32>
      %mul3A_317 = arith.constant 5.000000e-01 : f32
      %mul3A_318 = vector.broadcast %mul3A_317 : f32 to vector<80x1xf32>
      %mul3A_319 = arith.mulf %mul3A_318, %add3A_316 : vector<80x1xf32>
      %gt3A_320 = vector.broadcast %mul3A_319 : vector<80x1xf32> to vector<80x5000xf32>
      %gt3A_321 = arith.cmpf ogt, %slice3A_139, %gt3A_320 : vector<80x5000xf32>
      %jit3A_322 = arith.constant 1.000000e+00 : f32
      %jit3A_323 = arith.constant 0.000000e+00 : f32
      %broadcast_in_dim3A_324 = vector.broadcast %jit3A_322 : f32 to vector<80x5000xf32>
      %broadcast_in_dim3A_325 = vector.broadcast %jit3A_323 : f32 to vector<80x5000xf32>
      %select_n3A_326 = arith.select %gt3A_321, %broadcast_in_dim3A_324, %broadcast_in_dim3A_325 : vector<80x5000xi1>, vector<80x5000xf32>
      %reduce_sum3A_327 = arith.constant dense<0.000000e+00> : vector<80xf32>
      %reduce_sum3A_328 = vector.multi_reduction <add>, %select_n3A_326, %reduce_sum3A_327 [1] : vector<80x5000xf32> to vector<80xf32>
      %broadcast_in_dim3A_329 = vector.shape_cast %reduce_sum3A_328 : vector<80xf32> to vector<80x1xf32>
      %ge3A = arith.constant 3.000000e+02 : f32
      %ge3A_330 = vector.broadcast %ge3A : f32 to vector<80x1xf32>
      %ge3A_331 = arith.cmpf oge, %broadcast_in_dim3A_329, %ge3A_330 : vector<80x1xf32>
      %select_n3A_332 = arith.select %ge3A_331, %mul3A_319, %scan3A_314 : vector<80x1xi1>, vector<80x1xf32>
      %select_n3A_333 = arith.select %ge3A_331, %scan3A_315, %mul3A_319 : vector<80x1xi1>, vector<80x1xf32>
      scf.yield %select_n3A_332, %select_n3A_333 : vector<80x1xf32>, vector<80x1xf32>
    }
    %gt3A = vector.broadcast %scan3A_147#0 : vector<80x1xf32> to vector<80x5000xf32>
    %gt3A_148 = arith.cmpf ogt, %slice3A_139, %gt3A : vector<80x5000xf32>
    %jit3A_149 = arith.constant 1 : i32
    %jit3A_150 = arith.constant 0 : i32
    %broadcast_in_dim3A_151 = vector.broadcast %jit3A_149 : i32 to vector<80x5000xi32>
    %broadcast_in_dim3A_152 = vector.broadcast %jit3A_150 : i32 to vector<80x5000xi32>
    %select_n3A = arith.select %gt3A_148, %broadcast_in_dim3A_151, %broadcast_in_dim3A_152 : vector<80x5000xi1>, vector<80x5000xi32>
    %broadcast_in_dim3A_153 = arith.constant 0 : i32
    %broadcast_in_dim3A_154 = vector.broadcast %broadcast_in_dim3A_153 : i32 to vector<80x1xi32>
    %slice3A_155 = vector.extract_strided_slice %select_n3A {offsets = [0, 0], sizes = [80, 4999], strides = [1, 1]} : vector<80x5000xi32> to vector<80x4999xi32>
    %concatenate3A = tpu.concatenate %broadcast_in_dim3A_154, %slice3A_155 in 1 : vector<80x1xi32>, vector<80x4999xi32> -> vector<80x5000xi32>
    %add3A_156 = arith.addi %select_n3A, %concatenate3A : vector<80x5000xi32>
    %broadcast_in_dim3A_157 = arith.constant 0 : i32
    %broadcast_in_dim3A_158 = vector.broadcast %broadcast_in_dim3A_157 : i32 to vector<80x2xi32>
    %slice3A_159 = vector.extract_strided_slice %add3A_156 {offsets = [0, 0], sizes = [80, 4998], strides = [1, 1]} : vector<80x5000xi32> to vector<80x4998xi32>
    %concatenate3A_160 = tpu.concatenate %broadcast_in_dim3A_158, %slice3A_159 in 1 : vector<80x2xi32>, vector<80x4998xi32> -> vector<80x5000xi32>
    %add3A_161 = arith.addi %add3A_156, %concatenate3A_160 : vector<80x5000xi32>
    %broadcast_in_dim3A_162 = arith.constant 0 : i32
    %broadcast_in_dim3A_163 = vector.broadcast %broadcast_in_dim3A_162 : i32 to vector<80x4xi32>
    %slice3A_164 = vector.extract_strided_slice %add3A_161 {offsets = [0, 0], sizes = [80, 4996], strides = [1, 1]} : vector<80x5000xi32> to vector<80x4996xi32>
    %concatenate3A_165 = tpu.concatenate %broadcast_in_dim3A_163, %slice3A_164 in 1 : vector<80x4xi32>, vector<80x4996xi32> -> vector<80x5000xi32>
    %add3A_166 = arith.addi %add3A_161, %concatenate3A_165 : vector<80x5000xi32>
    %broadcast_in_dim3A_167 = arith.constant 0 : i32
    %broadcast_in_dim3A_168 = vector.broadcast %broadcast_in_dim3A_167 : i32 to vector<80x8xi32>
    %slice3A_169 = vector.extract_strided_slice %add3A_166 {offsets = [0, 0], sizes = [80, 4992], strides = [1, 1]} : vector<80x5000xi32> to vector<80x4992xi32>
    %concatenate3A_170 = tpu.concatenate %broadcast_in_dim3A_168, %slice3A_169 in 1 : vector<80x8xi32>, vector<80x4992xi32> -> vector<80x5000xi32>
    %add3A_171 = arith.addi %add3A_166, %concatenate3A_170 : vector<80x5000xi32>
    %broadcast_in_dim3A_172 = arith.constant 0 : i32
    %broadcast_in_dim3A_173 = vector.broadcast %broadcast_in_dim3A_172 : i32 to vector<80x16xi32>
    %slice3A_174 = vector.extract_strided_slice %add3A_171 {offsets = [0, 0], sizes = [80, 4984], strides = [1, 1]} : vector<80x5000xi32> to vector<80x4984xi32>
    %concatenate3A_175 = tpu.concatenate %broadcast_in_dim3A_173, %slice3A_174 in 1 : vector<80x16xi32>, vector<80x4984xi32> -> vector<80x5000xi32>
    %add3A_176 = arith.addi %add3A_171, %concatenate3A_175 : vector<80x5000xi32>
    %broadcast_in_dim3A_177 = arith.constant 0 : i32
    %broadcast_in_dim3A_178 = vector.broadcast %broadcast_in_dim3A_177 : i32 to vector<80x32xi32>
    %slice3A_179 = vector.extract_strided_slice %add3A_176 {offsets = [0, 0], sizes = [80, 4968], strides = [1, 1]} : vector<80x5000xi32> to vector<80x4968xi32>
    %concatenate3A_180 = tpu.concatenate %broadcast_in_dim3A_178, %slice3A_179 in 1 : vector<80x32xi32>, vector<80x4968xi32> -> vector<80x5000xi32>
    %add3A_181 = arith.addi %add3A_176, %concatenate3A_180 : vector<80x5000xi32>
    %broadcast_in_dim3A_182 = arith.constant 0 : i32
    %broadcast_in_dim3A_183 = vector.broadcast %broadcast_in_dim3A_182 : i32 to vector<80x64xi32>
    %slice3A_184 = vector.extract_strided_slice %add3A_181 {offsets = [0, 0], sizes = [80, 4936], strides = [1, 1]} : vector<80x5000xi32> to vector<80x4936xi32>
    %concatenate3A_185 = tpu.concatenate %broadcast_in_dim3A_183, %slice3A_184 in 1 : vector<80x64xi32>, vector<80x4936xi32> -> vector<80x5000xi32>
    %add3A_186 = arith.addi %add3A_181, %concatenate3A_185 : vector<80x5000xi32>
    %broadcast_in_dim3A_187 = arith.constant 0 : i32
    %broadcast_in_dim3A_188 = vector.broadcast %broadcast_in_dim3A_187 : i32 to vector<80x128xi32>
    %slice3A_189 = vector.extract_strided_slice %add3A_186 {offsets = [0, 0], sizes = [80, 4872], strides = [1, 1]} : vector<80x5000xi32> to vector<80x4872xi32>
    %concatenate3A_190 = tpu.concatenate %broadcast_in_dim3A_188, %slice3A_189 in 1 : vector<80x128xi32>, vector<80x4872xi32> -> vector<80x5000xi32>
    %add3A_191 = arith.addi %add3A_186, %concatenate3A_190 : vector<80x5000xi32>
    %broadcast_in_dim3A_192 = arith.constant 0 : i32
    %broadcast_in_dim3A_193 = vector.broadcast %broadcast_in_dim3A_192 : i32 to vector<80x256xi32>
    %slice3A_194 = vector.extract_strided_slice %add3A_191 {offsets = [0, 0], sizes = [80, 4744], strides = [1, 1]} : vector<80x5000xi32> to vector<80x4744xi32>
    %concatenate3A_195 = tpu.concatenate %broadcast_in_dim3A_193, %slice3A_194 in 1 : vector<80x256xi32>, vector<80x4744xi32> -> vector<80x5000xi32>
    %add3A_196 = arith.addi %add3A_191, %concatenate3A_195 : vector<80x5000xi32>
    %broadcast_in_dim3A_197 = arith.constant 0 : i32
    %broadcast_in_dim3A_198 = vector.broadcast %broadcast_in_dim3A_197 : i32 to vector<80x512xi32>
    %slice3A_199 = vector.extract_strided_slice %add3A_196 {offsets = [0, 0], sizes = [80, 4488], strides = [1, 1]} : vector<80x5000xi32> to vector<80x4488xi32>
    %concatenate3A_200 = tpu.concatenate %broadcast_in_dim3A_198, %slice3A_199 in 1 : vector<80x512xi32>, vector<80x4488xi32> -> vector<80x5000xi32>
    %add3A_201 = arith.addi %add3A_196, %concatenate3A_200 : vector<80x5000xi32>
    %broadcast_in_dim3A_202 = arith.constant 0 : i32
    %broadcast_in_dim3A_203 = vector.broadcast %broadcast_in_dim3A_202 : i32 to vector<80x1024xi32>
    %slice3A_204 = vector.extract_strided_slice %add3A_201 {offsets = [0, 0], sizes = [80, 3976], strides = [1, 1]} : vector<80x5000xi32> to vector<80x3976xi32>
    %concatenate3A_205 = tpu.concatenate %broadcast_in_dim3A_203, %slice3A_204 in 1 : vector<80x1024xi32>, vector<80x3976xi32> -> vector<80x5000xi32>
    %add3A_206 = arith.addi %add3A_201, %concatenate3A_205 : vector<80x5000xi32>
    %broadcast_in_dim3A_207 = arith.constant 0 : i32
    %broadcast_in_dim3A_208 = vector.broadcast %broadcast_in_dim3A_207 : i32 to vector<80x2048xi32>
    %slice3A_209 = vector.extract_strided_slice %add3A_206 {offsets = [0, 0], sizes = [80, 2952], strides = [1, 1]} : vector<80x5000xi32> to vector<80x2952xi32>
    %concatenate3A_210 = tpu.concatenate %broadcast_in_dim3A_208, %slice3A_209 in 1 : vector<80x2048xi32>, vector<80x2952xi32> -> vector<80x5000xi32>
    %add3A_211 = arith.addi %add3A_206, %concatenate3A_210 : vector<80x5000xi32>
    %broadcast_in_dim3A_212 = arith.constant 0 : i32
    %broadcast_in_dim3A_213 = vector.broadcast %broadcast_in_dim3A_212 : i32 to vector<80x4096xi32>
    %slice3A_214 = vector.extract_strided_slice %add3A_211 {offsets = [0, 0], sizes = [80, 904], strides = [1, 1]} : vector<80x5000xi32> to vector<80x904xi32>
    %concatenate3A_215 = tpu.concatenate %broadcast_in_dim3A_213, %slice3A_214 in 1 : vector<80x4096xi32>, vector<80x904xi32> -> vector<80x5000xi32>
    %add3A_216 = arith.addi %add3A_211, %concatenate3A_215 : vector<80x5000xi32>
    %sub3A_217 = arith.subi %add3A_216, %select_n3A : vector<80x5000xi32>
    %iota3A = tpu.iota {dimensions = array<i32: 1>} : vector<80x5000xi32>
    %iota3A_218 = tpu.iota {dimensions = array<i32: 0>} : vector<80x1xi32>
    %jit3A_219 = arith.constant 32 : i32
    %eq3A = arith.constant 0 : i32
    %eq3A_220 = arith.cmpi eq, %jit3A_219, %eq3A : i32
    %jit3A_221 = arith.constant 1 : i32
    %select_n3A_222 = arith.select %eq3A_220, %jit3A_221, %jit3A_219 : i32
    %rem3A = vector.broadcast %select_n3A_222 : i32 to vector<80x1xi32>
    %rem3A_223 = arith.remsi %iota3A_218, %rem3A : vector<80x1xi32>
    %ne3A = arith.constant 0 : i32
    %ne3A_224 = vector.broadcast %ne3A : i32 to vector<80x1xi32>
    %ne3A_225 = arith.cmpi ne, %rem3A_223, %ne3A_224 : vector<80x1xi32>
    %lt3A = arith.constant 0 : i32
    %lt3A_226 = vector.broadcast %lt3A : i32 to vector<80x1xi32>
    %lt3A_227 = arith.cmpi slt, %rem3A_223, %lt3A_226 : vector<80x1xi32>
    %lt3A_228 = arith.constant 0 : i32
    %lt3A_229 = arith.cmpi slt, %select_n3A_222, %lt3A_228 : i32
    %ne3A_230 = vector.broadcast %lt3A_229 : i1 to vector<80x1xi1>
    %ne3A_231 = vector.broadcast %ne3A_230 : vector<80x1xi1> to vector<80x1xi1>
    %ne3A_232 = arith.xori %lt3A_227, %ne3A_231 : vector<80x1xi1>
    %and3A = arith.andi %ne3A_232, %ne3A_225 : vector<80x1xi1>
    %add3A_233 = vector.broadcast %select_n3A_222 : i32 to vector<80x1xi32>
    %add3A_234 = arith.addi %rem3A_223, %add3A_233 : vector<80x1xi32>
    %select_n3A_235 = arith.select %and3A, %add3A_234, %rem3A_223 : vector<80x1xi1>, vector<80x1xi32>
    %jit3A_236 = arith.constant 2 : i32
    %div3A_237 = vector.broadcast %jit3A_236 : i32 to vector<80x1xi32>
    %div3A_238 = arith.divsi %select_n3A_235, %div3A_237 : vector<80x1xi32>
    %sign3A = arith.constant 0 : i32
    %sign3A_239 = vector.broadcast %sign3A : i32 to vector<80x1xi32>
    %sign3A_240 = arith.cmpi sgt, %select_n3A_235, %sign3A_239 : vector<80x1xi32>
    %sign3A_241 = arith.extui %sign3A_240 : vector<80x1xi1> to vector<80x1xi32>
    %sign3A_242 = arith.constant 0 : i32
    %sign3A_243 = vector.broadcast %sign3A_242 : i32 to vector<80x1xi32>
    %sign3A_244 = arith.cmpi slt, %select_n3A_235, %sign3A_243 : vector<80x1xi32>
    %sign3A_245 = arith.extui %sign3A_244 : vector<80x1xi1> to vector<80x1xi32>
    %sign3A_246 = arith.subi %sign3A_241, %sign3A_245 : vector<80x1xi32>
    %sign3A_247 = arith.constant 0 : i32
    %sign3A_248 = arith.cmpi sgt, %jit3A_236, %sign3A_247 : i32
    %sign3A_249 = arith.extui %sign3A_248 : i1 to i32
    %sign3A_250 = arith.constant 0 : i32
    %sign3A_251 = arith.cmpi slt, %jit3A_236, %sign3A_250 : i32
    %sign3A_252 = arith.extui %sign3A_251 : i1 to i32
    %sign3A_253 = arith.subi %sign3A_249, %sign3A_252 : i32
    %ne3A_254 = vector.broadcast %sign3A_253 : i32 to vector<80x1xi32>
    %ne3A_255 = arith.cmpi ne, %sign3A_246, %ne3A_254 : vector<80x1xi32>
    %rem3A_256 = vector.broadcast %jit3A_236 : i32 to vector<80x1xi32>
    %rem3A_257 = arith.remsi %select_n3A_235, %rem3A_256 : vector<80x1xi32>
    %ne3A_258 = arith.constant 0 : i32
    %ne3A_259 = vector.broadcast %ne3A_258 : i32 to vector<80x1xi32>
    %ne3A_260 = arith.cmpi ne, %rem3A_257, %ne3A_259 : vector<80x1xi32>
    %and3A_261 = arith.andi %ne3A_255, %ne3A_260 : vector<80x1xi1>
    %sub3A_262 = arith.constant 1 : i32
    %sub3A_263 = vector.broadcast %sub3A_262 : i32 to vector<80x1xi32>
    %sub3A_264 = arith.subi %div3A_238, %sub3A_263 : vector<80x1xi32>
    %select_n3A_265 = arith.select %and3A_261, %sub3A_264, %div3A_238 : vector<80x1xi1>, vector<80x1xi32>
    %mul3A_266 = arith.constant 3 : i32
    %mul3A_267 = vector.broadcast %mul3A_266 : i32 to vector<80x1xi32>
    %mul3A_268 = arith.muli %select_n3A_265, %mul3A_267 : vector<80x1xi32>
    %jit3A_269 = arith.constant 32 : i32
    %div3A_270 = vector.broadcast %jit3A_269 : i32 to vector<80x1xi32>
    %div3A_271 = arith.divsi %iota3A_218, %div3A_270 : vector<80x1xi32>
    %sign3A_272 = arith.constant 0 : i32
    %sign3A_273 = vector.broadcast %sign3A_272 : i32 to vector<80x1xi32>
    %sign3A_274 = arith.cmpi sgt, %iota3A_218, %sign3A_273 : vector<80x1xi32>
    %sign3A_275 = arith.extui %sign3A_274 : vector<80x1xi1> to vector<80x1xi32>
    %sign3A_276 = arith.constant 0 : i32
    %sign3A_277 = vector.broadcast %sign3A_276 : i32 to vector<80x1xi32>
    %sign3A_278 = arith.cmpi slt, %iota3A_218, %sign3A_277 : vector<80x1xi32>
    %sign3A_279 = arith.extui %sign3A_278 : vector<80x1xi1> to vector<80x1xi32>
    %sign3A_280 = arith.subi %sign3A_275, %sign3A_279 : vector<80x1xi32>
    %sign3A_281 = arith.constant 0 : i32
    %sign3A_282 = arith.cmpi sgt, %jit3A_269, %sign3A_281 : i32
    %sign3A_283 = arith.extui %sign3A_282 : i1 to i32
    %sign3A_284 = arith.constant 0 : i32
    %sign3A_285 = arith.cmpi slt, %jit3A_269, %sign3A_284 : i32
    %sign3A_286 = arith.extui %sign3A_285 : i1 to i32
    %sign3A_287 = arith.subi %sign3A_283, %sign3A_286 : i32
    %ne3A_288 = vector.broadcast %sign3A_287 : i32 to vector<80x1xi32>
    %ne3A_289 = arith.cmpi ne, %sign3A_280, %ne3A_288 : vector<80x1xi32>
    %rem3A_290 = vector.broadcast %jit3A_269 : i32 to vector<80x1xi32>
    %rem3A_291 = arith.remsi %iota3A_218, %rem3A_290 : vector<80x1xi32>
    %ne3A_292 = arith.constant 0 : i32
    %ne3A_293 = vector.broadcast %ne3A_292 : i32 to vector<80x1xi32>
    %ne3A_294 = arith.cmpi ne, %rem3A_291, %ne3A_293 : vector<80x1xi32>
    %and3A_295 = arith.andi %ne3A_289, %ne3A_294 : vector<80x1xi1>
    %sub3A_296 = arith.constant 1 : i32
    %sub3A_297 = vector.broadcast %sub3A_296 : i32 to vector<80x1xi32>
    %sub3A_298 = arith.subi %div3A_271, %sub3A_297 : vector<80x1xi32>
    %select_n3A_299 = arith.select %and3A_295, %sub3A_298, %div3A_271 : vector<80x1xi1>, vector<80x1xi32>
    %add3A_300 = arith.addi %mul3A_268, %select_n3A_299 : vector<80x1xi32>
    %mul3A_301 = arith.constant 5520 : i32
    %mul3A_302 = vector.broadcast %mul3A_301 : i32 to vector<80x1xi32>
    %mul3A_303 = arith.muli %add3A_300, %mul3A_302 : vector<80x1xi32>
    %add3A_304 = arith.constant 512 : i32
    %add3A_305 = vector.broadcast %add3A_304 : i32 to vector<80x5000xi32>
    %add3A_306 = arith.addi %add3A_305, %iota3A : vector<80x5000xi32>
    %select_n3A_307 = arith.select %gt3A_148, %sub3A_217, %add3A_306 : vector<80x5000xi1>, vector<80x5000xi32>
    %add3A_308 = vector.broadcast %mul3A_303 : vector<80x1xi32> to vector<80x5000xi32>
    %add3A_309 = arith.addi %select_n3A_307, %add3A_308 : vector<80x5000xi32>
    %swap3A_310 = arith.constant 0 : index
    %swap3A_311 = arith.constant 0 : index
    %swap3A_312 = vector.load %arg5[%swap3A_310, %swap3A_311] : memref<80x5000xi32, #tpu.memory_space<vmem>>, vector<80x5000xi32>
    tpu.vector_store %arg5[%swap3A_310, %swap3A_311], %add3A_309 {strides = array<i32>} : memref<80x5000xi32, #tpu.memory_space<vmem>>, vector<80x5000xi32>,
    return
  }
}

module attributes {stable_mosaic.version = 14 : i64} {
  func.func @_nms_kernel(%arg0: memref<300x80xf32, #tpu.memory_space<vmem>>, %arg1: memref<4x300x80xf32, #tpu.memory_space<vmem>>, %arg2: memref<300x80xf32, #tpu.memory_space<vmem>>, %arg3: memref<300x80xf32, #tpu.memory_space<vmem>>) attributes {dimension_semantics = [], scalar_prefetch = 0 : i64, scratch_operands = 1 : i64, tpu.core_type = #tpu.core_type<tc>} {
    %get3A = arith.constant 0 : index
    %get3A_0 = arith.constant 0 : index
    %get3A_1 = arith.constant 0 : index
    %get3A_2 = vector.load %arg1[%get3A, %get3A_0, %get3A_1] : memref<4x300x80xf32, #tpu.memory_space<vmem>>, vector<1x300x80xf32>
    %get3A_3 = vector.shape_cast %get3A_2 : vector<1x300x80xf32> to vector<300x80xf32>
    %get3A_4 = arith.constant 1 : index
    %get3A_5 = arith.constant 0 : index
    %get3A_6 = arith.constant 0 : index
    %get3A_7 = vector.load %arg1[%get3A_4, %get3A_5, %get3A_6] : memref<4x300x80xf32, #tpu.memory_space<vmem>>, vector<1x300x80xf32>
    %get3A_8 = vector.shape_cast %get3A_7 : vector<1x300x80xf32> to vector<300x80xf32>
    %get3A_9 = arith.constant 2 : index
    %get3A_10 = arith.constant 0 : index
    %get3A_11 = arith.constant 0 : index
    %get3A_12 = vector.load %arg1[%get3A_9, %get3A_10, %get3A_11] : memref<4x300x80xf32, #tpu.memory_space<vmem>>, vector<1x300x80xf32>
    %get3A_13 = vector.shape_cast %get3A_12 : vector<1x300x80xf32> to vector<300x80xf32>
    %get3A_14 = arith.constant 3 : index
    %get3A_15 = arith.constant 0 : index
    %get3A_16 = arith.constant 0 : index
    %get3A_17 = vector.load %arg1[%get3A_14, %get3A_15, %get3A_16] : memref<4x300x80xf32, #tpu.memory_space<vmem>>, vector<1x300x80xf32>
    %get3A_18 = vector.shape_cast %get3A_17 : vector<1x300x80xf32> to vector<300x80xf32>
    %sub3A = arith.subf %get3A_13, %get3A_3 : vector<300x80xf32>
    %max3A = arith.constant 0.000000e+00 : f32
    %max3A_19 = vector.broadcast %max3A : f32 to vector<300x80xf32>
    %max3A_20 = arith.maximumf %sub3A, %max3A_19 : vector<300x80xf32>
    %sub3A_21 = arith.subf %get3A_18, %get3A_8 : vector<300x80xf32>
    %max3A_22 = arith.constant 0.000000e+00 : f32
    %max3A_23 = vector.broadcast %max3A_22 : f32 to vector<300x80xf32>
    %max3A_24 = arith.maximumf %sub3A_21, %max3A_23 : vector<300x80xf32>
    %mul3A = arith.mulf %max3A_20, %max3A_24 : vector<300x80xf32>
    %swap3A = arith.constant 0 : index
    %swap3A_25 = arith.constant 0 : index
    %swap3A_26 = vector.load %arg3[%swap3A, %swap3A_25] : memref<300x80xf32, #tpu.memory_space<vmem>>, vector<300x80xf32>
    tpu.vector_store %arg3[%swap3A, %swap3A_25], %mul3A {strides = array<i32>} : memref<300x80xf32, #tpu.memory_space<vmem>>, vector<300x80xf32>,
    %iota3A = tpu.iota {dimensions = array<i32: 0>} : vector<300x80xi32>
    %broadcast_in_dim3A = arith.constant 1.000000e+00 : f32
    %broadcast_in_dim3A_27 = vector.broadcast %broadcast_in_dim3A : f32 to vector<300x80xf32>
    %swap3A_28 = arith.constant 0 : index
    %swap3A_29 = arith.constant 0 : index
    %swap3A_30 = vector.load %arg2[%swap3A_28, %swap3A_29] : memref<300x80xf32, #tpu.memory_space<vmem>>, vector<300x80xf32>
    tpu.vector_store %arg2[%swap3A_28, %swap3A_29], %broadcast_in_dim3A_27 {strides = array<i32>} : memref<300x80xf32, #tpu.memory_space<vmem>>, vector<300x80xf32>,
    %scan3A = arith.constant 0 : i32
    %scan3A_31 = arith.constant 300 : i32
    %scan3A_32 = arith.addi %scan3A, %scan3A_31 : i32
    %scan3A_33 = arith.constant 1 : i32
    scf.for %scan3A_47 = %scan3A to %scan3A_32 step %scan3A_33  : i32 {
      %get3A_48 = arith.constant 0 : index
      %get3A_49 = arith.index_cast %scan3A_47 : i32 to index
      %get3A_50 = arith.constant 0 : index
      %get3A_51 = vector.load %arg1[%get3A_48, %get3A_49, %get3A_50] : memref<4x300x80xf32, #tpu.memory_space<vmem>>, vector<1x1x80xf32>
      %get3A_52 = vector.shape_cast %get3A_51 : vector<1x1x80xf32> to vector<1x80xf32>
      %get3A_53 = arith.constant 1 : index
      %get3A_54 = arith.index_cast %scan3A_47 : i32 to index
      %get3A_55 = arith.constant 0 : index
      %get3A_56 = vector.load %arg1[%get3A_53, %get3A_54, %get3A_55] : memref<4x300x80xf32, #tpu.memory_space<vmem>>, vector<1x1x80xf32>
      %get3A_57 = vector.shape_cast %get3A_56 : vector<1x1x80xf32> to vector<1x80xf32>
      %get3A_58 = arith.constant 2 : index
      %get3A_59 = arith.index_cast %scan3A_47 : i32 to index
      %get3A_60 = arith.constant 0 : index
      %get3A_61 = vector.load %arg1[%get3A_58, %get3A_59, %get3A_60] : memref<4x300x80xf32, #tpu.memory_space<vmem>>, vector<1x1x80xf32>
      %get3A_62 = vector.shape_cast %get3A_61 : vector<1x1x80xf32> to vector<1x80xf32>
      %get3A_63 = arith.constant 3 : index
      %get3A_64 = arith.index_cast %scan3A_47 : i32 to index
      %get3A_65 = arith.constant 0 : index
      %get3A_66 = vector.load %arg1[%get3A_63, %get3A_64, %get3A_65] : memref<4x300x80xf32, #tpu.memory_space<vmem>>, vector<1x1x80xf32>
      %get3A_67 = vector.shape_cast %get3A_66 : vector<1x1x80xf32> to vector<1x80xf32>
      %get3A_68 = arith.index_cast %scan3A_47 : i32 to index
      %get3A_69 = arith.constant 0 : index
      %get3A_70 = vector.load %arg3[%get3A_68, %get3A_69] : memref<300x80xf32, #tpu.memory_space<vmem>>, vector<1x80xf32>
      %get3A_71 = arith.index_cast %scan3A_47 : i32 to index
      %get3A_72 = arith.constant 0 : index
      %get3A_73 = vector.load %arg2[%get3A_71, %get3A_72] : memref<300x80xf32, #tpu.memory_space<vmem>>, vector<1x80xf32>
      %get3A_74 = arith.constant 0 : index
      %get3A_75 = arith.constant 0 : index
      %get3A_76 = vector.load %arg2[%get3A_74, %get3A_75] : memref<300x80xf32, #tpu.memory_space<vmem>>, vector<300x80xf32>
      %max3A_77 = vector.broadcast %get3A_52 : vector<1x80xf32> to vector<300x80xf32>
      %max3A_78 = arith.maximumf %get3A_3, %max3A_77 : vector<300x80xf32>
      %max3A_79 = vector.broadcast %get3A_57 : vector<1x80xf32> to vector<300x80xf32>
      %max3A_80 = arith.maximumf %get3A_8, %max3A_79 : vector<300x80xf32>
      %min3A = vector.broadcast %get3A_62 : vector<1x80xf32> to vector<300x80xf32>
      %min3A_81 = arith.minimumf %get3A_13, %min3A : vector<300x80xf32>
      %min3A_82 = vector.broadcast %get3A_67 : vector<1x80xf32> to vector<300x80xf32>
      %min3A_83 = arith.minimumf %get3A_18, %min3A_82 : vector<300x80xf32>
      %sub3A_84 = arith.subf %min3A_81, %max3A_78 : vector<300x80xf32>
      %max3A_85 = arith.constant 0.000000e+00 : f32
      %max3A_86 = vector.broadcast %max3A_85 : f32 to vector<300x80xf32>
      %max3A_87 = arith.maximumf %sub3A_84, %max3A_86 : vector<300x80xf32>
      %sub3A_88 = arith.subf %min3A_83, %max3A_80 : vector<300x80xf32>
      %max3A_89 = arith.constant 0.000000e+00 : f32
      %max3A_90 = vector.broadcast %max3A_89 : f32 to vector<300x80xf32>
      %max3A_91 = arith.maximumf %sub3A_88, %max3A_90 : vector<300x80xf32>
      %mul3A_92 = arith.mulf %max3A_87, %max3A_91 : vector<300x80xf32>
      %add3A = vector.broadcast %get3A_70 : vector<1x80xf32> to vector<300x80xf32>
      %add3A_93 = arith.addf %mul3A, %add3A : vector<300x80xf32>
      %sub3A_94 = arith.subf %add3A_93, %mul3A_92 : vector<300x80xf32>
      %add3A_95 = arith.constant 9.99999971E-10 : f32
      %add3A_96 = vector.broadcast %add3A_95 : f32 to vector<300x80xf32>
      %add3A_97 = arith.addf %sub3A_94, %add3A_96 : vector<300x80xf32>
      %div3A = arith.divf %mul3A_92, %add3A_97 : vector<300x80xf32>
      %gt3A_98 = arith.constant 5.000000e-01 : f32
      %gt3A_99 = vector.broadcast %gt3A_98 : f32 to vector<300x80xf32>
      %gt3A_100 = arith.cmpf ogt, %div3A, %gt3A_99 : vector<300x80xf32>
      %gt3A_101 = vector.broadcast %scan3A_47 : i32 to vector<300x80xi32>
      %gt3A_102 = arith.cmpi sgt, %iota3A, %gt3A_101 : vector<300x80xi32>
      %and3A = arith.andi %gt3A_100, %gt3A_102 : vector<300x80xi1>
      %gt3A_103 = arith.constant 0.000000e+00 : f32
      %gt3A_104 = vector.broadcast %gt3A_103 : f32 to vector<1x80xf32>
      %gt3A_105 = arith.cmpf ogt, %get3A_73, %gt3A_104 : vector<1x80xf32>
      %and3A_106 = vector.broadcast %gt3A_105 : vector<1x80xi1> to vector<300x80xi1>
      %and3A_107 = arith.andi %and3A, %and3A_106 : vector<300x80xi1>
      %jit3A_108 = arith.constant 0.000000e+00 : f32
      %broadcast_in_dim3A_109 = vector.broadcast %jit3A_108 : f32 to vector<300x80xf32>
      %select_n3A_110 = arith.select %and3A_107, %broadcast_in_dim3A_109, %get3A_76 : vector<300x80xi1>, vector<300x80xf32>
      %swap3A_111 = arith.constant 0 : index
      %swap3A_112 = arith.constant 0 : index
      %swap3A_113 = vector.load %arg2[%swap3A_111, %swap3A_112] : memref<300x80xf32, #tpu.memory_space<vmem>>, vector<300x80xf32>
      tpu.vector_store %arg2[%swap3A_111, %swap3A_112], %select_n3A_110 {strides = array<i32>} : memref<300x80xf32, #tpu.memory_space<vmem>>, vector<300x80xf32>,
    }
    %scan3A_34 = arith.constant 300 : i32
    %get3A_35 = arith.constant 0 : index
    %get3A_36 = arith.constant 0 : index
    %get3A_37 = vector.load %arg0[%get3A_35, %get3A_36] : memref<300x80xf32, #tpu.memory_space<vmem>>, vector<300x80xf32>
    %gt3A = arith.constant 5.000000e-02 : f32
    %gt3A_38 = vector.broadcast %gt3A : f32 to vector<300x80xf32>
    %gt3A_39 = arith.cmpf ogt, %get3A_37, %gt3A_38 : vector<300x80xf32>
    %get3A_40 = arith.constant 0 : index
    %get3A_41 = arith.constant 0 : index
    %get3A_42 = vector.load %arg2[%get3A_40, %get3A_41] : memref<300x80xf32, #tpu.memory_space<vmem>>, vector<300x80xf32>
    %jit3A = arith.constant 0.000000e+00 : f32
    %broadcast_in_dim3A_43 = vector.broadcast %jit3A : f32 to vector<300x80xf32>
    %select_n3A = arith.select %gt3A_39, %get3A_42, %broadcast_in_dim3A_43 : vector<300x80xi1>, vector<300x80xf32>
    %swap3A_44 = arith.constant 0 : index
    %swap3A_45 = arith.constant 0 : index
    %swap3A_46 = vector.load %arg2[%swap3A_44, %swap3A_45] : memref<300x80xf32, #tpu.memory_space<vmem>>, vector<300x80xf32>
    tpu.vector_store %arg2[%swap3A_44, %swap3A_45], %select_n3A {strides = array<i32>} : memref<300x80xf32, #tpu.memory_space<vmem>>, vector<300x80xf32>,
    return
  }
}

module attributes {stable_mosaic.version = 14 : i64} {
  func.func @_final_kernel(%arg0: memref<80x5000xf32, #tpu.memory_space<vmem>>, %arg1: memref<1x5000xf32, #tpu.memory_space<vmem>>, %arg2: memref<1x5000xi32, #tpu.memory_space<vmem>>) attributes {dimension_semantics = [], scalar_prefetch = 0 : i64, scratch_operands = 0 : i64, tpu.core_type = #tpu.core_type<tc>} {
    %get3A = arith.constant 0 : index
    %get3A_0 = arith.constant 0 : index
    %get3A_1 = vector.load %arg0[%get3A, %get3A_0] : memref<80x5000xf32, #tpu.memory_space<vmem>>, vector<80x5000xf32>
    %reduce_max3A = arith.constant dense<0xFF800000> : vector<5000xf32>
    %reduce_max3A_2 = vector.multi_reduction <maximumf>, %get3A_1, %reduce_max3A [0] : vector<80x5000xf32> to vector<5000xf32>
    %broadcast_in_dim3A = vector.shape_cast %reduce_max3A_2 : vector<5000xf32> to vector<1x5000xf32>
    %max3A = arith.constant 0.000000e+00 : f32
    %max3A_3 = vector.broadcast %max3A : f32 to vector<1x5000xf32>
    %max3A_4 = arith.maximumf %broadcast_in_dim3A, %max3A_3 : vector<1x5000xf32>
    %iota3A = tpu.iota {dimensions = array<i32: 0>} : vector<80x5000xi32>
    %add3A = arith.constant 1 : i32
    %add3A_5 = vector.broadcast %add3A : i32 to vector<80x5000xi32>
    %add3A_6 = arith.addi %iota3A, %add3A_5 : vector<80x5000xi32>
    %eq3A = vector.broadcast %max3A_4 : vector<1x5000xf32> to vector<80x5000xf32>
    %eq3A_7 = arith.cmpf oeq, %get3A_1, %eq3A : vector<80x5000xf32>
    %jit3A = arith.constant 81 : i32
    %broadcast_in_dim3A_8 = vector.broadcast %jit3A : i32 to vector<80x5000xi32>
    %select_n3A = arith.select %eq3A_7, %add3A_6, %broadcast_in_dim3A_8 : vector<80x5000xi1>, vector<80x5000xi32>
    %reduce_min3A = arith.constant dense<2147483647> : vector<5000xi32>
    %reduce_min3A_9 = vector.multi_reduction <minsi>, %select_n3A, %reduce_min3A [0] : vector<80x5000xi32> to vector<5000xi32>
    %broadcast_in_dim3A_10 = vector.shape_cast %reduce_min3A_9 : vector<5000xi32> to vector<1x5000xi32>
    %gt3A = arith.constant 0.000000e+00 : f32
    %gt3A_11 = vector.broadcast %gt3A : f32 to vector<1x5000xf32>
    %gt3A_12 = arith.cmpf ogt, %max3A_4, %gt3A_11 : vector<1x5000xf32>
    %jit3A_13 = arith.constant 0 : i32
    %broadcast_in_dim3A_14 = vector.broadcast %jit3A_13 : i32 to vector<1x5000xi32>
    %select_n3A_15 = arith.select %gt3A_12, %broadcast_in_dim3A_10, %broadcast_in_dim3A_14 : vector<1x5000xi1>, vector<1x5000xi32>
    %swap3A = arith.constant 0 : index
    %swap3A_16 = arith.constant 0 : index
    %swap3A_17 = vector.load %arg1[%swap3A, %swap3A_16] : memref<1x5000xf32, #tpu.memory_space<vmem>>, vector<1x5000xf32>
    tpu.vector_store %arg1[%swap3A, %swap3A_16], %max3A_4 {strides = array<i32>} : memref<1x5000xf32, #tpu.memory_space<vmem>>, vector<1x5000xf32>,
    %swap3A_18 = arith.constant 0 : index
    %swap3A_19 = arith.constant 0 : index
    %swap3A_20 = vector.load %arg2[%swap3A_18, %swap3A_19] : memref<1x5000xi32, #tpu.memory_space<vmem>>, vector<1x5000xi32>
    tpu.vector_store %arg2[%swap3A_18, %swap3A_19], %select_n3A_15 {strides = array<i32>} : memref<1x5000xi32, #tpu.memory_space<vmem>>, vector<1x5000xi32>,
    return
  }
}

</mosaic_0001>

<sc_bundles>
// kernel: gather_offload_async_start.1
scs
__scs_entry_jumppad:
0x0: {  	(pc) =	sbr.rel $0x88, $3  }
0x1: {  	(tag) =	ssettag $0x0;
	lr =	simm.s32 $0x1  }
0x2: {  	[smem:$0x3F9D] =	sst lr;
	_ =	strace $0xD0000000  }
0x3: {  	_ = 	snop  }
0x4: {  	_ = 	snop  }
0x5: {  	_ = 	snop  }
0x6: {  	_ = 	snop  }
0x7: {  	_ = 	snop  }
__scs_overlays_trampoline_lowered:
0x8: {  	[smem:$0x3FAC] =	sst s0  }
0x9: {  	[smem:$0x3FAD] =	sst s1  }
0xa: {  	[smem:$0x3FAE] =	sst s2  }
0xb: {  	[smem:$0x3FAF] =	sst s3  }
0xc: {  	[smem:$0x3FB0] =	sst s4  }
0xd: {  	[smem:$0x3FB1] =	sst s5  }
0xe: {  	[smem:$0x3FB2] =	sst s6  }
0xf: {  	[smem:$0x3FB3] =	sst s7  }
0x10: {  	[smem:$0x3FB4] =	sst s8  }
0x11: {  	[smem:$0x3FB5] =	sst s9;
	s0 =	simm.s32 @!p0 $0x0  }
0x12: {  	s1 =	sld [smem:$0x3F9B];
	s0 =	simm.s32 @p0 $0x1  }
0x13: {  	[smem:$0x3FB6] =	sst s0;
	s0 =	simm.s32 @!p1 $0x0  }
0x14: {  	s2 =	sld [smem:$0x3F9A];
	s0 =	simm.s32 @p1 $0x1  }
0x15: {  	[smem:$0x3FB7] =	sst s0;
	s0 =	simm.s32 @!p2 $0x0  }
0x16: {  	s3 =	sld [smem:$0x3FDB];
	s0 =	simm.s32 @p2 $0x1  }
0x17: {  	s4 =	simm.s32 $0x1BF5;
	[smem:$0x3FB9] =	sst s0  }
0x18: {  	s0 =	sld [smem:$0x3F9C];
	_ =	swait.ge [sflag:s4], $0x0  }
0x19: {  	s7 =	sld [smem:$0x3F9D]  }
0x1a: {  	s8 =	sadd.s32 $0xFFFFE003, lr  }
0x1b: {  	s9 =	sadd.s32 $0xFFFFFEF7, lr;
	s5 =	simm.s32 $0xFFFFFFFF;
	p2 =	slt.u32 s8, $0xFFFFF086  }
0x1c: {  	p1 =	slt.u32 s9, $0xF7A;
	s5 =	simm.s32 @!p2 $0x0  }
0x1d: {  	s5 =	simm.s32 @p1 $0x1;
	p0 =	seq.s32 s7, s2  }
0x1e: {  	s7 =	smul.u32 @!p0 $0xF7A, s2;
	p2 =	seq.s32 @!p0 s5, $0x0  }
0x1f: {  	s9 =	smul.u32 $0xF7A, s1;
	s8 =	simm.s32 @!p0 $0x1BF5;
	p2 =	por !p2, p0  }
0x20: {  	[sflag:s8] =	ssyncset.s32 @!p0 $0xFFFFF086;
	s6 =	sadd.s32 @!p0 s3, s7;
	s7 =	simm.s32 @!p0 $0x108  }
0x21: {  	s3 =	sadd.s32 s3, s9;
	s6 =	sadd.s32 @!p0 $0x88, s6;
	s7 =	simm.s32 @p2 $0x1082  }
0x22: {  	[simem:s7], [sflag:s8] =	dma.local @!p0 [hbm:s6], $0xF7A  }
0x23: {  	s9 =	sor.u32 $0xD0000000, s2;
	s6 =	simm.s32 $0x108;
	_ =	swait.ge @!p0 [sflag:s8], $0x0  }
0x24: {  	s3 =	sadd.s32 $0x88, s3;
	s6 =	simm.s32 @!p1 $0x1082;
	[sflag:s4] =	ssyncset.s32 $0xFFFFF086  }
0x25: {  	[simem:s6], [sflag:s4] =	dma.local [hbm:s3], $0xF7A  }
0x26: {  	[smem:$0x3F9D] =	sst s1;
	(tag) =	ssettag s2;
	_ =	strace s9  }
0x27: {  	s1 =	sld [smem:$0x3FAD]  }
0x28: {  	s2 =	sld [smem:$0x3FAE]  }
0x29: {  	s4 =	sld [smem:$0x3FB0]  }
0x2a: {  	p0 =	seq.s32 s5, $0x0;
	s5 =	sld [smem:$0x3FB1]  }
0x2b: {  	s6 =	sld [smem:$0x3FB2]  }
0x2c: {  	s7 =	sld [smem:$0x3FB3]  }
0x2d: {  	s3 =	simm.s32 $0x108;
	s8 =	sld [smem:$0x3FB4]  }
0x2e: {  	s3 =	simm.s32 @!p0 $0x1082;
	s9 =	sld [smem:$0x3FB5]  }
0x2f: {  	lr =	sadd.s32 s0, s3;
	s0 =	sld [smem:$0x3FAC]  }
0x30: {  	s3 =	sld [smem:$0x3FAF]  }
0x31: {  	[smem:$0x3FB8] =	sst s10  }
0x32: {  	s10 =	sld [smem:$0x3FB6];
	_ =	sdelay $0x3  }
0x33: {  	p0 =	seq.s32 s10, $0x1;
	s10 =	sld [smem:$0x3FB8];
	_ =	sdelay $0x3  }
0x34: {  	[smem:$0x3FB8] =	sst s10  }
0x35: {  	s10 =	sld [smem:$0x3FB7];
	_ =	sdelay $0x3  }
0x36: {  	p1 =	seq.s32 s10, $0x1;
	s10 =	sld [smem:$0x3FB8];
	_ =	sdelay $0x3  }
0x37: {  	[smem:$0x3FB8] =	sst s10  }
0x38: {  	s10 =	sld [smem:$0x3FB9]  }
0x39: {  	_ = 	snop;
	(pc) =	sbr.ind lr, $3  }
0x3a: {  	_ = 	snop  }
0x3b: {  	_ = 	snop  }
0x3c: {  	p2 =	seq.s32 s10, $0x1;
	s10 =	sld [smem:$0x3FB8]  }
0x3d: {  	_ =	shalt  }
0x3e: {  	_ =	shalt  }
0x3f: {  	_ =	shalt  }
0x40: {  	_ =	shalt  }
0x41: {  	_ =	shalt  }
0x42: {  	_ =	shalt  }
0x43: {  	_ =	shalt  }
0x44: {  	_ =	shalt  }
0x45: {  	_ =	shalt  }
0x46: {  	_ =	shalt  }
0x47: {  	_ =	shalt  }
0x48: {  	_ =	shalt  }
0x49: {  	_ =	shalt  }
0x4a: {  	_ =	shalt  }
0x4b: {  	_ =	shalt  }
0x4c: {  	_ =	shalt  }
0x4d: {  	_ =	shalt  }
0x4e: {  	_ =	shalt  }
0x4f: {  	_ =	shalt  }
0x50: {  	_ =	shalt  }
0x51: {  	_ =	shalt  }
0x52: {  	_ =	shalt  }
0x53: {  	_ =	shalt  }
0x54: {  	_ =	shalt  }
0x55: {  	_ =	shalt  }
0x56: {  	_ =	shalt  }
0x57: {  	_ =	shalt  }
0x58: {  	_ =	shalt  }
0x59: {  	_ =	shalt  }
0x5a: {  	_ =	shalt  }
0x5b: {  	_ =	shalt  }
0x5c: {  	_ =	shalt  }
0x5d: {  	_ =	shalt  }
0x5e: {  	_ =	shalt  }
0x5f: {  	_ =	shalt  }
0x60: {  	_ =	shalt  }
0x61: {  	_ =	shalt  }
0x62: {  	_ =	shalt  }
0x63: {  	_ =	shalt  }
0x64: {  	_ =	shalt  }
0x65: {  	_ =	shalt  }
0x66: {  	_ =	shalt  }
0x67: {  	_ =	shalt  }
0x68: {  	_ =	shalt  }
0x69: {  	_ =	shalt  }
0x6a: {  	_ =	shalt  }
0x6b: {  	_ =	shalt  }
0x6c: {  	_ =	shalt  }
0x6d: {  	_ =	shalt  }
0x6e: {  	_ =	shalt  }
0x6f: {  	_ =	shalt  }
0x70: {  	_ =	shalt  }
0x71: {  	_ =	shalt  }
0x72: {  	_ =	shalt  }
0x73: {  	_ =	shalt  }
0x74: {  	_ =	shalt  }
0x75: {  	_ =	shalt  }
0x76: {  	_ =	shalt  }
0x77: {  	_ =	shalt  }
0x78: {  	_ =	shalt  }
0x79: {  	_ =	shalt  }
0x7a: {  	_ =	shalt  }
0x7b: {  	_ =	shalt  }
0x7c: {  	_ =	shalt  }
0x7d: {  	_ =	shalt  }
0x7e: {  	_ =	shalt  }
0x7f: {  	_ =	shalt  }
0x80: {  	_ =	shalt  }
0x81: {  	_ =	shalt  }
0x82: {  	_ =	shalt  }
0x83: {  	_ =	shalt  }
0x84: {  	_ =	shalt  }
0x85: {  	_ =	shalt  }
0x86: {  	_ =	shalt  }
0x87: {  	_ =	shalt  }
.Lfunc_end0:
.L_simem_size_0:
called_computation.1_lowered:
.L_overlay_start_0:
0x88: {  	s2 =	sld [smem:$0x3FD9]  }
0x89: {  	s3 =	sld [smem:$0x3FFE];
	_ =	sdelay $0x1  }
0x8a: {  	s1 =	srdreg.scid  }
0x8b: {  	s0 =	sand.u32 $0x1, s1  }
0x8c: {  	s14 =	sshll.u32 s0, $0xA;
	s2 =	sadd.s32 s3, s2  }
0x8d: {  	s2 =	sadd.s32 s2, s14  }
0x8e: {  	[smem:$0x3FC4] =	sst s2  }
0x8f: {  	_ = 	snop  }
0x90: {  	s2 =	sld [smem:$0x3FD0];
	_ =	sdelay $0x2  }
0x91: {  	s15 =	simm.s32 $0xA;
	s4 =	simm.s32 $0x10  }
0x92: {  	[smem:s4], [sflag:s15] =	dma.local [hbm:s2], $0x1  }
0x93: {  	_ =	swait.eq [sflag:s15], $0x1  }
0x94: {  	[sflag:s15] =	ssyncset.done $0x0  }
0x95: {  	[sflag:s15] =	ssyncadd.s32 $0xFFFFFFFF  }
0x96: {  	s16 =	sld [smem:$0x10];
	(tm) =	ssettm $0x1  }
0x97: {  	s17 =	sld [smem:$0x3FFB];
	_ =	sdelay $0x3  }
0x98: {  	_ =	strace s17  }
0x99: {  	s3 =	sld [smem:$0x3FFC];
	_ =	sdelay $0x3  }
0x9a: {  	_ =	strace s3  }
0x9b: {  	s3 =	sld [smem:$0x3FFD];
	_ =	sdelay $0x3  }
0x9c: {  	_ =	strace s3  }
0x9d: {  	_ =	strace $0x8FFFFFFF  }
0x9e: {  	s18 =	sld [smem:$0x3FDB];
	_ =	sdelay $0x1  }
0x9f: {  	s19 =	simm.s32 $_scs_section_size  }
0xa0: {  	s5 =	simm.s32 $_size__tile_overlayer_lowered;
	s6 =	simm.s32 $_tile_overlayer_lowered  }
0xa1: {  	s22 =	simm.s32 $0x1BFF;
	s21 =	sshll.u32 s6, $0x1;
	s3 =	sadd.s32 s19, s18  }
0xa2: {  	s7 =	simm.s32 $0x0;
	s20 =	sshll.u32 s5, $0x1;
	s5 =	sadd.s32 s21, s3  }
0xa3: {  	[timem:s7], [sflag:s22] =	dma.local [hbm:s5], s20  }
0xa4: {  	_ =	swait.ge [sflag:s22], s20  }
0xa5: {  	s4 =	ssub.s32 $0x0, s20;
	[sflag:s22] =	ssyncset.done $0x0  }
0xa6: {  	[sflag:s22] =	ssyncadd.s32 s4;
	_ =	sdelay $0x1  }
0xa7: {  	s23 =	simm.s32 $0x1B8B  }
0xa8: {  	_ =	swait.ge [sflag:s23], $0x1  }
0xa9: {  	[sflag:s23] =	ssyncset.done $0x0  }
0xaa: {  	s25 =	simm.s32 $0x1B8E;
	s24 =	sld [smem:$0x3FFE];
	[sflag:s23] =	ssyncadd.s32 $0xFFFFFFFF  }
0xab: {  	s26 =	simm.s32 $execute0_lowered;
	[smem:$0x3FD2] =	sst s25  }
0xac: {  	s5 =	sshll.u32 s26, $0x1;
	_ =	strace $0x8000004C;
	[dreg:$0x1] =	wrdreg $0xFFFFFFFF  }
0xad: {  	s28 =	simm.s32 $_size_execute0_lowered;
	s3 =	sadd.s32 s3, s5;
	[dreg:$0x0] =	wrdreg $0x0  }
0xae: {  	s5 =	sshll.u32 s28, $0x1;
	[dreg:$0x2] =	wrdreg s3  }
0xaf: {  	[dreg:$0x3] =	wrdreg s5  }
0xb0: {  	[dreg:$0x4] =	wrdreg $0xC0  }
0xb1: {  	_ =	task [dreg:s7], $0x5FFFF  }
0xb2: {  	[dreg:$0x1] =	wrdreg $0xFFFFFFFF  }
0xb3: {  	[dreg:$0x0] =	wrdreg $0x60  }
0xb4: {  	[dreg:$0x2] =	wrdreg s24  }
0xb5: {  	[dreg:$0x3] =	wrdreg s16  }
0xb6: {  	[dreg:$0x4] =	wrdreg $0x9  }
0xb7: {  	_ =	task.clear_ibuf [dreg:s7], $0x5FFFF;
	_ =	strace $0x9000004C  }
0xb8: {  	s29 =	simm.s32 $0x9;
	_ =	strace $0x8000004E  }
0xb9: {  	_ =	swait.ge [sflag:s29], $0x1  }
0xba: {  	[sflag:s29] =	ssyncadd.s32 $0xFFFFFFFF  }
0xbb: {  	_ =	strace $0x9000004E  }
0xbc: {  	_ =	sfence  }
0xbd: {  	s30 =	sld [smem:$0x0];
	_ =	sdelay $0x2  }
0xbe: {  	s31 =	sshll.u32 s1, $0xD;
	s1 =	sshrl.u32 s1, $0x2  }
0xbf: {  	s3 =	sand.u32 $0x4000, s31;
	s1 =	sadd.s32 s1, s30  }
0xc0: {  	s0 =	sor.u32 s3, s0;
	s1 =	sshll.u32 s1, $0x11  }
0xc1: {  	s0 =	sor.u32 s1, s0  }
0xc2: {  	s0 =	sadd.s32 $0x8F2B, s0  }
0xc3: {  	[sflag:s0] =	ssyncadd.remote.s32 $0x1  }
0xc4: {  	_ =	sfence.sel $0xFFFF  }
0xc5: {  	[dreg:$0x0] =	wrdreg $0xFFFFFFFF;
	(pc) =	sbr.abs _section_cstart, $3  }
0xc6: {  	[dreg:$0x1] =	wrdreg $0xFFFFFFFF  }
0xc7: {  	_ =	task.clear_ibuf [dreg:s7], $0x2FFFF;
	_ =	strace $0x9FFFFFFF  }
0xc8: {  	(tm) =	ssettm $0x7FFFFFFF  }
0xc9: {  	_ =	shalt  }
tec
execute0_lowered:
.L_overlay_start_1:
0x0: {  	(tag) =	ssettag $0x1  }
0x1: {  	s1 =	srdreg.scid;
	s5 =	rddreg [dreg:$0x0]  }
0x2: {  	s0 =	stileid.u32;
	s2 =	rddreg [dreg:$0x1];
	s6 =	simm.s32 $0x1  }
0x3: {  	s9 =	simm.s32 $0x1;
	s10 =	simm.s32 $0x3;
	s1 =	sshll.u32 s1, $0x7  }
0x4: {  	s13 =	simm.s32 $0x0;
	s3 =	sshll.u32 s0, $0x8;
	s4 =	sand.u32 $0x80, s1  }
0x5: {  	s12 =	simm.s32 $0x0;
	s1 =	rddreg [dreg:$0x2];
	s3 =	sor.u32 s3, s4  }
0x6: {  	_ =	strace $0x8000004D;
	s4 =	sadd.s32 $0x50E00, s5;
	s8 =	ssub.s32 $0x5E00, s3  }
.Ltmp0:
0x7: {  	s5 =	sadd.s32 $0x37000, s5;
	s7 =	sand.u32 $0xF80, s8;
	(pc) =	sbr.rel .LBB2_1-.Ltmp0, $4  }
0x8: {  	[sflag:s6] =	ssyncpa.u1 $0x0;
	s11 =	smov.u32 s3;
	p0 =	sne.s32 s7, $0x0  }
0x9: {  	s8 =	sshrl.u32 s8, $0xC;
	s7 =	simm.s32 $0x2;
	s9 =	simm.s32 @!p0 $0x0  }
0xa: {  	[sflag:s7] =	ssyncpa.u1 $0x0;
	p0 =	por $0x0, $0x0;
	s8 =	sadd.s32 s9, s8  }
0xb: {  	vm0 =	vmmov $0xffff;
	v0 =	vlaneseq.u32;
	[sflag:s10] =	ssyncpa.u1 $0x0;
	s10 =	simm.s32 $0x0;
	s9 =	sadd.s32 $0x1, s8  }
.LBB2_4:
0xc: {  	_ =	sdelay $0x3  }
0xd: {  	[tilespmem:s21], [sflag:$0x1] =	stream.indirect_vreg.gather [hbm4b:s4+s10], $0x1, v1, vm0, $0x4038;
	[tilespmem:$0x500] =	vst v63  }
0xe: {  	s15 =	sadd.s32 s17, s15  }
0xf: {  	v1 =	vld.msk [tilespmem:s15+$0x0 ss:$0x1], $0xffff;
	_ =	sdelay $0x4  }
0x10: {  	v2 =	vshrl.u32 v1, $0x7  }
0x11: {  	v3 =	vand.u32 $0x7F, v1;
	vm1 =	veq.s32 v1, $0x80000000;
	v1 =	vand.u32 $0x1FFF, v2  }
0x12: {  	p1 =	sgt.s32 s18, $0x0;
	v2 =	vmul.u32 $0x5000, v3;
	v1 =	vsel vm1, $0xFFFFFFFF, v1  }
0x13: {  	s18 =	simm.s32 @!p1 $0x0;
	v3 =	vshll.u32 v1, $0x2  }
0x14: {  	s26 =	smin.u32 s18, $0x10;
	v2 =	vsel vm1, $0xFFFFB000, v2;
	v3 =	vand.u32 $0xFFFFFE00, v3  }
0x15: {  	v1 =	vand.u32 $0x7F, v1;
	v2 =	vadd.s32 v2, v3;
	v3 =	vmov s26  }
0x16: {  	v1 =	vor.u32 v1, v2;
	vm1 =	vgt.u32 v3, v0  }
0x17: {  	v2 =	vnsel vm1, $0x7FFFFFFF, v1;
	_ =	sdelay $0x1  }
0x18: {  	v3 =	vor.u32 $0x80, v1  }
0x19: {  	(ifvalue) =	ssetifvalue $0x7FFFFFFF;
	v3 =	vnsel vm1, $0x7FFFFFFF, v3  }
0x1a: {  	s28 =	sadd.s32 s17, s16;
	(ifvalue) =	ssetifvalue $0x7FFFFFFF  }
0x1b: {  	v4 =	vor.u32 $0x100, v1;
	[tilespmem:s28], [sflag:$0x1] =	stream.indirect_vreg.gather [hbm4b:s4+s10], $0x1, v2, vm0, $0x4038;
	[tilespmem:$0x500] =	vst v63  }
0x1c: {  	(ifvalue) =	ssetifvalue $0x7FFFFFFF;
	v2 =	vnsel vm1, $0x7FFFFFFF, v4  }
0x1d: {  	s16 =	sadd.s32 $0x80, s28;
	(ifvalue) =	ssetifvalue $0x7FFFFFFF  }
0x1e: {  	v1 =	vor.u32 $0x180, v1;
	[tilespmem:s16], [sflag:$0x1] =	stream.indirect_vreg.gather [hbm4b:s4+s10], $0x1, v3, vm0, $0x4038;
	[tilespmem:$0x500] =	vst v63  }
0x1f: {  	v1 =	vnsel vm1, $0x7FFFFFFF, v1;
	(ifvalue) =	ssetifvalue $0x7FFFFFFF  }
0x20: {  	s29 =	sadd.s32 $0x100, s28;
	(ifvalue) =	ssetifvalue $0x7FFFFFFF  }
0x21: {  	[tilespmem:s29], [sflag:$0x1] =	stream.indirect_vreg.gather [hbm4b:s4+s10], $0x1, v2, vm0, $0x4038;
	[tilespmem:$0x500] =	vst v63  }
0x22: {  	(ifvalue) =	ssetifvalue $0x7FFFFFFF  }
0x23: {  	s30 =	sshll.u32 s13, $0x2;
	s15 =	sadd.s32 $0x180, s28;
	(ifvalue) =	ssetifvalue $0x7FFFFFFF  }
0x24: {  	[tilespmem:s15], [sflag:$0x1] =	stream.indirect_vreg.gather [hbm4b:s4+s10], $0x1, v1, vm0, $0x4038;
	[tilespmem:$0x500] =	vst v63  }
0x25: {  	s31 =	sand.u32 $0x78, s13;
	s15 =	sand.u32 $0xFFFFFE00, s30  }
0x26: {  	_ =	swait.ge [sflag:s6], $0x200;
	s13 =	sor.u32 s31, s15  }
0x27: {  	[sflag:s6] =	ssyncset.done $0x0;
	s13 =	sshrl.u32 s13, $0x3  }
0x28: {  	[sflag:s6] =	ssyncadd.s32 $0xFFFFFE00;
	s13 =	sadd.s32 s2, s13  }
0x29: {  	[hbm:s13] =	stream.linear.scatter [tilespmem:s14], [sflag:$0x3], $0x200, $0x38;
	[tilespmem:$0x500] =	vst v63  }
.LBB2_5:
0x2a: {  	s15 =	sadd.s32 $0x1000, s11  }
0x2b: {  	p2 =	sgt.s32 s15, $0x5DFF  }
0x2c: {  	s15 =	smov.u32 @p2 s3;
	p2 =	sne.s32 s12, s9  }
.Ltmp1:
0x2d: {  	p1 =	slt.u32 s12, $0x2;
	(pc) =	sbr.rel @!p2 .LBB2_6-.Ltmp1, $4  }
0x2e: {  	s14 =	simm.s32 @!p1 $0x3  }
0x2f: {  	s16 =	sadd.s32 $0x1, s12;
	_ =	swait.ge @!p1 [sflag:s14], $0x200  }
0x30: {  	s13 =	smov.u32 s11;
	p0 =	por !p0, !p0;
	[sflag:s14] =	ssyncset.done @!p1 $0x0  }
0x31: {  	s12 =	smov.u32 s16;
	s11 =	smov.u32 s15;
	[sflag:s14] =	ssyncadd.s32 @!p1 $0xFFFFFE00  }
.LBB2_1:
0x32: {  	p1 =	sge.u32 s12, s8  }
0x33: {  	s14 =	sxor.u32 @!p1 $0xFFFFFFFF, s12  }
0x34: {  	s31 =	sadd.s32 $0xFFFFFFFF, s12;
	s15 =	sshrl.u32 @!p1 s11, $0x3;
	s14 =	sshll.u32 @!p1 s14, $0x7  }
0x35: {  	s16 =	sand.u32 @!p1 $0x7, s11;
	s15 =	sadd.s32 @!p1 s5, s15;
	s14 =	sand.u32 @!p1 $0x80, s14  }
0x36: {  	[tilespmem:s14], [sflag:$0x2] =	stream.linear.gather @!p1 [hbm4b:s15+s16], $0x80, $0x38;
	[tilespmem:$0x500] =	vst v63  }
0x37: {  	p1 =	sge.u32 s31, s8  }
.Ltmp2:
0x38: {  	_ = 	snop;
	(pc) =	sbr.rel @p1 .LBB2_5-.Ltmp2, $1  }
0x39: {  	_ =	sdelay $0x3  }
0x3a: {  	s14 =	simm.s32 $0x1  }
0x3b: {  	_ =	swait.ge [sflag:s7], $0x80;
	s14 =	simm.s32 @!p0 $0x0  }
0x3c: {  	[sflag:s7] =	ssyncset.done $0x0;
	s15 =	sshll.u32 s14, $0x7  }
0x3d: {  	[sflag:s7] =	ssyncadd.s32 $0xFFFFFF80;
	s16 =	sadd.s32 $0x0, s15  }
0x3e: {  	v1 =	vld.msk [tilespmem:s16+$0x0 ss:$0x1], $0xffff;
	_ =	sdelay $0x3  }
0x3f: {  	s18 =	ssub.s32 $0x5DC0, s13  }
0x40: {  	p1 =	slt.s32 s18, $0x80;
	v2 =	vshrl.u32 v1, $0x7  }
0x41: {  	s18 =	simm.s32 @!p1 $0x80;
	v3 =	vand.u32 $0x7F, v1;
	vm1 =	veq.s32 v1, $0x80000000;
	v1 =	vand.u32 $0x1FFF, v2  }
0x42: {  	p1 =	sgt.s32 s18, $0x0;
	s16 =	smov.u32 s18;
	v2 =	vmul.u32 $0x5000, v3;
	v1 =	vsel vm1, $0xFFFFFFFF, v1  }
0x43: {  	s16 =	simm.s32 @!p1 $0x0;
	v3 =	vshll.u32 v1, $0x2  }
0x44: {  	s16 =	smin.u32 s16, $0x10;
	v2 =	vsel vm1, $0xFFFFB000, v2;
	v3 =	vand.u32 $0xFFFFFE00, v3  }
0x45: {  	v1 =	vand.u32 $0x7F, v1;
	v2 =	vadd.s32 v2, v3;
	v3 =	vmov s16  }
0x46: {  	v1 =	vor.u32 v1, v2;
	vm1 =	vgt.u32 v3, v0  }
0x47: {  	v2 =	vnsel vm1, $0x7FFFFFFF, v1;
	_ =	sdelay $0x1  }
0x48: {  	s14 =	sshll.u32 s14, $0x9;
	v3 =	vor.u32 $0x80, v1  }
0x49: {  	(ifvalue) =	ssetifvalue $0x7FFFFFFF;
	s16 =	sor.u32 $0x100, s14;
	v3 =	vnsel vm1, $0x7FFFFFFF, v3  }
0x4a: {  	(ifvalue) =	ssetifvalue $0x7FFFFFFF;
	s19 =	sadd.s32 $0x0, s16  }
0x4b: {  	v4 =	vor.u32 $0x100, v1;
	[tilespmem:s19], [sflag:$0x1] =	stream.indirect_vreg.gather [hbm4b:s4+s10], $0x1, v2, vm0, $0x4038;
	[tilespmem:$0x500] =	vst v63  }
0x4c: {  	(ifvalue) =	ssetifvalue $0x7FFFFFFF;
	v2 =	vnsel vm1, $0x7FFFFFFF, v4  }
0x4d: {  	s17 =	sadd.s32 $0x80, s19;
	(ifvalue) =	ssetifvalue $0x7FFFFFFF  }
0x4e: {  	v1 =	vor.u32 $0x180, v1;
	[tilespmem:s17], [sflag:$0x1] =	stream.indirect_vreg.gather [hbm4b:s4+s10], $0x1, v3, vm0, $0x4038;
	[tilespmem:$0x500] =	vst v63  }
0x4f: {  	s30 =	sshll.u32 s12, $0x9;
	s20 =	simm.s32 $0x80;
	v1 =	vnsel vm1, $0x7FFFFFFF, v1;
	(ifvalue) =	ssetifvalue $0x7FFFFFFF  }
0x50: {  	s14 =	sand.u32 $0x200, s30;
	s31 =	sadd.s32 $0x100, s19;
	(ifvalue) =	ssetifvalue $0x7FFFFFFF  }
0x51: {  	[tilespmem:s31], [sflag:$0x1] =	stream.indirect_vreg.gather [hbm4b:s4+s10], $0x1, v2, vm0, $0x4038;
	[tilespmem:$0x500] =	vst v63  }
0x52: {  	s18 =	sadd.s32 $0xFFFFFFF0, s18;
	s14 =	sor.u32 $0x100, s14;
	(ifvalue) =	ssetifvalue $0x7FFFFFFF  }
0x53: {  	s21 =	sadd.s32 $0x180, s19;
	s17 =	simm.s32 $0x10;
	(ifvalue) =	ssetifvalue $0x7FFFFFFF  }
.LBB2_3:
0x54: {  	[tilespmem:s21], [sflag:$0x1] =	stream.indirect_vreg.gather [hbm4b:s4+s10], $0x1, v1, vm0, $0x4038;
	[tilespmem:$0x500] =	vst v63  }
0x55: {  	s19 =	smov.u32 s20  }
0x56: {  	s22 =	sadd.s32 s17, s15;
	s21 =	sshra.s32 s19, $0x2;
	s19 =	sadd.s32 $0x40, s20  }
0x57: {  	p1 =	sne.s32 s20, $0x1C0;
	v1 =	vld.msk [tilespmem:s22+$0x0 ss:$0x1], $0xffff  }
0x58: {  	(ifvalue) =	ssetifvalue $0x7FFFFFFF;
	_ =	sdelay $0x4  }
0x59: {  	v2 =	vand.u32 $0x7F, v1;
	v3 =	vshrl.u32 v1, $0x7  }
0x5a: {  	vm1 =	veq.s32 v1, $0x80000000;
	v1 =	vand.u32 $0x1FFF, v3;
	v2 =	vmul.u32 $0x5000, v2  }
0x5b: {  	p2 =	sgt.s32 s18, $0x0;
	s20 =	smov.u32 s18;
	v1 =	vsel vm1, $0xFFFFFFFF, v1  }
0x5c: {  	s20 =	simm.s32 @!p2 $0x0;
	v2 =	vsel vm1, $0xFFFFB000, v2;
	v3 =	vshll.u32 v1, $0x2  }
0x5d: {  	s20 =	smin.u32 s20, $0x10;
	v3 =	vand.u32 $0xFFFFFE00, v3  }
0x5e: {  	v1 =	vand.u32 $0x7F, v1;
	v2 =	vadd.s32 v2, v3;
	v3 =	vmov s20  }
0x5f: {  	v1 =	vor.u32 v1, v2;
	vm1 =	vgt.u32 v3, v0  }
0x60: {  	v2 =	vnsel vm1, $0x7FFFFFFF, v1;
	v3 =	vor.u32 $0x80, v1;
	v4 =	vor.u32 $0x100, v1  }
0x61: {  	v1 =	vor.u32 $0x180, v1;
	_ =	sdelay $0x1  }
0x62: {  	v3 =	vnsel vm1, $0x7FFFFFFF, v3  }
0x63: {  	s20 =	sadd.s32 s17, s16;
	s17 =	smov.u32 s21;
	(ifvalue) =	ssetifvalue $0x7FFFFFFF  }
0x64: {  	[tilespmem:s20], [sflag:$0x1] =	stream.indirect_vreg.gather [hbm4b:s4+s10], $0x1, v2, vm0, $0x4038;
	[tilespmem:$0x500] =	vst v63  }
0x65: {  	v2 =	vnsel vm1, $0x7FFFFFFF, v4;
	(ifvalue) =	ssetifvalue $0x7FFFFFFF  }
0x66: {  	s21 =	sadd.s32 $0x80, s20;
	(ifvalue) =	ssetifvalue $0x7FFFFFFF  }
0x67: {  	[tilespmem:s21], [sflag:$0x1] =	stream.indirect_vreg.gather [hbm4b:s4+s10], $0x1, v3, vm0, $0x4038;
	[tilespmem:$0x500] =	vst v63  }
.Ltmp3:
0x68: {  	v1 =	vnsel vm1, $0x7FFFFFFF, v1;
	(ifvalue) =	ssetifvalue $0x7FFFFFFF;
	(pc) =	sbr.rel @p1 .LBB2_3-.Ltmp3, $4  }
0x69: {  	s21 =	sadd.s32 $0x100, s20;
	(ifvalue) =	ssetifvalue $0x7FFFFFFF  }
0x6a: {  	[tilespmem:s21], [sflag:$0x1] =	stream.indirect_vreg.gather [hbm4b:s4+s10], $0x1, v2, vm0, $0x4038;
	[tilespmem:$0x500] =	vst v63  }
0x6b: {  	s18 =	sadd.s32 $0xFFFFFFF0, s18;
	(ifvalue) =	ssetifvalue $0x7FFFFFFF  }
0x6c: {  	s21 =	sadd.s32 $0x180, s20;
	s20 =	smov.u32 s19;
	(ifvalue) =	ssetifvalue $0x7FFFFFFF  }
.Ltmp4:
0x6d: {  	_ = 	snop;
	(pc) =	sbr.rel .LBB2_4-.Ltmp4, $1  }
0x6e: {  	_ =	sdelay $0x3  }
.LBB2_6:
0x6f: {  	_ =	sfence.sel $0x180000  }
0x70: {  	s2 =	simm.s32 $0x2;
	[bflag:$0x0] =	sbarrier.arrive $0xFFFF  }
0x71: {  	s30 =	simm.s32 $0x3;
	[sflag:s2] =	ssyncpa.u1 $0x1  }
0x72: {  	s31 =	simm.s32 $0x1;
	[sflag:s30] =	ssyncpa.u1 $0x1  }
0x73: {  	[sflag:s31] =	ssyncpa.u1 $0x1  }
0x74: {  	p0 =	sne.s32 s0, $0x0;
	_ =	strace $0x9000004D  }
0x75: {  	s0 =	sadd.s32 @!p0 $0x100000, s1;
	[bflag:$0x2] =	sbarrier.arrive $0xFFFF  }
0x76: {  	[sflag:s0] =	ssyncadd.tile.s32 @!p0 $0x1;
	_ =	shalt  }
.Lfunc_end2:
_tile_overlayer_lowered:
.L_overlay_start_2:
0x77: {  	(tag) =	ssettag $0x2  }
0x78: {  	s0 =	rddreg [dreg:$0x0];
	s2 =	stileid.u32  }
0x79: {  	s1 =	rddreg [dreg:$0x1];
	p0 =	sne.s32 s2, $0x0  }
0x7a: {  	s3 =	rddreg [dreg:$0x2];
	[bflag:$0x3] =	sbarrier.arrive $0xFFFF;
	s2 =	simm.s32 @!p0 $0x1C01  }
0x7b: {  	[timem:s3], [sflag:s2] =	dma.local @!p0 [hbm:s0], s1  }
0x7c: {  	s0 =	simm.s32 @!p0 $0x1  }
0x7d: {  	_ =	swait.ge @!p0 [sflag:s0], s1  }
0x7e: {  	s1 =	ssub.s32 @!p0 $0x0, s1;
	[sflag:s0] =	ssyncset.done @!p0 $0x0  }
0x7f: {  	[sflag:s0] =	ssyncadd.s32 @!p0 s1  }
0x80: {  	[bflag:$0x3] =	sbarrier.arrive $0xFFFF  }
0x81: {  	_ =	shalt  }

// kernel: gather_offload_async_start
scs
__scs_entry_jumppad:
0x0: {  	(pc) =	sbr.rel $0x88, $3  }
0x1: {  	(tag) =	ssettag $0x0;
	lr =	simm.s32 $0x1  }
0x2: {  	[smem:$0x3F9D] =	sst lr;
	_ =	strace $0xD0000000  }
0x3: {  	_ = 	snop  }
0x4: {  	_ = 	snop  }
0x5: {  	_ = 	snop  }
0x6: {  	_ = 	snop  }
0x7: {  	_ = 	snop  }
__scs_overlays_trampoline_lowered:
0x8: {  	[smem:$0x3FAC] =	sst s0  }
0x9: {  	[smem:$0x3FAD] =	sst s1  }
0xa: {  	[smem:$0x3FAE] =	sst s2  }
0xb: {  	[smem:$0x3FAF] =	sst s3  }
0xc: {  	[smem:$0x3FB0] =	sst s4  }
0xd: {  	[smem:$0x3FB1] =	sst s5  }
0xe: {  	[smem:$0x3FB2] =	sst s6  }
0xf: {  	[smem:$0x3FB3] =	sst s7  }
0x10: {  	[smem:$0x3FB4] =	sst s8  }
0x11: {  	[smem:$0x3FB5] =	sst s9;
	s0 =	simm.s32 @!p0 $0x0  }
0x12: {  	s1 =	sld [smem:$0x3F9B];
	s0 =	simm.s32 @p0 $0x1  }
0x13: {  	[smem:$0x3FB6] =	sst s0;
	s0 =	simm.s32 @!p1 $0x0  }
0x14: {  	s2 =	sld [smem:$0x3F9A];
	s0 =	simm.s32 @p1 $0x1  }
0x15: {  	[smem:$0x3FB7] =	sst s0;
	s0 =	simm.s32 @!p2 $0x0  }
0x16: {  	s3 =	sld [smem:$0x3FDB];
	s0 =	simm.s32 @p2 $0x1  }
0x17: {  	s4 =	simm.s32 $0x1BF5;
	[smem:$0x3FB9] =	sst s0  }
0x18: {  	s0 =	sld [smem:$0x3F9C];
	_ =	swait.ge [sflag:s4], $0x0  }
0x19: {  	s7 =	sld [smem:$0x3F9D]  }
0x1a: {  	s8 =	sadd.s32 $0xFFFFE003, lr  }
0x1b: {  	s9 =	sadd.s32 $0xFFFFFEF7, lr;
	s5 =	simm.s32 $0xFFFFFFFF;
	p2 =	slt.u32 s8, $0xFFFFF086  }
0x1c: {  	p1 =	slt.u32 s9, $0xF7A;
	s5 =	simm.s32 @!p2 $0x0  }
0x1d: {  	s5 =	simm.s32 @p1 $0x1;
	p0 =	seq.s32 s7, s2  }
0x1e: {  	s7 =	smul.u32 @!p0 $0xF7A, s2;
	p2 =	seq.s32 @!p0 s5, $0x0  }
0x1f: {  	s9 =	smul.u32 $0xF7A, s1;
	s8 =	simm.s32 @!p0 $0x1BF5;
	p2 =	por !p2, p0  }
0x20: {  	[sflag:s8] =	ssyncset.s32 @!p0 $0xFFFFF086;
	s6 =	sadd.s32 @!p0 s3, s7;
	s7 =	simm.s32 @!p0 $0x108  }
0x21: {  	s3 =	sadd.s32 s3, s9;
	s6 =	sadd.s32 @!p0 $0x88, s6;
	s7 =	simm.s32 @p2 $0x1082  }
0x22: {  	[simem:s7], [sflag:s8] =	dma.local @!p0 [hbm:s6], $0xF7A  }
0x23: {  	s9 =	sor.u32 $0xD0000000, s2;
	s6 =	simm.s32 $0x108;
	_ =	swait.ge @!p0 [sflag:s8], $0x0  }
0x24: {  	s3 =	sadd.s32 $0x88, s3;
	s6 =	simm.s32 @!p1 $0x1082;
	[sflag:s4] =	ssyncset.s32 $0xFFFFF086  }
0x25: {  	[simem:s6], [sflag:s4] =	dma.local [hbm:s3], $0xF7A  }
0x26: {  	[smem:$0x3F9D] =	sst s1;
	(tag) =	ssettag s2;
	_ =	strace s9  }
0x27: {  	s1 =	sld [smem:$0x3FAD]  }
0x28: {  	s2 =	sld [smem:$0x3FAE]  }
0x29: {  	s4 =	sld [smem:$0x3FB0]  }
0x2a: {  	p0 =	seq.s32 s5, $0x0;
	s5 =	sld [smem:$0x3FB1]  }
0x2b: {  	s6 =	sld [smem:$0x3FB2]  }
0x2c: {  	s7 =	sld [smem:$0x3FB3]  }
0x2d: {  	s3 =	simm.s32 $0x108;
	s8 =	sld [smem:$0x3FB4]  }
0x2e: {  	s3 =	simm.s32 @!p0 $0x1082;
	s9 =	sld [smem:$0x3FB5]  }
0x2f: {  	lr =	sadd.s32 s0, s3;
	s0 =	sld [smem:$0x3FAC]  }
0x30: {  	s3 =	sld [smem:$0x3FAF]  }
0x31: {  	[smem:$0x3FB8] =	sst s10  }
0x32: {  	s10 =	sld [smem:$0x3FB6];
	_ =	sdelay $0x3  }
0x33: {  	p0 =	seq.s32 s10, $0x1;
	s10 =	sld [smem:$0x3FB8];
	_ =	sdelay $0x3  }
0x34: {  	[smem:$0x3FB8] =	sst s10  }
0x35: {  	s10 =	sld [smem:$0x3FB7];
	_ =	sdelay $0x3  }
0x36: {  	p1 =	seq.s32 s10, $0x1;
	s10 =	sld [smem:$0x3FB8];
	_ =	sdelay $0x3  }
0x37: {  	[smem:$0x3FB8] =	sst s10  }
0x38: {  	s10 =	sld [smem:$0x3FB9]  }
0x39: {  	_ = 	snop;
	(pc) =	sbr.ind lr, $3  }
0x3a: {  	_ = 	snop  }
0x3b: {  	_ = 	snop  }
0x3c: {  	p2 =	seq.s32 s10, $0x1;
	s10 =	sld [smem:$0x3FB8]  }
0x3d: {  	_ =	shalt  }
0x3e: {  	_ =	shalt  }
0x3f: {  	_ =	shalt  }
0x40: {  	_ =	shalt  }
0x41: {  	_ =	shalt  }
0x42: {  	_ =	shalt  }
0x43: {  	_ =	shalt  }
0x44: {  	_ =	shalt  }
0x45: {  	_ =	shalt  }
0x46: {  	_ =	shalt  }
0x47: {  	_ =	shalt  }
0x48: {  	_ =	shalt  }
0x49: {  	_ =	shalt  }
0x4a: {  	_ =	shalt  }
0x4b: {  	_ =	shalt  }
0x4c: {  	_ =	shalt  }
0x4d: {  	_ =	shalt  }
0x4e: {  	_ =	shalt  }
0x4f: {  	_ =	shalt  }
0x50: {  	_ =	shalt  }
0x51: {  	_ =	shalt  }
0x52: {  	_ =	shalt  }
0x53: {  	_ =	shalt  }
0x54: {  	_ =	shalt  }
0x55: {  	_ =	shalt  }
0x56: {  	_ =	shalt  }
0x57: {  	_ =	shalt  }
0x58: {  	_ =	shalt  }
0x59: {  	_ =	shalt  }
0x5a: {  	_ =	shalt  }
0x5b: {  	_ =	shalt  }
0x5c: {  	_ =	shalt  }
0x5d: {  	_ =	shalt  }
0x5e: {  	_ =	shalt  }
0x5f: {  	_ =	shalt  }
0x60: {  	_ =	shalt  }
0x61: {  	_ =	shalt  }
0x62: {  	_ =	shalt  }
0x63: {  	_ =	shalt  }
0x64: {  	_ =	shalt  }
0x65: {  	_ =	shalt  }
0x66: {  	_ =	shalt  }
0x67: {  	_ =	shalt  }
0x68: {  	_ =	shalt  }
0x69: {  	_ =	shalt  }
0x6a: {  	_ =	shalt  }
0x6b: {  	_ =	shalt  }
0x6c: {  	_ =	shalt  }
0x6d: {  	_ =	shalt  }
0x6e: {  	_ =	shalt  }
0x6f: {  	_ =	shalt  }
0x70: {  	_ =	shalt  }
0x71: {  	_ =	shalt  }
0x72: {  	_ =	shalt  }
0x73: {  	_ =	shalt  }
0x74: {  	_ =	shalt  }
0x75: {  	_ =	shalt  }
0x76: {  	_ =	shalt  }
0x77: {  	_ =	shalt  }
0x78: {  	_ =	shalt  }
0x79: {  	_ =	shalt  }
0x7a: {  	_ =	shalt  }
0x7b: {  	_ =	shalt  }
0x7c: {  	_ =	shalt  }
0x7d: {  	_ =	shalt  }
0x7e: {  	_ =	shalt  }
0x7f: {  	_ =	shalt  }
0x80: {  	_ =	shalt  }
0x81: {  	_ =	shalt  }
0x82: {  	_ =	shalt  }
0x83: {  	_ =	shalt  }
0x84: {  	_ =	shalt  }
0x85: {  	_ =	shalt  }
0x86: {  	_ =	shalt  }
0x87: {  	_ =	shalt  }
.Lfunc_end0:
.L_simem_size_0:
called_computation_lowered:
.L_overlay_start_0:
0x88: {  	s2 =	sld [smem:$0x3FD9]  }
0x89: {  	s3 =	sld [smem:$0x3FFE];
	_ =	sdelay $0x1  }
0x8a: {  	s1 =	srdreg.scid  }
0x8b: {  	s0 =	sand.u32 $0x1, s1  }
0x8c: {  	s14 =	sshll.u32 s0, $0xA;
	s2 =	sadd.s32 s3, s2  }
0x8d: {  	s2 =	sadd.s32 s2, s14  }
0x8e: {  	[smem:$0x3FC4] =	sst s2  }
0x8f: {  	_ = 	snop  }
0x90: {  	s2 =	sld [smem:$0x3FD0];
	_ =	sdelay $0x2  }
0x91: {  	s15 =	simm.s32 $0xA;
	s4 =	simm.s32 $0x10  }
0x92: {  	[smem:s4], [sflag:s15] =	dma.local [hbm:s2], $0x1  }
0x93: {  	_ =	swait.eq [sflag:s15], $0x1  }
0x94: {  	[sflag:s15] =	ssyncset.done $0x0  }
0x95: {  	[sflag:s15] =	ssyncadd.s32 $0xFFFFFFFF  }
0x96: {  	s16 =	sld [smem:$0x10];
	(tm) =	ssettm $0x1  }
0x97: {  	s17 =	sld [smem:$0x3FFB];
	_ =	sdelay $0x3  }
0x98: {  	_ =	strace s17  }
0x99: {  	s3 =	sld [smem:$0x3FFC];
	_ =	sdelay $0x3  }
0x9a: {  	_ =	strace s3  }
0x9b: {  	s3 =	sld [smem:$0x3FFD];
	_ =	sdelay $0x3  }
0x9c: {  	_ =	strace s3  }
0x9d: {  	_ =	strace $0x8FFFFFFF  }
0x9e: {  	s18 =	sld [smem:$0x3FDB];
	_ =	sdelay $0x1  }
0x9f: {  	s19 =	simm.s32 $_scs_section_size  }
0xa0: {  	s5 =	simm.s32 $_size__tile_overlayer_lowered;
	s6 =	simm.s32 $_tile_overlayer_lowered  }
0xa1: {  	s22 =	simm.s32 $0x1BFF;
	s21 =	sshll.u32 s6, $0x1;
	s3 =	sadd.s32 s19, s18  }
0xa2: {  	s7 =	simm.s32 $0x0;
	s20 =	sshll.u32 s5, $0x1;
	s5 =	sadd.s32 s21, s3  }
0xa3: {  	[timem:s7], [sflag:s22] =	dma.local [hbm:s5], s20  }
0xa4: {  	_ =	swait.ge [sflag:s22], s20  }
0xa5: {  	s4 =	ssub.s32 $0x0, s20;
	[sflag:s22] =	ssyncset.done $0x0  }
0xa6: {  	[sflag:s22] =	ssyncadd.s32 s4;
	_ =	sdelay $0x1  }
0xa7: {  	s23 =	simm.s32 $0x1B8B  }
0xa8: {  	_ =	swait.ge [sflag:s23], $0x1  }
0xa9: {  	[sflag:s23] =	ssyncset.done $0x0  }
0xaa: {  	s25 =	simm.s32 $0x1B8E;
	s24 =	sld [smem:$0x3FFE];
	[sflag:s23] =	ssyncadd.s32 $0xFFFFFFFF  }
0xab: {  	s26 =	simm.s32 $execute0_lowered;
	[smem:$0x3FD2] =	sst s25  }
0xac: {  	s5 =	sshll.u32 s26, $0x1;
	_ =	strace $0x80000049;
	[dreg:$0x1] =	wrdreg $0xFFFFFFFF  }
0xad: {  	s28 =	simm.s32 $_size_execute0_lowered;
	s3 =	sadd.s32 s3, s5;
	[dreg:$0x0] =	wrdreg $0x0  }
0xae: {  	s5 =	sshll.u32 s28, $0x1;
	[dreg:$0x2] =	wrdreg s3  }
0xaf: {  	[dreg:$0x3] =	wrdreg s5  }
0xb0: {  	[dreg:$0x4] =	wrdreg $0xC0  }
0xb1: {  	_ =	task [dreg:s7], $0x5FFFF  }
0xb2: {  	[dreg:$0x1] =	wrdreg $0xFFFFFFFF  }
0xb3: {  	[dreg:$0x0] =	wrdreg $0x60  }
0xb4: {  	[dreg:$0x2] =	wrdreg s16  }
0xb5: {  	[dreg:$0x3] =	wrdreg s24  }
0xb6: {  	[dreg:$0x4] =	wrdreg $0x9  }
0xb7: {  	_ =	task.clear_ibuf [dreg:s7], $0x5FFFF;
	_ =	strace $0x90000049  }
0xb8: {  	s29 =	simm.s32 $0x9;
	_ =	strace $0x8000004B  }
0xb9: {  	_ =	swait.ge [sflag:s29], $0x1  }
0xba: {  	[sflag:s29] =	ssyncadd.s32 $0xFFFFFFFF  }
0xbb: {  	_ =	strace $0x9000004B  }
0xbc: {  	_ =	sfence  }
0xbd: {  	s30 =	sld [smem:$0x0];
	_ =	sdelay $0x2  }
0xbe: {  	s31 =	sshll.u32 s1, $0xD;
	s1 =	sshrl.u32 s1, $0x2  }
0xbf: {  	s3 =	sand.u32 $0x4000, s31;
	s1 =	sadd.s32 s1, s30  }
0xc0: {  	s0 =	sor.u32 s3, s0;
	s1 =	sshll.u32 s1, $0x11  }
0xc1: {  	s0 =	sor.u32 s1, s0  }
0xc2: {  	s0 =	sadd.s32 $0x8F2B, s0  }
0xc3: {  	[sflag:s0] =	ssyncadd.remote.s32 $0x1  }
0xc4: {  	_ =	sfence.sel $0xFFFF  }
0xc5: {  	[dreg:$0x0] =	wrdreg $0xFFFFFFFF;
	(pc) =	sbr.abs _section_cstart, $3  }
0xc6: {  	[dreg:$0x1] =	wrdreg $0xFFFFFFFF  }
0xc7: {  	_ =	task.clear_ibuf [dreg:s7], $0x2FFFF;
	_ =	strace $0x9FFFFFFF  }
0xc8: {  	(tm) =	ssettm $0x7FFFFFFF  }
0xc9: {  	_ =	shalt  }
tec
execute0_lowered:
.L_overlay_start_1:
0x0: {  	(tag) =	ssettag $0x1  }
0x1: {  	s2 =	rddreg [dreg:$0x0]  }
0x2: {  	s8 =	rddreg [dreg:$0x1]  }
0x3: {  	s0 =	rddreg [dreg:$0x2];
	s1 =	stileid.u32  }
0x4: {  	s3 =	srdreg.scid;
	_ =	strace $0x8000004A;
	s4 =	simm.s32 $0x1  }
0x5: {  	s7 =	simm.s32 $0x1;
	s9 =	simm.s32 $0x1;
	s10 =	simm.s32 $0x3  }
0x6: {  	s13 =	simm.s32 $0x0;
	s5 =	sand.u32 $0x1, s3;
	s6 =	sshll.u32 s1, $0x1  }
0x7: {  	s12 =	simm.s32 $0x0;
	s3 =	sadd.s32 $0x37000, s8;
	s5 =	sor.u32 s6, s5  }
.Ltmp0:
0x8: {  	[sflag:s4] =	ssyncpa.u1 $0x0;
	p0 =	slt.u32 s5, $0x13;
	(pc) =	sbr.rel .LBB2_1-.Ltmp0, $4  }
0x9: {  	s6 =	simm.s32 $0x2;
	s7 =	simm.s32 @!p0 $0x0;
	p0 =	sne.s32 s5, $0x12  }
0xa: {  	[sflag:s6] =	ssyncpa.u1 $0x0;
	s5 =	smul.u32 $0x1E0, s5;
	s9 =	simm.s32 @!p0 $0x0  }
0xb: {  	s8 =	sadd.s32 $0x3B000, s8;
	[sflag:s10] =	ssyncpa.u1 $0x0;
	s7 =	sadd.s32 s9, s7  }
0xc: {  	vm0 =	vmmov $0xffff;
	s10 =	simm.s32 $0x0;
	s11 =	smov.u32 s5;
	s9 =	sadd.s32 $0x1, s7  }
.LBB2_4:
0xd: {  	vm1 =	veq.s32 v0, $0x80000000;
	v63 =	vand.u32 $0x7F, v0;
	v2 =	vand.u32 $0x1FF, v2  }
0xe: {  	v0 =	vsel vm1, $0xFFFFFFFF, v63;
	v2 =	vsel vm1, $0xFFFFFFFF, v2  }
0xf: {  	v3 =	vshll.u32 v0, $0x9;
	v4 =	vshll.u32 v2, $0x3  }
0x10: {  	v0 =	vshll.u32 v0, $0x7;
	v3 =	vand.u32 $0xFFFFF000, v3;
	v4 =	vand.u32 $0xFFFFFC00, v4  }
0x11: {  	v0 =	vand.u32 $0x380, v0;
	v3 =	vadd.s32 v3, v4  }
0x12: {  	v2 =	vand.u32 $0x7F, v2;
	v0 =	vor.u32 v0, v3  }
0x13: {  	v0 =	vor.u32 v2, v0;
	_ =	sdelay $0x1  }
0x14: {  	(ifvalue) =	ssetifvalue $0x7FFFFFFF;
	s15 =	sadd.s32 $0x10, s15  }
0x15: {  	[tilespmem:s15], [sflag:$0x1] =	stream.indirect_vreg.gather [hbm4b:s2+s10], $0x1, v1, vm0, $0x4038;
	[tilespmem:$0x780] =	vst v63  }
0x16: {  	(ifvalue) =	ssetifvalue $0x7FFFFFFF;
	s15 =	sadd.s32 $0x10, s15  }
0x17: {  	[tilespmem:s15], [sflag:$0x1] =	stream.indirect_vreg.gather [hbm4b:s2+s10], $0x1, v0, vm0, $0x4038;
	[tilespmem:$0x780] =	vst v63  }
0x18: {  	_ =	swait.ge [sflag:s4], $0x1E0  }
0x19: {  	s30 =	sshrl.u32 s13, $0x3;
	[sflag:s4] =	ssyncset.done $0x0  }
0x1a: {  	s31 =	sand.u32 $0x7, s13;
	s15 =	sadd.s32 s8, s30;
	[sflag:s4] =	ssyncadd.s32 $0xFFFFFE20  }
0x1b: {  	[hbm4b:s15+s31] =	stream.linear.scatter [tilespmem:s14], [sflag:$0x3], $0x1E0, $0x38;
	[tilespmem:$0x780] =	vst v63  }
.LBB2_5:
0x1c: {  	s15 =	sadd.s32 $0x3C00, s11  }
0x1d: {  	p1 =	sgt.s32 s15, $0x5DBF  }
0x1e: {  	s15 =	smov.u32 @p1 s5;
	p1 =	sne.s32 s12, s9  }
.Ltmp1:
0x1f: {  	p0 =	slt.u32 s12, $0x2;
	(pc) =	sbr.rel @!p1 .LBB2_6-.Ltmp1, $4  }
0x20: {  	s14 =	simm.s32 @!p0 $0x3  }
0x21: {  	_ =	swait.ge @!p0 [sflag:s14], $0x1E0  }
0x22: {  	s16 =	sadd.s32 $0x1, s12;
	s13 =	smov.u32 s11;
	[sflag:s14] =	ssyncset.done @!p0 $0x0  }
0x23: {  	s12 =	smov.u32 s16;
	s11 =	smov.u32 s15;
	[sflag:s14] =	ssyncadd.s32 @!p0 $0xFFFFFE20  }
.LBB2_1:
0x24: {  	p0 =	sge.u32 s12, s7  }
0x25: {  	s14 =	sxor.u32 @!p0 $0x1, s12  }
0x26: {  	s14 =	smul.u32 @!p0 $0x780, s14  }
0x27: {  	s31 =	sadd.s32 $0xFFFFFFFF, s12;
	s15 =	sshrl.u32 @!p0 s11, $0x3  }
0x28: {  	s16 =	sand.u32 @!p0 $0x7, s11;
	s15 =	sadd.s32 @!p0 s3, s15;
	s14 =	sshra.s32 @!p0 s14, $0x2  }
0x29: {  	[tilespmem:s14], [sflag:$0x2] =	stream.linear.gather @!p0 [hbm4b:s15+s16], $0x1E0, $0x38;
	[tilespmem:$0x780] =	vst v63  }
0x2a: {  	p0 =	sge.u32 s31, s7  }
.Ltmp2:
0x2b: {  	_ = 	snop;
	(pc) =	sbr.rel @p0 .LBB2_5-.Ltmp2, $1  }
0x2c: {  	_ =	sdelay $0x3  }
0x2d: {  	s14 =	sand.u32 $0x1, s12  }
0x2e: {  	_ =	swait.ge [sflag:s6], $0x1E0;
	p0 =	seq.s32 s14, $0x1;
	s14 =	simm.s32 $0x1E0  }
0x2f: {  	[sflag:s6] =	ssyncset.done $0x0;
	s14 =	simm.s32 @!p0 $0x0  }
0x30: {  	[sflag:s6] =	ssyncadd.s32 $0xFFFFFE20;
	(ifvalue) =	ssetifvalue $0x7FFFFFFF;
	v0 =	vld.msk [tilespmem:s14+$0x0 ss:$0x1], $0xffff;
	_ =	sdelay $0x3  }
0x31: {  	s15 =	sadd.s32 $0x10, s14  }
0x32: {  	v2 =	vld.msk [tilespmem:s15+$0x0 ss:$0x1], $0xffff;
	v1 =	vshrl.u32 v0, $0x7  }
0x33: {  	vm1 =	veq.s32 v0, $0x80000000;
	v0 =	vand.u32 $0x7F, v0;
	v1 =	vand.u32 $0x1FF, v1  }
0x34: {  	v0 =	vsel vm1, $0xFFFFFFFF, v0;
	v1 =	vsel vm1, $0xFFFFFFFF, v1  }
0x35: {  	v3 =	vshll.u32 v0, $0x9;
	v4 =	vshll.u32 v1, $0x3  }
0x36: {  	v0 =	vshll.u32 v0, $0x7;
	v3 =	vand.u32 $0xFFFFF000, v3;
	v4 =	vand.u32 $0xFFFFFC00, v4  }
0x37: {  	vm1 =	veq.s32 v2, $0x80000000;
	v0 =	vand.u32 $0x380, v0;
	v3 =	vadd.s32 v3, v4  }
0x38: {  	v1 =	vand.u32 $0x7F, v1;
	v0 =	vor.u32 v0, v3;
	v3 =	vshrl.u32 v2, $0x7  }
0x39: {  	s15 =	sadd.s32 $0x10, s15;
	v2 =	vand.u32 $0x7F, v2;
	v1 =	vor.u32 v1, v0;
	v3 =	vand.u32 $0x1FF, v3  }
0x3a: {  	v0 =	vld.msk [tilespmem:s15+$0x0 ss:$0x1], $0xffff;
	v2 =	vsel vm1, $0xFFFFFFFF, v2;
	v3 =	vsel vm1, $0xFFFFFFFF, v3  }
0x3b: {  	v63 =	vshll.u32 v2, $0x9;
	v5 =	vshll.u32 v3, $0x3  }
0x3c: {  	v2 =	vshll.u32 v2, $0x7;
	v4 =	vand.u32 $0xFFFFF000, v63;
	v5 =	vand.u32 $0xFFFFFC00, v5  }
0x3d: {  	s14 =	sadd.s32 $0x3C0, s14;
	(ifvalue) =	ssetifvalue $0x7FFFFFFF;
	v2 =	vand.u32 $0x380, v2;
	v4 =	vadd.s32 v4, v5  }
0x3e: {  	[tilespmem:s14], [sflag:$0x1] =	stream.indirect_vreg.gather [hbm4b:s2+s10], $0x1, v1, vm0, $0x4038;
	v1 =	vand.u32 $0x7F, v3;
	v3 =	vor.u32 v2, v4;
	[tilespmem:$0x780] =	vst v63  }
0x3f: {  	s16 =	simm.s32 $0x20;
	s17 =	sadd.s32 $0x10, s15;
	s15 =	smov.u32 s14;
	v2 =	vshrl.u32 v0, $0x7;
	v1 =	vor.u32 v1, v3  }
.LBB2_3:
0x40: {  	s16 =	sadd.s32 $0x10, s16;
	vm1 =	veq.s32 v0, $0x80000000;
	v3 =	vand.u32 $0x7F, v0;
	v0 =	vld.msk [tilespmem:s17+$0x0 ss:$0x1], $0xffff;
	v2 =	vand.u32 $0x1FF, v2  }
0x41: {  	p0 =	slt.u32 s16, $0x1D0;
	v3 =	vsel vm1, $0xFFFFFFFF, v3;
	v2 =	vsel vm1, $0xFFFFFFFF, v2  }
.Ltmp3:
0x42: {  	v4 =	vshll.u32 v3, $0x9;
	v5 =	vshll.u32 v2, $0x3;
	(pc) =	sbr.rel @p0 .LBB2_3-.Ltmp3, $4  }
0x43: {  	s15 =	sadd.s32 $0x10, s15;
	v3 =	vshll.u32 v3, $0x7;
	v4 =	vand.u32 $0xFFFFF000, v4;
	v5 =	vand.u32 $0xFFFFFC00, v5;
	(ifvalue) =	ssetifvalue $0x7FFFFFFF  }
0x44: {  	v3 =	vand.u32 $0x380, v3;
	v4 =	vadd.s32 v4, v5;
	[tilespmem:s15], [sflag:$0x1] =	stream.indirect_vreg.gather [hbm4b:s2+s10], $0x1, v1, vm0, $0x4038;
	[tilespmem:$0x780] =	vst v63  }
0x45: {  	v1 =	vand.u32 $0x7F, v2;
	v3 =	vor.u32 v3, v4  }
0x46: {  	s17 =	sadd.s32 $0x10, s17;
	v2 =	vshrl.u32 v0, $0x7;
	v1 =	vor.u32 v1, v3  }
.Ltmp4:
0x47: {  	_ = 	snop;
	(pc) =	sbr.rel .LBB2_4-.Ltmp4, $1  }
0x48: {  	_ =	sdelay $0x3  }
.LBB2_6:
0x49: {  	_ =	sfence.sel $0x180000  }
0x4a: {  	s2 =	simm.s32 $0x2;
	[bflag:$0x0] =	sbarrier.arrive $0xFFFF  }
0x4b: {  	s30 =	simm.s32 $0x3;
	[sflag:s2] =	ssyncpa.u1 $0x1  }
0x4c: {  	s31 =	simm.s32 $0x1;
	[sflag:s30] =	ssyncpa.u1 $0x1  }
0x4d: {  	[sflag:s31] =	ssyncpa.u1 $0x1  }
0x4e: {  	p0 =	sne.s32 s1, $0x0;
	_ =	strace $0x9000004A  }
0x4f: {  	s0 =	sadd.s32 @!p0 $0x100000, s0;
	[bflag:$0x2] =	sbarrier.arrive $0xFFFF  }
0x50: {  	[sflag:s0] =	ssyncadd.tile.s32 @!p0 $0x1;
	_ =	shalt  }
.Lfunc_end2:
_tile_overlayer_lowered:
.L_overlay_start_2:
0x51: {  	(tag) =	ssettag $0x2  }
0x52: {  	s0 =	rddreg [dreg:$0x0];
	s2 =	stileid.u32  }
0x53: {  	s1 =	rddreg [dreg:$0x1];
	p0 =	sne.s32 s2, $0x0  }
0x54: {  	s3 =	rddreg [dreg:$0x2];
	[bflag:$0x3] =	sbarrier.arrive $0xFFFF;
	s2 =	simm.s32 @!p0 $0x1C01  }
0x55: {  	[timem:s3], [sflag:s2] =	dma.local @!p0 [hbm:s0], s1  }
0x56: {  	s0 =	simm.s32 @!p0 $0x1  }
0x57: {  	_ =	swait.ge @!p0 [sflag:s0], s1  }
0x58: {  	s1 =	ssub.s32 @!p0 $0x0, s1;
	[sflag:s0] =	ssyncset.done @!p0 $0x0  }
0x59: {  	[sflag:s0] =	ssyncadd.s32 @!p0 s1  }
0x5a: {  	[bflag:$0x3] =	sbarrier.arrive $0xFFFF  }
0x5b: {  	_ =	shalt  }

// kernel: kernel.10.cloned.1.call-start
scs
__scs_entry_jumppad:
0x0: {  	(pc) =	sbr.rel $0x88, $3  }
0x1: {  	(tag) =	ssettag $0x0;
	lr =	simm.s32 $0x1  }
0x2: {  	[smem:$0x3F9D] =	sst lr;
	_ =	strace $0xD0000000  }
0x3: {  	_ = 	snop  }
0x4: {  	_ = 	snop  }
0x5: {  	_ = 	snop  }
0x6: {  	_ = 	snop  }
0x7: {  	_ = 	snop  }
__scs_overlays_trampoline_lowered:
0x8: {  	[smem:$0x3FAC] =	sst s0  }
0x9: {  	[smem:$0x3FAD] =	sst s1  }
0xa: {  	[smem:$0x3FAE] =	sst s2  }
0xb: {  	[smem:$0x3FAF] =	sst s3  }
0xc: {  	[smem:$0x3FB0] =	sst s4  }
0xd: {  	[smem:$0x3FB1] =	sst s5  }
0xe: {  	[smem:$0x3FB2] =	sst s6  }
0xf: {  	[smem:$0x3FB3] =	sst s7  }
0x10: {  	[smem:$0x3FB4] =	sst s8  }
0x11: {  	[smem:$0x3FB5] =	sst s9;
	s0 =	simm.s32 @!p0 $0x0  }
0x12: {  	s1 =	sld [smem:$0x3F9B];
	s0 =	simm.s32 @p0 $0x1  }
0x13: {  	[smem:$0x3FB6] =	sst s0;
	s0 =	simm.s32 @!p1 $0x0  }
0x14: {  	s2 =	sld [smem:$0x3F9A];
	s0 =	simm.s32 @p1 $0x1  }
0x15: {  	[smem:$0x3FB7] =	sst s0;
	s0 =	simm.s32 @!p2 $0x0  }
0x16: {  	s3 =	sld [smem:$0x3FDB];
	s0 =	simm.s32 @p2 $0x1  }
0x17: {  	s4 =	simm.s32 $0x1BF5;
	[smem:$0x3FB9] =	sst s0  }
0x18: {  	s0 =	sld [smem:$0x3F9C];
	_ =	swait.ge [sflag:s4], $0x0  }
0x19: {  	s7 =	sld [smem:$0x3F9D]  }
0x1a: {  	s8 =	sadd.s32 $0xFFFFE003, lr  }
0x1b: {  	s9 =	sadd.s32 $0xFFFFFEF7, lr;
	s5 =	simm.s32 $0xFFFFFFFF;
	p2 =	slt.u32 s8, $0xFFFFF086  }
0x1c: {  	p1 =	slt.u32 s9, $0xF7A;
	s5 =	simm.s32 @!p2 $0x0  }
0x1d: {  	s5 =	simm.s32 @p1 $0x1;
	p0 =	seq.s32 s7, s2  }
0x1e: {  	s7 =	smul.u32 @!p0 $0xF7A, s2;
	p2 =	seq.s32 @!p0 s5, $0x0  }
0x1f: {  	s9 =	smul.u32 $0xF7A, s1;
	s8 =	simm.s32 @!p0 $0x1BF5;
	p2 =	por !p2, p0  }
0x20: {  	[sflag:s8] =	ssyncset.s32 @!p0 $0xFFFFF086;
	s6 =	sadd.s32 @!p0 s3, s7;
	s7 =	simm.s32 @!p0 $0x108  }
0x21: {  	s3 =	sadd.s32 s3, s9;
	s6 =	sadd.s32 @!p0 $0x88, s6;
	s7 =	simm.s32 @p2 $0x1082  }
0x22: {  	[simem:s7], [sflag:s8] =	dma.local @!p0 [hbm:s6], $0xF7A  }
0x23: {  	s9 =	sor.u32 $0xD0000000, s2;
	s6 =	simm.s32 $0x108;
	_ =	swait.ge @!p0 [sflag:s8], $0x0  }
0x24: {  	s3 =	sadd.s32 $0x88, s3;
	s6 =	simm.s32 @!p1 $0x1082;
	[sflag:s4] =	ssyncset.s32 $0xFFFFF086  }
0x25: {  	[simem:s6], [sflag:s4] =	dma.local [hbm:s3], $0xF7A  }
0x26: {  	[smem:$0x3F9D] =	sst s1;
	(tag) =	ssettag s2;
	_ =	strace s9  }
0x27: {  	s1 =	sld [smem:$0x3FAD]  }
0x28: {  	s2 =	sld [smem:$0x3FAE]  }
0x29: {  	s4 =	sld [smem:$0x3FB0]  }
0x2a: {  	p0 =	seq.s32 s5, $0x0;
	s5 =	sld [smem:$0x3FB1]  }
0x2b: {  	s6 =	sld [smem:$0x3FB2]  }
0x2c: {  	s7 =	sld [smem:$0x3FB3]  }
0x2d: {  	s3 =	simm.s32 $0x108;
	s8 =	sld [smem:$0x3FB4]  }
0x2e: {  	s3 =	simm.s32 @!p0 $0x1082;
	s9 =	sld [smem:$0x3FB5]  }
0x2f: {  	lr =	sadd.s32 s0, s3;
	s0 =	sld [smem:$0x3FAC]  }
0x30: {  	s3 =	sld [smem:$0x3FAF]  }
0x31: {  	[smem:$0x3FB8] =	sst s10  }
0x32: {  	s10 =	sld [smem:$0x3FB6];
	_ =	sdelay $0x3  }
0x33: {  	p0 =	seq.s32 s10, $0x1;
	s10 =	sld [smem:$0x3FB8];
	_ =	sdelay $0x3  }
0x34: {  	[smem:$0x3FB8] =	sst s10  }
0x35: {  	s10 =	sld [smem:$0x3FB7];
	_ =	sdelay $0x3  }
0x36: {  	p1 =	seq.s32 s10, $0x1;
	s10 =	sld [smem:$0x3FB8];
	_ =	sdelay $0x3  }
0x37: {  	[smem:$0x3FB8] =	sst s10  }
0x38: {  	s10 =	sld [smem:$0x3FB9]  }
0x39: {  	_ = 	snop;
	(pc) =	sbr.ind lr, $3  }
0x3a: {  	_ = 	snop  }
0x3b: {  	_ = 	snop  }
0x3c: {  	p2 =	seq.s32 s10, $0x1;
	s10 =	sld [smem:$0x3FB8]  }
0x3d: {  	_ =	shalt  }
0x3e: {  	_ =	shalt  }
0x3f: {  	_ =	shalt  }
0x40: {  	_ =	shalt  }
0x41: {  	_ =	shalt  }
0x42: {  	_ =	shalt  }
0x43: {  	_ =	shalt  }
0x44: {  	_ =	shalt  }
0x45: {  	_ =	shalt  }
0x46: {  	_ =	shalt  }
0x47: {  	_ =	shalt  }
0x48: {  	_ =	shalt  }
0x49: {  	_ =	shalt  }
0x4a: {  	_ =	shalt  }
0x4b: {  	_ =	shalt  }
0x4c: {  	_ =	shalt  }
0x4d: {  	_ =	shalt  }
0x4e: {  	_ =	shalt  }
0x4f: {  	_ =	shalt  }
0x50: {  	_ =	shalt  }
0x51: {  	_ =	shalt  }
0x52: {  	_ =	shalt  }
0x53: {  	_ =	shalt  }
0x54: {  	_ =	shalt  }
0x55: {  	_ =	shalt  }
0x56: {  	_ =	shalt  }
0x57: {  	_ =	shalt  }
0x58: {  	_ =	shalt  }
0x59: {  	_ =	shalt  }
0x5a: {  	_ =	shalt  }
0x5b: {  	_ =	shalt  }
0x5c: {  	_ =	shalt  }
0x5d: {  	_ =	shalt  }
0x5e: {  	_ =	shalt  }
0x5f: {  	_ =	shalt  }
0x60: {  	_ =	shalt  }
0x61: {  	_ =	shalt  }
0x62: {  	_ =	shalt  }
0x63: {  	_ =	shalt  }
0x64: {  	_ =	shalt  }
0x65: {  	_ =	shalt  }
0x66: {  	_ =	shalt  }
0x67: {  	_ =	shalt  }
0x68: {  	_ =	shalt  }
0x69: {  	_ =	shalt  }
0x6a: {  	_ =	shalt  }
0x6b: {  	_ =	shalt  }
0x6c: {  	_ =	shalt  }
0x6d: {  	_ =	shalt  }
0x6e: {  	_ =	shalt  }
0x6f: {  	_ =	shalt  }
0x70: {  	_ =	shalt  }
0x71: {  	_ =	shalt  }
0x72: {  	_ =	shalt  }
0x73: {  	_ =	shalt  }
0x74: {  	_ =	shalt  }
0x75: {  	_ =	shalt  }
0x76: {  	_ =	shalt  }
0x77: {  	_ =	shalt  }
0x78: {  	_ =	shalt  }
0x79: {  	_ =	shalt  }
0x7a: {  	_ =	shalt  }
0x7b: {  	_ =	shalt  }
0x7c: {  	_ =	shalt  }
0x7d: {  	_ =	shalt  }
0x7e: {  	_ =	shalt  }
0x7f: {  	_ =	shalt  }
0x80: {  	_ =	shalt  }
0x81: {  	_ =	shalt  }
0x82: {  	_ =	shalt  }
0x83: {  	_ =	shalt  }
0x84: {  	_ =	shalt  }
0x85: {  	_ =	shalt  }
0x86: {  	_ =	shalt  }
0x87: {  	_ =	shalt  }
.Lfunc_end0:
.L_simem_size_0:
called_computation.3_lowered:
.L_overlay_start_0:
0x88: {  	s2 =	sld [smem:$0x3FD9]  }
0x89: {  	s3 =	sld [smem:$0x3FFE];
	_ =	sdelay $0x1  }
0x8a: {  	s1 =	srdreg.scid  }
0x8b: {  	s0 =	sand.u32 $0x1, s1  }
0x8c: {  	s14 =	sshll.u32 s0, $0xA;
	s2 =	sadd.s32 s3, s2  }
0x8d: {  	s2 =	sadd.s32 s2, s14  }
0x8e: {  	[smem:$0x3FC4] =	sst s2  }
0x8f: {  	_ = 	snop  }
0x90: {  	s2 =	sld [smem:$0x3FD0];
	_ =	sdelay $0x2  }
0x91: {  	s15 =	simm.s32 $0xA;
	s4 =	simm.s32 $0x10  }
0x92: {  	[smem:s4], [sflag:s15] =	dma.local [hbm:s2], $0x1  }
0x93: {  	_ =	swait.eq [sflag:s15], $0x1  }
0x94: {  	[sflag:s15] =	ssyncset.done $0x0  }
0x95: {  	[sflag:s15] =	ssyncadd.s32 $0xFFFFFFFF  }
0x96: {  	s16 =	sld [smem:$0x10];
	(tm) =	ssettm $0x1  }
0x97: {  	s17 =	sld [smem:$0x3FFB];
	_ =	sdelay $0x3  }
0x98: {  	_ =	strace s17  }
0x99: {  	s3 =	sld [smem:$0x3FFC];
	_ =	sdelay $0x3  }
0x9a: {  	_ =	strace s3  }
0x9b: {  	s3 =	sld [smem:$0x3FFD];
	_ =	sdelay $0x3  }
0x9c: {  	_ =	strace s3  }
0x9d: {  	_ =	strace $0x8FFFFFFF  }
0x9e: {  	s18 =	sld [smem:$0x3FDB];
	_ =	sdelay $0x1  }
0x9f: {  	s19 =	simm.s32 $_scs_section_size  }
0xa0: {  	s5 =	simm.s32 $_size__tile_overlayer_lowered;
	s6 =	simm.s32 $_tile_overlayer_lowered  }
0xa1: {  	s22 =	simm.s32 $0x1BFF;
	s21 =	sshll.u32 s6, $0x1;
	s3 =	sadd.s32 s19, s18  }
0xa2: {  	s7 =	simm.s32 $0x0;
	s20 =	sshll.u32 s5, $0x1;
	s5 =	sadd.s32 s21, s3  }
0xa3: {  	[timem:s7], [sflag:s22] =	dma.local [hbm:s5], s20  }
0xa4: {  	_ =	swait.ge [sflag:s22], s20  }
0xa5: {  	s4 =	ssub.s32 $0x0, s20;
	[sflag:s22] =	ssyncset.done $0x0  }
0xa6: {  	[sflag:s22] =	ssyncadd.s32 s4;
	_ =	sdelay $0x1  }
0xa7: {  	s23 =	simm.s32 $0x1B8B  }
0xa8: {  	_ =	swait.ge [sflag:s23], $0x1  }
0xa9: {  	[sflag:s23] =	ssyncset.done $0x0  }
0xaa: {  	s25 =	simm.s32 $0x1B8E;
	s24 =	sld [smem:$0x3FFE];
	[sflag:s23] =	ssyncadd.s32 $0xFFFFFFFF  }
0xab: {  	s26 =	simm.s32 $execute0_lowered;
	[smem:$0x3FD2] =	sst s25  }
0xac: {  	s5 =	sshll.u32 s26, $0x1;
	_ =	strace $0x8000004F;
	[dreg:$0x1] =	wrdreg $0xFFFFFFFF  }
0xad: {  	s28 =	simm.s32 $_size_execute0_lowered;
	s3 =	sadd.s32 s3, s5;
	[dreg:$0x0] =	wrdreg $0x0  }
0xae: {  	s5 =	sshll.u32 s28, $0x1;
	[dreg:$0x2] =	wrdreg s3  }
0xaf: {  	[dreg:$0x3] =	wrdreg s5  }
0xb0: {  	[dreg:$0x4] =	wrdreg $0xC0  }
0xb1: {  	_ =	task [dreg:s7], $0x5FFFF  }
0xb2: {  	[dreg:$0x1] =	wrdreg $0xFFFFFFFF  }
0xb3: {  	[dreg:$0x0] =	wrdreg $0x60  }
0xb4: {  	[dreg:$0x2] =	wrdreg s16  }
0xb5: {  	[dreg:$0x3] =	wrdreg s24  }
0xb6: {  	[dreg:$0x4] =	wrdreg $0x2F000  }
0xb7: {  	[dreg:$0x5] =	wrdreg $0x9  }
0xb8: {  	_ =	task.clear_ibuf [dreg:s7], $0x6FFFF;
	_ =	strace $0x9000004F  }
0xb9: {  	s29 =	simm.s32 $0x9;
	_ =	strace $0x80000051  }
0xba: {  	_ =	swait.ge [sflag:s29], $0x1  }
0xbb: {  	[sflag:s29] =	ssyncadd.s32 $0xFFFFFFFF  }
0xbc: {  	_ =	strace $0x90000051  }
0xbd: {  	_ =	sfence  }
0xbe: {  	s30 =	sld [smem:$0x0];
	_ =	sdelay $0x2  }
0xbf: {  	s31 =	sshll.u32 s1, $0xD;
	s1 =	sshrl.u32 s1, $0x2  }
0xc0: {  	s3 =	sand.u32 $0x4000, s31;
	s1 =	sadd.s32 s1, s30  }
0xc1: {  	s0 =	sor.u32 s3, s0;
	s1 =	sshll.u32 s1, $0x11  }
0xc2: {  	s0 =	sor.u32 s1, s0  }
0xc3: {  	s0 =	sadd.s32 $0x8F2B, s0  }
0xc4: {  	[sflag:s0] =	ssyncadd.remote.s32 $0x1  }
0xc5: {  	_ =	sfence.sel $0xFFFF  }
0xc6: {  	[dreg:$0x0] =	wrdreg $0xFFFFFFFF;
	(pc) =	sbr.abs _section_cstart, $3  }
0xc7: {  	[dreg:$0x1] =	wrdreg $0xFFFFFFFF  }
0xc8: {  	_ =	task.clear_ibuf [dreg:s7], $0x2FFFF;
	_ =	strace $0x9FFFFFFF  }
0xc9: {  	(tm) =	ssettm $0x7FFFFFFF  }
tec
execute0_lowered:
.L_overlay_start_1:
0x0: {  	(tag) =	ssettag $0x1  }
0x1: {  	s12 =	rddreg [dreg:$0x0]  }
0x2: {  	s4 =	rddreg [dreg:$0x1]  }
0x3: {  	s2 =	rddreg [dreg:$0x2]  }
0x4: {  	s0 =	rddreg [dreg:$0x3];
	s5 =	srdreg.scid  }
0x5: {  	s1 =	stileid.u32;
	s3 =	simm.s32 $0x0;
	s19 =	simm.s32 $0x1780  }
0x6: {  	s20 =	simm.s32 $0x130;
	s5 =	sand.u32 $0x1, s5;
	s6 =	sshll.u32 s1, $0x1  }
0x7: {  	s21 =	simm.s32 $0x1900;
	s9 =	smul.u32 $0x102C0, s1;
	s8 =	sor.u32 s5, s6  }
0x8: {  	s22 =	simm.s32 $0x0;
	[smem:$0x7FF] =	sst s3;
	s6 =	smul.u32 $0x26, s8  }
0x9: {  	s13 =	sadd.s32 $0x3B000, s4;
	s31 =	smul.u32 $0x271, s8;
	s10 =	sor.u32 $0x20, s8  }
0xa: {  	s15 =	sadd.s32 $0x3BC00, s4;
	p0 =	sgt.u32 s1, $0x7;
	s11 =	smul.u32 $0x26, s10  }
0xb: {  	s5 =	ssub.s32 $0x2, s5;
	s17 =	sor.u32 $0x40, s8;
	s14 =	smul.u32 $0x271, s10  }
0xc: {  	_ =	strace $0x80000050;
	s7 =	sshrl.u32 s5, $0x1;
	s18 =	smul.u32 $0x26, s17  }
0xd: {  	s30 =	sshrl.u32 s9, $0x2;
	s16 =	ssub.s32 s5, s7;
	s17 =	smul.u32 $0x271, s17  }
0xe: {  	s4 =	sadd.s32 s12, s6;
	s5 =	sadd.s32 s13, s6;
	s6 =	sadd.s32 s30, s2  }
0xf: {  	s7 =	sadd.s32 s15, s31;
	s16 =	smax.u32 s16, $0x1;
	s8 =	sadd.s32 s12, s11  }
0x10: {  	s9 =	sadd.s32 s13, s11;
	s10 =	sadd.s32 $0x1590, s6;
	s11 =	sadd.s32 s15, s14  }
0x11: {  	s12 =	sadd.s32 s12, s18;
	s13 =	sadd.s32 s13, s18;
	s14 =	sadd.s32 $0x2B20, s6  }
0x12: {  	v0 =	vimm.f32 $0.0e+00;
	s15 =	sadd.s32 s15, s17;
	s17 =	simm.s32 $0x1600;
	s18 =	simm.s32 $0x1  }
.LBB2_1:
0x13: {  	s23 =	simm.s32 $0x40;
	s24 =	simm.s32 $0x0  }
.LBB2_2:
0x14: {  	p1 =	sne.s32 s23, $0x5600;
	[tilespmem:s24+$0x0] =	vst v0;
	s24 =	smov.u32 s23;
	s23 =	sadd.s32 $0x40, s23  }
.Ltmp0:
0x15: {  	(pc) =	sbr.rel @p1 .LBB2_2-.Ltmp0, $2  }
0x16: {  	_ =	sdelay $0x2  }
0x17: {  	s24 =	sshra.s32 s24, $0x2  }
0x18: {  	[tilespmem:s24+$0x0] =	vst v0  }
0x19: {  	[tilespmem:s17], [sflag:$0x1] =	stream.linear.gather [hbm4b:s4+s3], $0x130, $0x38;
	[tilespmem:$0x6FB0] =	vst v63  }
0x1a: {  	_ =	swait.ge [sflag:s18], $0x130  }
0x1b: {  	[sflag:s18] =	ssyncset.done $0x0  }
0x1c: {  	[sflag:s18] =	ssyncadd.s32 $0xFFFFFED0  }
0x1d: {  	[tilespmem:s19], [sflag:$0x1] =	stream.linear.gather [hbm4b:s5+s3], $0x130, $0x38;
	[tilespmem:$0x6FB0] =	vst v63  }
0x1e: {  	_ =	swait.ge [sflag:s18], $0x130  }
0x1f: {  	[sflag:s18] =	ssyncset.done $0x0  }
0x20: {  	[sflag:s18] =	ssyncadd.s32 $0xFFFFFED0  }
0x21: {  	[spmem:s6] =	stream.linear.scatter [tilespmem:s3], [sflag:$0x1], $0x1590, $0x38;
	[tilespmem:$0x6FB0] =	vst v63  }
0x22: {  	_ =	swait.ge [sflag:s18], $0x1590  }
0x23: {  	[sflag:s18] =	ssyncset.done $0x0  }
0x24: {  	[sflag:s18] =	ssyncadd.s32 $0xFFFFEA70  }
0x25: {  	[spmem:s2] =	stream.indirect.scatter [tilespmem:s17], [sflag:$0x1], $0x1, s19, s20, $0xb8;
	[tilespmem:$0x6FB0] =	vst v63  }
0x26: {  	_ =	swait.ge [sflag:s18], $0x130  }
0x27: {  	[sflag:s18] =	ssyncset.done $0x0  }
0x28: {  	[sflag:s18] =	ssyncadd.s32 $0xFFFFFED0  }
0x29: {  	[tilespmem:s21], [sflag:$0x1] =	stream.linear.gather [spmem:s6], $0x1590, $0x38;
	[tilespmem:$0x6FB0] =	vst v63  }
0x2a: {  	_ =	swait.ge [sflag:s18], $0x1590  }
0x2b: {  	[sflag:s18] =	ssyncset.done $0x0  }
0x2c: {  	[sflag:s18] =	ssyncadd.s32 $0xFFFFEA70  }
0x2d: {  	[hbm4b:s7+s3] =	stream.linear.scatter [tilespmem:s21], [sflag:$0x1], $0x1388, $0x38;
	[tilespmem:$0x6FB0] =	vst v63  }
0x2e: {  	_ =	swait.ge [sflag:s18], $0x1388  }
0x2f: {  	[sflag:s18] =	ssyncset.done $0x0  }
0x30: {  	[sflag:s18] =	ssyncadd.s32 $0xFFFFEC78  }
0x31: {  	[tilespmem:s17], [sflag:$0x1] =	stream.linear.gather [hbm4b:s8+s3], $0x130, $0x38;
	[tilespmem:$0x6FB0] =	vst v63  }
0x32: {  	_ =	swait.ge [sflag:s18], $0x130  }
0x33: {  	[sflag:s18] =	ssyncset.done $0x0  }
0x34: {  	[sflag:s18] =	ssyncadd.s32 $0xFFFFFED0  }
0x35: {  	[tilespmem:s19], [sflag:$0x1] =	stream.linear.gather [hbm4b:s9+s3], $0x130, $0x38;
	[tilespmem:$0x6FB0] =	vst v63  }
0x36: {  	_ =	swait.ge [sflag:s18], $0x130  }
0x37: {  	[sflag:s18] =	ssyncset.done $0x0  }
0x38: {  	[sflag:s18] =	ssyncadd.s32 $0xFFFFFED0  }
0x39: {  	[spmem:s10] =	stream.linear.scatter [tilespmem:s3], [sflag:$0x1], $0x1590, $0x38;
	[tilespmem:$0x6FB0] =	vst v63  }
0x3a: {  	_ =	swait.ge [sflag:s18], $0x1590  }
0x3b: {  	[sflag:s18] =	ssyncset.done $0x0  }
0x3c: {  	[sflag:s18] =	ssyncadd.s32 $0xFFFFEA70  }
0x3d: {  	[spmem:s2] =	stream.indirect.scatter [tilespmem:s17], [sflag:$0x1], $0x1, s19, s20, $0xb8;
	[tilespmem:$0x6FB0] =	vst v63  }
0x3e: {  	_ =	swait.ge [sflag:s18], $0x130  }
0x3f: {  	[sflag:s18] =	ssyncset.done $0x0  }
0x40: {  	[sflag:s18] =	ssyncadd.s32 $0xFFFFFED0  }
0x41: {  	[tilespmem:s21], [sflag:$0x1] =	stream.linear.gather [spmem:s10], $0x1590, $0x38;
	[tilespmem:$0x6FB0] =	vst v63  }
0x42: {  	_ =	swait.ge [sflag:s18], $0x1590  }
0x43: {  	[sflag:s18] =	ssyncset.done $0x0  }
0x44: {  	[sflag:s18] =	ssyncadd.s32 $0xFFFFEA70  }
0x45: {  	[hbm4b:s11+s3] =	stream.linear.scatter [tilespmem:s21], [sflag:$0x1], $0x1388, $0x38;
	[tilespmem:$0x6FB0] =	vst v63  }
0x46: {  	_ =	swait.ge [sflag:s18], $0x1388  }
0x47: {  	s23 =	simm.s32 @!p0 $0x0;
	[sflag:s18] =	ssyncset.done $0x0  }
0x48: {  	s24 =	simm.s32 @!p0 $0x1600;
	s25 =	simm.s32 @!p0 $0x1;
	[sflag:s18] =	ssyncadd.s32 $0xFFFFEC78  }
0x49: {  	[tilespmem:s24], [sflag:$0x1] =	stream.linear.gather @!p0 [hbm4b:s12+s23], $0x130, $0x38;
	[tilespmem:$0x6FB0] =	vst v63  }
0x4a: {  	_ =	swait.ge @!p0 [sflag:s25], $0x130  }
0x4b: {  	[sflag:s25] =	ssyncset.done @!p0 $0x0  }
0x4c: {  	s26 =	simm.s32 @!p0 $0x1780;
	[sflag:s25] =	ssyncadd.s32 @!p0 $0xFFFFFED0  }
0x4d: {  	[tilespmem:s26], [sflag:$0x1] =	stream.linear.gather @!p0 [hbm4b:s13+s23], $0x130, $0x38;
	[tilespmem:$0x6FB0] =	vst v63  }
0x4e: {  	_ =	swait.ge @!p0 [sflag:s25], $0x130  }
0x4f: {  	[sflag:s25] =	ssyncset.done @!p0 $0x0  }
0x50: {  	[sflag:s25] =	ssyncadd.s32 @!p0 $0xFFFFFED0  }
0x51: {  	[spmem:s14] =	stream.linear.scatter @!p0 [tilespmem:s23], [sflag:$0x1], $0x1590, $0x38;
	[tilespmem:$0x6FB0] =	vst v63  }
0x52: {  	_ =	swait.ge @!p0 [sflag:s25], $0x1590  }
0x53: {  	[sflag:s25] =	ssyncset.done @!p0 $0x0  }
0x54: {  	s28 =	simm.s32 @!p0 $0x130;
	[sflag:s25] =	ssyncadd.s32 @!p0 $0xFFFFEA70  }
0x55: {  	[spmem:s2] =	stream.indirect.scatter @!p0 [tilespmem:s24], [sflag:$0x1], $0x1, s26, s28, $0xb8;
	[tilespmem:$0x6FB0] =	vst v63  }
0x56: {  	_ =	swait.ge @!p0 [sflag:s25], $0x130  }
0x57: {  	[sflag:s25] =	ssyncset.done @!p0 $0x0  }
0x58: {  	s24 =	simm.s32 @!p0 $0x1900;
	[sflag:s25] =	ssyncadd.s32 @!p0 $0xFFFFFED0  }
0x59: {  	[tilespmem:s24], [sflag:$0x1] =	stream.linear.gather @!p0 [spmem:s14], $0x1590, $0x38;
	[tilespmem:$0x6FB0] =	vst v63  }
0x5a: {  	s22 =	sadd.s32 $0x1, s22;
	_ =	swait.ge @!p0 [sflag:s25], $0x1590  }
0x5b: {  	p1 =	sne.s32 s22, s16;
	[sflag:s25] =	ssyncset.done @!p0 $0x0  }
.Ltmp1:
0x5c: {  	[sflag:s25] =	ssyncadd.s32 @!p0 $0xFFFFEA70;
	(pc) =	sbr.rel @p1 .LBB2_1-.Ltmp1, $4  }
0x5d: {  	[hbm4b:s15+s23] =	stream.linear.scatter @!p0 [tilespmem:s24], [sflag:$0x1], $0x1388, $0x38;
	[tilespmem:$0x6FB0] =	vst v63  }
0x5e: {  	_ =	swait.ge @!p0 [sflag:s25], $0x1388  }
0x5f: {  	[sflag:s25] =	ssyncset.done @!p0 $0x0  }
0x60: {  	[sflag:s25] =	ssyncadd.s32 @!p0 $0xFFFFEC78  }
0x61: {  	_ =	sfence.sel $0x180000  }
0x62: {  	[bflag:$0x0] =	sbarrier.arrive $0xFFFF  }
0x63: {  	p0 =	sne.s32 s1, $0x0;
	_ =	strace $0x90000050  }
0x64: {  	s0 =	sadd.s32 @!p0 $0x100000, s0;
	[bflag:$0x2] =	sbarrier.arrive $0xFFFF  }
0x65: {  	[sflag:s0] =	ssyncadd.tile.s32 @!p0 $0x1;
	_ =	shalt  }
.Lfunc_end2:
_tile_overlayer_lowered:
.L_overlay_start_2:
0x66: {  	(tag) =	ssettag $0x2  }
0x67: {  	s0 =	rddreg [dreg:$0x0];
	s2 =	stileid.u32  }
0x68: {  	s1 =	rddreg [dreg:$0x1];
	p0 =	sne.s32 s2, $0x0  }
0x69: {  	s3 =	rddreg [dreg:$0x2];
	[bflag:$0x3] =	sbarrier.arrive $0xFFFF;
	s2 =	simm.s32 @!p0 $0x1C01  }
0x6a: {  	[timem:s3], [sflag:s2] =	dma.local @!p0 [hbm:s0], s1  }
0x6b: {  	s0 =	simm.s32 @!p0 $0x1  }
0x6c: {  	_ =	swait.ge @!p0 [sflag:s0], s1  }
0x6d: {  	s1 =	ssub.s32 @!p0 $0x0, s1;
	[sflag:s0] =	ssyncset.done @!p0 $0x0  }
0x6e: {  	[sflag:s0] =	ssyncadd.s32 @!p0 s1  }
0x6f: {  	[bflag:$0x3] =	sbarrier.arrive $0xFFFF  }
0x70: {  	_ =	shalt  }

// kernel: kernel.7.cloned.1.call-start
scs
__scs_entry_jumppad:
0x0: {  	(pc) =	sbr.rel $0x88, $3  }
0x1: {  	(tag) =	ssettag $0x0;
	lr =	simm.s32 $0x1  }
0x2: {  	[smem:$0x3F9D] =	sst lr;
	_ =	strace $0xD0000000  }
0x3: {  	_ = 	snop  }
0x4: {  	_ = 	snop  }
0x5: {  	_ = 	snop  }
0x6: {  	_ = 	snop  }
0x7: {  	_ = 	snop  }
__scs_overlays_trampoline_lowered:
0x8: {  	[smem:$0x3FAC] =	sst s0  }
0x9: {  	[smem:$0x3FAD] =	sst s1  }
0xa: {  	[smem:$0x3FAE] =	sst s2  }
0xb: {  	[smem:$0x3FAF] =	sst s3  }
0xc: {  	[smem:$0x3FB0] =	sst s4  }
0xd: {  	[smem:$0x3FB1] =	sst s5  }
0xe: {  	[smem:$0x3FB2] =	sst s6  }
0xf: {  	[smem:$0x3FB3] =	sst s7  }
0x10: {  	[smem:$0x3FB4] =	sst s8  }
0x11: {  	[smem:$0x3FB5] =	sst s9;
	s0 =	simm.s32 @!p0 $0x0  }
0x12: {  	s1 =	sld [smem:$0x3F9B];
	s0 =	simm.s32 @p0 $0x1  }
0x13: {  	[smem:$0x3FB6] =	sst s0;
	s0 =	simm.s32 @!p1 $0x0  }
0x14: {  	s2 =	sld [smem:$0x3F9A];
	s0 =	simm.s32 @p1 $0x1  }
0x15: {  	[smem:$0x3FB7] =	sst s0;
	s0 =	simm.s32 @!p2 $0x0  }
0x16: {  	s3 =	sld [smem:$0x3FDB];
	s0 =	simm.s32 @p2 $0x1  }
0x17: {  	s4 =	simm.s32 $0x1BF5;
	[smem:$0x3FB9] =	sst s0  }
0x18: {  	s0 =	sld [smem:$0x3F9C];
	_ =	swait.ge [sflag:s4], $0x0  }
0x19: {  	s7 =	sld [smem:$0x3F9D]  }
0x1a: {  	s8 =	sadd.s32 $0xFFFFE003, lr  }
0x1b: {  	s9 =	sadd.s32 $0xFFFFFEF7, lr;
	s5 =	simm.s32 $0xFFFFFFFF;
	p2 =	slt.u32 s8, $0xFFFFF086  }
0x1c: {  	p1 =	slt.u32 s9, $0xF7A;
	s5 =	simm.s32 @!p2 $0x0  }
0x1d: {  	s5 =	simm.s32 @p1 $0x1;
	p0 =	seq.s32 s7, s2  }
0x1e: {  	s7 =	smul.u32 @!p0 $0xF7A, s2;
	p2 =	seq.s32 @!p0 s5, $0x0  }
0x1f: {  	s9 =	smul.u32 $0xF7A, s1;
	s8 =	simm.s32 @!p0 $0x1BF5;
	p2 =	por !p2, p0  }
0x20: {  	[sflag:s8] =	ssyncset.s32 @!p0 $0xFFFFF086;
	s6 =	sadd.s32 @!p0 s3, s7;
	s7 =	simm.s32 @!p0 $0x108  }
0x21: {  	s3 =	sadd.s32 s3, s9;
	s6 =	sadd.s32 @!p0 $0x88, s6;
	s7 =	simm.s32 @p2 $0x1082  }
0x22: {  	[simem:s7], [sflag:s8] =	dma.local @!p0 [hbm:s6], $0xF7A  }
0x23: {  	s9 =	sor.u32 $0xD0000000, s2;
	s6 =	simm.s32 $0x108;
	_ =	swait.ge @!p0 [sflag:s8], $0x0  }
0x24: {  	s3 =	sadd.s32 $0x88, s3;
	s6 =	simm.s32 @!p1 $0x1082;
	[sflag:s4] =	ssyncset.s32 $0xFFFFF086  }
0x25: {  	[simem:s6], [sflag:s4] =	dma.local [hbm:s3], $0xF7A  }
0x26: {  	[smem:$0x3F9D] =	sst s1;
	(tag) =	ssettag s2;
	_ =	strace s9  }
0x27: {  	s1 =	sld [smem:$0x3FAD]  }
0x28: {  	s2 =	sld [smem:$0x3FAE]  }
0x29: {  	s4 =	sld [smem:$0x3FB0]  }
0x2a: {  	p0 =	seq.s32 s5, $0x0;
	s5 =	sld [smem:$0x3FB1]  }
0x2b: {  	s6 =	sld [smem:$0x3FB2]  }
0x2c: {  	s7 =	sld [smem:$0x3FB3]  }
0x2d: {  	s3 =	simm.s32 $0x108;
	s8 =	sld [smem:$0x3FB4]  }
0x2e: {  	s3 =	simm.s32 @!p0 $0x1082;
	s9 =	sld [smem:$0x3FB5]  }
0x2f: {  	lr =	sadd.s32 s0, s3;
	s0 =	sld [smem:$0x3FAC]  }
0x30: {  	s3 =	sld [smem:$0x3FAF]  }
0x31: {  	[smem:$0x3FB8] =	sst s10  }
0x32: {  	s10 =	sld [smem:$0x3FB6];
	_ =	sdelay $0x3  }
0x33: {  	p0 =	seq.s32 s10, $0x1;
	s10 =	sld [smem:$0x3FB8];
	_ =	sdelay $0x3  }
0x34: {  	[smem:$0x3FB8] =	sst s10  }
0x35: {  	s10 =	sld [smem:$0x3FB7];
	_ =	sdelay $0x3  }
0x36: {  	p1 =	seq.s32 s10, $0x1;
	s10 =	sld [smem:$0x3FB8];
	_ =	sdelay $0x3  }
0x37: {  	[smem:$0x3FB8] =	sst s10  }
0x38: {  	s10 =	sld [smem:$0x3FB9]  }
0x39: {  	_ = 	snop;
	(pc) =	sbr.ind lr, $3  }
0x3a: {  	_ = 	snop  }
0x3b: {  	_ = 	snop  }
0x3c: {  	p2 =	seq.s32 s10, $0x1;
	s10 =	sld [smem:$0x3FB8]  }
0x3d: {  	_ =	shalt  }
0x3e: {  	_ =	shalt  }
0x3f: {  	_ =	shalt  }
0x40: {  	_ =	shalt  }
0x41: {  	_ =	shalt  }
0x42: {  	_ =	shalt  }
0x43: {  	_ =	shalt  }
0x44: {  	_ =	shalt  }
0x45: {  	_ =	shalt  }
0x46: {  	_ =	shalt  }
0x47: {  	_ =	shalt  }
0x48: {  	_ =	shalt  }
0x49: {  	_ =	shalt  }
0x4a: {  	_ =	shalt  }
0x4b: {  	_ =	shalt  }
0x4c: {  	_ =	shalt  }
0x4d: {  	_ =	shalt  }
0x4e: {  	_ =	shalt  }
0x4f: {  	_ =	shalt  }
0x50: {  	_ =	shalt  }
0x51: {  	_ =	shalt  }
0x52: {  	_ =	shalt  }
0x53: {  	_ =	shalt  }
0x54: {  	_ =	shalt  }
0x55: {  	_ =	shalt  }
0x56: {  	_ =	shalt  }
0x57: {  	_ =	shalt  }
0x58: {  	_ =	shalt  }
0x59: {  	_ =	shalt  }
0x5a: {  	_ =	shalt  }
0x5b: {  	_ =	shalt  }
0x5c: {  	_ =	shalt  }
0x5d: {  	_ =	shalt  }
0x5e: {  	_ =	shalt  }
0x5f: {  	_ =	shalt  }
0x60: {  	_ =	shalt  }
0x61: {  	_ =	shalt  }
0x62: {  	_ =	shalt  }
0x63: {  	_ =	shalt  }
0x64: {  	_ =	shalt  }
0x65: {  	_ =	shalt  }
0x66: {  	_ =	shalt  }
0x67: {  	_ =	shalt  }
0x68: {  	_ =	shalt  }
0x69: {  	_ =	shalt  }
0x6a: {  	_ =	shalt  }
0x6b: {  	_ =	shalt  }
0x6c: {  	_ =	shalt  }
0x6d: {  	_ =	shalt  }
0x6e: {  	_ =	shalt  }
0x6f: {  	_ =	shalt  }
0x70: {  	_ =	shalt  }
0x71: {  	_ =	shalt  }
0x72: {  	_ =	shalt  }
0x73: {  	_ =	shalt  }
0x74: {  	_ =	shalt  }
0x75: {  	_ =	shalt  }
0x76: {  	_ =	shalt  }
0x77: {  	_ =	shalt  }
0x78: {  	_ =	shalt  }
0x79: {  	_ =	shalt  }
0x7a: {  	_ =	shalt  }
0x7b: {  	_ =	shalt  }
0x7c: {  	_ =	shalt  }
0x7d: {  	_ =	shalt  }
0x7e: {  	_ =	shalt  }
0x7f: {  	_ =	shalt  }
0x80: {  	_ =	shalt  }
0x81: {  	_ =	shalt  }
0x82: {  	_ =	shalt  }
0x83: {  	_ =	shalt  }
0x84: {  	_ =	shalt  }
0x85: {  	_ =	shalt  }
0x86: {  	_ =	shalt  }
0x87: {  	_ =	shalt  }
.Lfunc_end0:
.L_simem_size_0:
called_computation.2_lowered:
.L_overlay_start_0:
0x88: {  	s2 =	sld [smem:$0x3FD9]  }
0x89: {  	s3 =	sld [smem:$0x3FFE];
	_ =	sdelay $0x1  }
0x8a: {  	s1 =	srdreg.scid  }
0x8b: {  	s0 =	sand.u32 $0x1, s1  }
0x8c: {  	s14 =	sshll.u32 s0, $0xA;
	s2 =	sadd.s32 s3, s2  }
0x8d: {  	s2 =	sadd.s32 s2, s14  }
0x8e: {  	[smem:$0x3FC4] =	sst s2  }
0x8f: {  	_ = 	snop  }
0x90: {  	s2 =	sld [smem:$0x3FD0];
	_ =	sdelay $0x2  }
0x91: {  	s15 =	simm.s32 $0xA;
	s4 =	simm.s32 $0x10  }
0x92: {  	[smem:s4], [sflag:s15] =	dma.local [hbm:s2], $0x1  }
0x93: {  	_ =	swait.eq [sflag:s15], $0x1  }
0x94: {  	[sflag:s15] =	ssyncset.done $0x0  }
0x95: {  	[sflag:s15] =	ssyncadd.s32 $0xFFFFFFFF  }
0x96: {  	s16 =	sld [smem:$0x10];
	(tm) =	ssettm $0x1  }
0x97: {  	s17 =	sld [smem:$0x3FFB];
	_ =	sdelay $0x3  }
0x98: {  	_ =	strace s17  }
0x99: {  	s3 =	sld [smem:$0x3FFC];
	_ =	sdelay $0x3  }
0x9a: {  	_ =	strace s3  }
0x9b: {  	s3 =	sld [smem:$0x3FFD];
	_ =	sdelay $0x3  }
0x9c: {  	_ =	strace s3  }
0x9d: {  	_ =	strace $0x8FFFFFFF  }
0x9e: {  	s18 =	sld [smem:$0x3FDB];
	_ =	sdelay $0x1  }
0x9f: {  	s19 =	simm.s32 $_scs_section_size  }
0xa0: {  	s5 =	simm.s32 $_size__tile_overlayer_lowered;
	s6 =	simm.s32 $_tile_overlayer_lowered  }
0xa1: {  	s22 =	simm.s32 $0x1BFF;
	s21 =	sshll.u32 s6, $0x1;
	s3 =	sadd.s32 s19, s18  }
0xa2: {  	s7 =	simm.s32 $0x0;
	s20 =	sshll.u32 s5, $0x1;
	s5 =	sadd.s32 s21, s3  }
0xa3: {  	[timem:s7], [sflag:s22] =	dma.local [hbm:s5], s20  }
0xa4: {  	_ =	swait.ge [sflag:s22], s20  }
0xa5: {  	s4 =	ssub.s32 $0x0, s20;
	[sflag:s22] =	ssyncset.done $0x0  }
0xa6: {  	[sflag:s22] =	ssyncadd.s32 s4;
	_ =	sdelay $0x1  }
0xa7: {  	s23 =	simm.s32 $0x1B8B  }
0xa8: {  	_ =	swait.ge [sflag:s23], $0x1  }
0xa9: {  	[sflag:s23] =	ssyncset.done $0x0  }
0xaa: {  	s25 =	simm.s32 $0x1B8E;
	s24 =	sld [smem:$0x3FFE];
	[sflag:s23] =	ssyncadd.s32 $0xFFFFFFFF  }
0xab: {  	s26 =	simm.s32 $execute0_lowered;
	[smem:$0x3FD2] =	sst s25  }
0xac: {  	s5 =	sshll.u32 s26, $0x1;
	_ =	strace $0x80000046;
	[dreg:$0x1] =	wrdreg $0xFFFFFFFF  }
0xad: {  	s28 =	simm.s32 $_size_execute0_lowered;
	s3 =	sadd.s32 s3, s5;
	[dreg:$0x0] =	wrdreg $0x0  }
0xae: {  	s5 =	sshll.u32 s28, $0x1;
	[dreg:$0x2] =	wrdreg s3  }
0xaf: {  	[dreg:$0x3] =	wrdreg s5  }
0xb0: {  	[dreg:$0x4] =	wrdreg $0xC0  }
0xb1: {  	_ =	task [dreg:s7], $0x5FFFF  }
0xb2: {  	[dreg:$0x1] =	wrdreg $0xFFFFFFFF  }
0xb3: {  	[dreg:$0x0] =	wrdreg $0x60  }
0xb4: {  	[dreg:$0x2] =	wrdreg s24  }
0xb5: {  	[dreg:$0x3] =	wrdreg s16  }
0xb6: {  	[dreg:$0x4] =	wrdreg $0x44000  }
0xb7: {  	[dreg:$0x5] =	wrdreg $0x84B00  }
0xb8: {  	[dreg:$0x6] =	wrdreg $0x9  }
0xb9: {  	_ =	task.clear_ibuf [dreg:s7], $0x7FFFF;
	_ =	strace $0x90000046  }
0xba: {  	s29 =	simm.s32 $0x9;
	_ =	strace $0x80000048  }
0xbb: {  	_ =	swait.ge [sflag:s29], $0x1  }
0xbc: {  	[sflag:s29] =	ssyncadd.s32 $0xFFFFFFFF  }
0xbd: {  	_ =	strace $0x90000048  }
0xbe: {  	_ =	sfence  }
0xbf: {  	s30 =	sld [smem:$0x0];
	_ =	sdelay $0x2  }
0xc0: {  	s31 =	sshll.u32 s1, $0xD;
	s1 =	sshrl.u32 s1, $0x2  }
0xc1: {  	s3 =	sand.u32 $0x4000, s31;
	s1 =	sadd.s32 s1, s30  }
0xc2: {  	s0 =	sor.u32 s3, s0;
	s1 =	sshll.u32 s1, $0x11  }
0xc3: {  	s0 =	sor.u32 s1, s0  }
0xc4: {  	s0 =	sadd.s32 $0x8F2B, s0  }
0xc5: {  	[sflag:s0] =	ssyncadd.remote.s32 $0x1  }
0xc6: {  	_ =	sfence.sel $0xFFFF  }
0xc7: {  	[dreg:$0x0] =	wrdreg $0xFFFFFFFF;
	(pc) =	sbr.abs _section_cstart, $3  }
0xc8: {  	[dreg:$0x1] =	wrdreg $0xFFFFFFFF  }
0xc9: {  	_ =	task.clear_ibuf [dreg:s7], $0x2FFFF;
	_ =	strace $0x9FFFFFFF  }
0xca: {  	(tm) =	ssettm $0x7FFFFFFF  }
0xcb: {  	_ =	shalt  }
tec
execute0_lowered:
.L_overlay_start_1:
0x0: {  	(tag) =	ssettag $0x1  }
0x1: {  	s0 =	rddreg [dreg:$0x0]  }
0x2: {  	s1 =	rddreg [dreg:$0x1]  }
0x3: {  	s2 =	rddreg [dreg:$0x2]  }
0x4: {  	s3 =	rddreg [dreg:$0x3]  }
0x5: {  	s5 =	srdreg.scid;
	s24 =	stileid.u32;
	s4 =	simm.s32 $0x0  }
0x6: {  	s28 =	simm.s32 $0x3E00;
	s29 =	simm.s32 $0x1388;
	s30 =	simm.s32 $0x2800  }
0x7: {  	s31 =	simm.s32 $0x4000;
	s5 =	sand.u32 $0x1, s5;
	s6 =	sshll.u32 s24, $0x1  }
0x8: {  	[smem:$0x7FF] =	sst s4;
	s9 =	sadd.s32 $0x37000, s0;
	s18 =	sadd.s32 $0x43600, s0  }
0x9: {  	s19 =	smul.u32 $0x40B0, s24;
	s0 =	sadd.s32 $0x4FA00, s0;
	s6 =	sor.u32 s5, s6  }
0xa: {  	p0 =	sgt.u32 s24, $0x7;
	s24 =	simm.s32 $0x1;
	s15 =	smul.u32 $0x1388, s6  }
0xb: {  	_ =	strace $0x80000047;
	s5 =	ssub.s32 $0x2, s5;
	s7 =	smul.u32 $0x271, s6  }
0xc: {  	s8 =	sshrl.u32 s5, $0x1;
	s22 =	sshll.u32 s6, $0x6;
	s16 =	sor.u32 $0x20, s6  }
0xd: {  	s14 =	sadd.s32 $0x1590, s19;
	s6 =	sor.u32 $0x40, s6;
	s26 =	sadd.s32 $0x2B20, s19  }
0xe: {  	s5 =	ssub.s32 s5, s8;
	s11 =	sadd.s32 s1, s22;
	s12 =	smul.u32 $0x271, s16  }
0xf: {  	s13 =	sadd.s32 s14, s2;
	s14 =	sadd.s32 s14, s3;
	s16 =	sshll.u32 s16, $0x6  }
0x10: {  	s20 =	smul.u32 $0x271, s6;
	s6 =	sshll.u32 s6, $0x6;
	s10 =	sadd.s32 $0x1388, s15  }
0x11: {  	s7 =	sadd.s32 s18, s7;
	[dreg:$0x7] =	wrdreg s11;
	s23 =	sadd.s32 $0x28488, s15  }
0x12: {  	s15 =	sadd.s32 $0x4F588, s15;
	s21 =	sshrl.u32 s10, $0x3;
	[dreg:$0x6] =	wrdreg s7  }
0x13: {  	s7 =	sadd.s32 s19, s2;
	s10 =	sadd.s32 s0, s22;
	s11 =	sshrl.u32 s23, $0x3  }
0x14: {  	s12 =	sadd.s32 s18, s12;
	s17 =	sshrl.u32 s15, $0x3;
	s15 =	sadd.s32 s1, s16  }
0x15: {  	s16 =	sadd.s32 s0, s16;
	s18 =	sadd.s32 s18, s20;
	s20 =	sadd.s32 s26, s3  }
0x16: {  	s22 =	sadd.s32 s0, s6;
	s23 =	smax.u32 s5, $0x1;
	s0 =	simm.s32 $0x4200  }
0x17: {  	s8 =	sadd.s32 s9, s21;
	[dreg:$0x8] =	wrdreg s10;
	s25 =	sadd.s32 s9, s11  }
0x18: {  	s17 =	sadd.s32 s9, s17;
	s21 =	sadd.s32 s1, s6;
	[dreg:$0x5] =	wrdreg s8  }
0x19: {  	s1 =	simm.s32 $0x0;
	s8 =	sadd.s32 s19, s3;
	[dreg:$0x9] =	wrdreg s25  }
0x1a: {  	v0 =	vlaneseq.u32;
	v1 =	vimm.f32 $-Inf;
	s19 =	sadd.s32 s26, s2;
	s25 =	simm.s32 $0x1400;
	s26 =	simm.s32 $0x3C00  }
.LBB2_1:
0x1b: {  	s5 =	simm.s32 $0x2800;
	s6 =	simm.s32 $0x0  }
.LBB2_2:
0x1c: {  	p1 =	sne.s32 s6, $0x1380  }
.Ltmp0:
0x1d: {  	_ = 	snop;
	(pc) =	sbr.rel @p1 .LBB2_2-.Ltmp0, $3  }
0x1e: {  	_ =	sdelay $0x1  }
0x1f: {  	v2 =	vor.u32 s6, v0  }
0x20: {  	s6 =	sadd.s32 $0x10, s6;
	[tilespmem:s5+$0x0] =	vst v2;
	s5 =	sadd.s32 $0x10, s5  }
0x21: {  	s6 =	simm.s32 $0x1388;
	s9 =	simm.s32 $0x3C00  }
0x22: {  	s5 =	simm.s32 $0x3E00;
	[tilespmem:s9+$0x0] =	vst v1;
	v2 =	vadd.s32 s6, v0  }
0x23: {  	s6 =	simm.s32 $0x1398;
	s9 =	simm.s32 $0x3C10;
	[tilespmem:s5+$0x0] =	vst v2  }
.LBB2_4:
0x24: {  	[tilespmem:s9+$0x0] =	vst v1;
	v2 =	vadd.s32 s6, v0;
	p1 =	sne.s32 s6, $0x1578;
	s6 =	sadd.s32 $0x10, s6;
	s5 =	sadd.s32 $0x10, s5  }
.Ltmp1:
0x25: {  	[tilespmem:s5+$0x0] =	vst v2;
	(pc) =	sbr.rel @p1 .LBB2_4-.Ltmp1, $2  }
0x26: {  	_ =	sdelay $0x2  }
0x27: {  	s9 =	sadd.s32 $0x10, s9  }
0x28: {  	s5 =	rddreg [dreg:$0x5]  }
0x29: {  	[tilespmem:s4], [sflag:$0x1] =	stream.linear.gather [hbm4b:s5+s4], $0x1388, $0x38;
	[tilespmem:$0xC560] =	vst v63  }
0x2a: {  	_ =	swait.ge [sflag:s24], $0x1388  }
0x2b: {  	[sflag:s24] =	ssyncset.done $0x0  }
0x2c: {  	s6 =	rddreg [dreg:$0x6];
	[sflag:s24] =	ssyncadd.s32 $0xFFFFEC78  }
0x2d: {  	[tilespmem:s25], [sflag:$0x1] =	stream.linear.gather [hbm4b:s6+s4], $0x1388, $0x38;
	[tilespmem:$0xC560] =	vst v63  }
0x2e: {  	_ =	swait.ge [sflag:s24], $0x1388  }
0x2f: {  	[sflag:s24] =	ssyncset.done $0x0  }
0x30: {  	[sflag:s24] =	ssyncadd.s32 $0xFFFFEC78  }
0x31: {  	[spmem:s7] =	stream.linear.scatter [tilespmem:s26], [sflag:$0x1], $0x200, $0x38;
	[tilespmem:$0xC560] =	vst v63  }
0x32: {  	_ =	swait.ge [sflag:s24], $0x200  }
0x33: {  	[sflag:s24] =	ssyncset.done $0x0  }
0x34: {  	[sflag:s24] =	ssyncadd.s32 $0xFFFFFE00  }
0x35: {  	[spmem:s8] =	stream.linear.scatter [tilespmem:s28], [sflag:$0x1], $0x200, $0x38;
	[tilespmem:$0xC560] =	vst v63  }
0x36: {  	_ =	swait.ge [sflag:s24], $0x200  }
0x37: {  	[sflag:s24] =	ssyncset.done $0x0  }
0x38: {  	[sflag:s24] =	ssyncadd.s32 $0xFFFFFE00  }
0x39: {  	[spmem:s2] =	stream.indirect.scatter [tilespmem:s4], [sflag:$0x1], $0x1, s25, s29, $0xb8;
	[tilespmem:$0xC560] =	vst v63  }
0x3a: {  	_ =	swait.ge [sflag:s24], $0x1388  }
0x3b: {  	[sflag:s24] =	ssyncset.done $0x0  }
0x3c: {  	[sflag:s24] =	ssyncadd.s32 $0xFFFFEC78  }
0x3d: {  	[spmem:s3] =	stream.indirect.scatter [tilespmem:s30], [sflag:$0x1], $0x1, s25, s29, $0xb8;
	[tilespmem:$0xC560] =	vst v63  }
0x3e: {  	_ =	swait.ge [sflag:s24], $0x1388  }
0x3f: {  	[sflag:s24] =	ssyncset.done $0x0  }
0x40: {  	[sflag:s24] =	ssyncadd.s32 $0xFFFFEC78  }
0x41: {  	[tilespmem:s31], [sflag:$0x1] =	stream.linear.gather [spmem:s7], $0x200, $0x38;
	[tilespmem:$0xC560] =	vst v63  }
0x42: {  	_ =	swait.ge [sflag:s24], $0x200  }
0x43: {  	[sflag:s24] =	ssyncset.done $0x0  }
0x44: {  	s9 =	rddreg [dreg:$0x7];
	[sflag:s24] =	ssyncadd.s32 $0xFFFFFE00  }
0x45: {  	[hbm4b:s9+s4] =	stream.linear.scatter [tilespmem:s31], [sflag:$0x1], $0x200, $0x38;
	[tilespmem:$0xC560] =	vst v63  }
0x46: {  	_ =	swait.ge [sflag:s24], $0x200  }
0x47: {  	[sflag:s24] =	ssyncset.done $0x0  }
0x48: {  	[sflag:s24] =	ssyncadd.s32 $0xFFFFFE00  }
0x49: {  	[tilespmem:s0], [sflag:$0x1] =	stream.linear.gather [spmem:s8], $0x200, $0x38;
	[tilespmem:$0xC560] =	vst v63  }
0x4a: {  	_ =	swait.ge [sflag:s24], $0x200  }
0x4b: {  	[sflag:s24] =	ssyncset.done $0x0  }
0x4c: {  	s10 =	rddreg [dreg:$0x8];
	[sflag:s24] =	ssyncadd.s32 $0xFFFFFE00  }
0x4d: {  	[hbm4b:s10+s4] =	stream.linear.scatter [tilespmem:s0], [sflag:$0x1], $0x200, $0x38;
	[tilespmem:$0xC560] =	vst v63  }
0x4e: {  	_ =	swait.ge [sflag:s24], $0x200  }
0x4f: {  	[sflag:s24] =	ssyncset.done $0x0  }
0x50: {  	s11 =	rddreg [dreg:$0x9];
	[sflag:s24] =	ssyncadd.s32 $0xFFFFFE00  }
0x51: {  	[tilespmem:s4], [sflag:$0x1] =	stream.linear.gather [hbm4b:s11+s4], $0x1388, $0x38;
	[tilespmem:$0xC560] =	vst v63  }
0x52: {  	_ =	swait.ge [sflag:s24], $0x1388  }
0x53: {  	[sflag:s24] =	ssyncset.done $0x0  }
0x54: {  	[sflag:s24] =	ssyncadd.s32 $0xFFFFEC78  }
0x55: {  	[tilespmem:s25], [sflag:$0x1] =	stream.linear.gather [hbm4b:s12+s4], $0x1388, $0x38;
	[tilespmem:$0xC560] =	vst v63  }
0x56: {  	_ =	swait.ge [sflag:s24], $0x1388  }
0x57: {  	[sflag:s24] =	ssyncset.done $0x0  }
0x58: {  	[sflag:s24] =	ssyncadd.s32 $0xFFFFEC78  }
0x59: {  	[spmem:s13] =	stream.linear.scatter [tilespmem:s26], [sflag:$0x1], $0x200, $0x38;
	[tilespmem:$0xC560] =	vst v63  }
0x5a: {  	_ =	swait.ge [sflag:s24], $0x200  }
0x5b: {  	[sflag:s24] =	ssyncset.done $0x0  }
0x5c: {  	[sflag:s24] =	ssyncadd.s32 $0xFFFFFE00  }
0x5d: {  	[spmem:s14] =	stream.linear.scatter [tilespmem:s28], [sflag:$0x1], $0x200, $0x38;
	[tilespmem:$0xC560] =	vst v63  }
0x5e: {  	_ =	swait.ge [sflag:s24], $0x200  }
0x5f: {  	[sflag:s24] =	ssyncset.done $0x0  }
0x60: {  	[sflag:s24] =	ssyncadd.s32 $0xFFFFFE00  }
0x61: {  	[spmem:s2] =	stream.indirect.scatter [tilespmem:s4], [sflag:$0x1], $0x1, s25, s29, $0xb8;
	[tilespmem:$0xC560] =	vst v63  }
0x62: {  	_ =	swait.ge [sflag:s24], $0x1388  }
0x63: {  	[sflag:s24] =	ssyncset.done $0x0  }
0x64: {  	[sflag:s24] =	ssyncadd.s32 $0xFFFFEC78  }
0x65: {  	[spmem:s3] =	stream.indirect.scatter [tilespmem:s30], [sflag:$0x1], $0x1, s25, s29, $0xb8;
	[tilespmem:$0xC560] =	vst v63  }
0x66: {  	_ =	swait.ge [sflag:s24], $0x1388  }
0x67: {  	[sflag:s24] =	ssyncset.done $0x0  }
0x68: {  	[sflag:s24] =	ssyncadd.s32 $0xFFFFEC78  }
0x69: {  	[tilespmem:s31], [sflag:$0x1] =	stream.linear.gather [spmem:s13], $0x200, $0x38;
	[tilespmem:$0xC560] =	vst v63  }
0x6a: {  	_ =	swait.ge [sflag:s24], $0x200  }
0x6b: {  	[sflag:s24] =	ssyncset.done $0x0  }
0x6c: {  	[sflag:s24] =	ssyncadd.s32 $0xFFFFFE00  }
0x6d: {  	[hbm4b:s15+s4] =	stream.linear.scatter [tilespmem:s31], [sflag:$0x1], $0x200, $0x38;
	[tilespmem:$0xC560] =	vst v63  }
0x6e: {  	_ =	swait.ge [sflag:s24], $0x200  }
0x6f: {  	[sflag:s24] =	ssyncset.done $0x0  }
0x70: {  	[sflag:s24] =	ssyncadd.s32 $0xFFFFFE00  }
0x71: {  	[tilespmem:s0], [sflag:$0x1] =	stream.linear.gather [spmem:s14], $0x200, $0x38;
	[tilespmem:$0xC560] =	vst v63  }
0x72: {  	_ =	swait.ge [sflag:s24], $0x200  }
0x73: {  	[sflag:s24] =	ssyncset.done $0x0  }
0x74: {  	[sflag:s24] =	ssyncadd.s32 $0xFFFFFE00  }
0x75: {  	[hbm4b:s16+s4] =	stream.linear.scatter [tilespmem:s0], [sflag:$0x1], $0x200, $0x38;
	[tilespmem:$0xC560] =	vst v63  }
0x76: {  	_ =	swait.ge [sflag:s24], $0x200  }
0x77: {  	[sflag:s24] =	ssyncset.done $0x0  }
0x78: {  	s5 =	simm.s32 @!p0 $0x0;
	s6 =	simm.s32 @!p0 $0x1;
	[sflag:s24] =	ssyncadd.s32 $0xFFFFFE00  }
0x79: {  	[tilespmem:s5], [sflag:$0x1] =	stream.linear.gather @!p0 [hbm4b:s17+s5], $0x1388, $0x38;
	[tilespmem:$0xC560] =	vst v63  }
0x7a: {  	_ =	swait.ge @!p0 [sflag:s6], $0x1388  }
0x7b: {  	[sflag:s6] =	ssyncset.done @!p0 $0x0  }
0x7c: {  	s9 =	simm.s32 @!p0 $0x1400;
	[sflag:s6] =	ssyncadd.s32 @!p0 $0xFFFFEC78  }
0x7d: {  	[tilespmem:s9], [sflag:$0x1] =	stream.linear.gather @!p0 [hbm4b:s18+s5], $0x1388, $0x38;
	[tilespmem:$0xC560] =	vst v63  }
0x7e: {  	_ =	swait.ge @!p0 [sflag:s6], $0x1388  }
0x7f: {  	[sflag:s6] =	ssyncset.done @!p0 $0x0  }
0x80: {  	s10 =	simm.s32 @!p0 $0x3C00;
	[sflag:s6] =	ssyncadd.s32 @!p0 $0xFFFFEC78  }
0x81: {  	[spmem:s19] =	stream.linear.scatter @!p0 [tilespmem:s10], [sflag:$0x1], $0x200, $0x38;
	[tilespmem:$0xC560] =	vst v63  }
0x82: {  	_ =	swait.ge @!p0 [sflag:s6], $0x200  }
0x83: {  	[sflag:s6] =	ssyncset.done @!p0 $0x0  }
0x84: {  	s10 =	simm.s32 @!p0 $0x3E00;
	[sflag:s6] =	ssyncadd.s32 @!p0 $0xFFFFFE00  }
0x85: {  	[spmem:s20] =	stream.linear.scatter @!p0 [tilespmem:s10], [sflag:$0x1], $0x200, $0x38;
	[tilespmem:$0xC560] =	vst v63  }
0x86: {  	_ =	swait.ge @!p0 [sflag:s6], $0x200  }
0x87: {  	[sflag:s6] =	ssyncset.done @!p0 $0x0  }
0x88: {  	s10 =	simm.s32 @!p0 $0x1388;
	[sflag:s6] =	ssyncadd.s32 @!p0 $0xFFFFFE00  }
0x89: {  	[spmem:s2] =	stream.indirect.scatter @!p0 [tilespmem:s5], [sflag:$0x1], $0x1, s9, s10, $0xb8;
	[tilespmem:$0xC560] =	vst v63  }
0x8a: {  	_ =	swait.ge @!p0 [sflag:s6], $0x1388  }
0x8b: {  	[sflag:s6] =	ssyncset.done @!p0 $0x0  }
0x8c: {  	s11 =	simm.s32 @!p0 $0x2800;
	[sflag:s6] =	ssyncadd.s32 @!p0 $0xFFFFEC78  }
0x8d: {  	[spmem:s3] =	stream.indirect.scatter @!p0 [tilespmem:s11], [sflag:$0x1], $0x1, s9, s10, $0xb8;
	[tilespmem:$0xC560] =	vst v63  }
0x8e: {  	_ =	swait.ge @!p0 [sflag:s6], $0x1388  }
0x8f: {  	[sflag:s6] =	ssyncset.done @!p0 $0x0  }
0x90: {  	s9 =	simm.s32 @!p0 $0x4000;
	[sflag:s6] =	ssyncadd.s32 @!p0 $0xFFFFEC78  }
0x91: {  	[tilespmem:s9], [sflag:$0x1] =	stream.linear.gather @!p0 [spmem:s19], $0x200, $0x38;
	[tilespmem:$0xC560] =	vst v63  }
0x92: {  	_ =	swait.ge @!p0 [sflag:s6], $0x200  }
0x93: {  	[sflag:s6] =	ssyncset.done @!p0 $0x0  }
0x94: {  	[sflag:s6] =	ssyncadd.s32 @!p0 $0xFFFFFE00  }
0x95: {  	[hbm4b:s21+s5] =	stream.linear.scatter @!p0 [tilespmem:s9], [sflag:$0x1], $0x200, $0x38;
	[tilespmem:$0xC560] =	vst v63  }
0x96: {  	_ =	swait.ge @!p0 [sflag:s6], $0x200  }
0x97: {  	[sflag:s6] =	ssyncset.done @!p0 $0x0  }
0x98: {  	s9 =	simm.s32 @!p0 $0x4200;
	[sflag:s6] =	ssyncadd.s32 @!p0 $0xFFFFFE00  }
0x99: {  	[tilespmem:s9], [sflag:$0x1] =	stream.linear.gather @!p0 [spmem:s20], $0x200, $0x38;
	[tilespmem:$0xC560] =	vst v63  }
0x9a: {  	s1 =	sadd.s32 $0x1, s1;
	_ =	swait.ge @!p0 [sflag:s6], $0x200  }
0x9b: {  	p1 =	sne.s32 s1, s23;
	[sflag:s6] =	ssyncset.done @!p0 $0x0  }
.Ltmp2:
0x9c: {  	[sflag:s6] =	ssyncadd.s32 @!p0 $0xFFFFFE00;
	(pc) =	sbr.rel @p1 .LBB2_1-.Ltmp2, $4  }
0x9d: {  	[hbm4b:s22+s5] =	stream.linear.scatter @!p0 [tilespmem:s9], [sflag:$0x1], $0x200, $0x38;
	[tilespmem:$0xC560] =	vst v63  }
0x9e: {  	_ =	swait.ge @!p0 [sflag:s6], $0x200  }
0x9f: {  	[sflag:s6] =	ssyncset.done @!p0 $0x0  }
0xa0: {  	[sflag:s6] =	ssyncadd.s32 @!p0 $0xFFFFFE00  }
0xa1: {  	_ =	sfence.sel $0x180000  }
0xa2: {  	[bflag:$0x0] =	sbarrier.arrive $0xFFFF  }
0xa3: {  	_ =	strace $0x90000047  }
0xa4: {  	s0 =	stileid.u32;
	[bflag:$0x2] =	sbarrier.arrive $0xFFFF  }
0xa5: {  	p0 =	sne.s32 s0, $0x0;
	s0 =	rddreg [dreg:$0x4]  }
0xa6: {  	s0 =	sadd.s32 @!p0 $0x100000, s0  }
0xa7: {  	[sflag:s0] =	ssyncadd.tile.s32 @!p0 $0x1;
	_ =	shalt  }
.Lfunc_end2:
_tile_overlayer_lowered:
.L_overlay_start_2:
0xa8: {  	(tag) =	ssettag $0x2  }
0xa9: {  	s0 =	rddreg [dreg:$0x0];
	s2 =	stileid.u32  }
0xaa: {  	s1 =	rddreg [dreg:$0x1];
	p0 =	sne.s32 s2, $0x0  }
0xab: {  	s3 =	rddreg [dreg:$0x2];
	[bflag:$0x3] =	sbarrier.arrive $0xFFFF;
	s2 =	simm.s32 @!p0 $0x1C01  }
0xac: {  	[timem:s3], [sflag:s2] =	dma.local @!p0 [hbm:s0], s1  }
0xad: {  	s0 =	simm.s32 @!p0 $0x1  }
0xae: {  	_ =	swait.ge @!p0 [sflag:s0], s1  }
0xaf: {  	s1 =	ssub.s32 @!p0 $0x0, s1;
	[sflag:s0] =	ssyncset.done @!p0 $0x0  }
0xb0: {  	[sflag:s0] =	ssyncadd.s32 @!p0 s1  }
0xb1: {  	[bflag:$0x3] =	sbarrier.arrive $0xFFFF  }
0xb2: {  	_ =	shalt  }

</sc_bundles>
